<compile_context>
chip_gen: v7x
topology: tpu7x:2x2x1
jax: 0.10.2.dev20260603
libtpu: 0.0.44.dev20260713+nightly
codegen_flags: <defaults>
</compile_context>

<pallas_src>
import functools

import jax
import jax.numpy as jnp
from jax import lax
from jax.experimental import pallas as pl
from jax.experimental.pallas import tpu as pltpu
from jax.experimental.pallas import tpu_sc as plsc

_NC = 2
_NS = 16
_NW = _NC * _NS

_T = 64
_REP = 16


def _make_kernel(n_tokens, d_byte, d_cmb, d_out):
    per_w = n_tokens // _NW
    nch = per_w // _T
    mesh = plsc.VectorSubcoreMesh(
        core_axis_name="c", subcore_axis_name="s", num_cores=_NC, num_subcores=_NS
    )

    @functools.partial(
        pl.kernel,
        out_type=jax.ShapeDtypeStruct((n_tokens, d_out), jnp.float32),
        mesh=mesh,
        scratch_types=[
            pltpu.VMEM((nch, _T), jnp.int32),
            pltpu.VMEM((nch, _T), jnp.int32),
            [pltpu.VMEM((_T, d_out), jnp.float32) for _ in range(3)],
            [pltpu.SemaphoreType.DMA for _ in range(3)],
            [pltpu.SemaphoreType.DMA for _ in range(3)],
        ],
    )
    def k(ids_h, cidx_h, byte_h, cmb_h, out_h, idxa, idxb, buf, gsem, wsem):
        wid = lax.axis_index("s") * _NC + lax.axis_index("c")
        rbase = wid * nch
        pltpu.sync_copy(ids_h.at[pl.ds(rbase, nch)], idxa)
        pltpu.sync_copy(cidx_h.at[pl.ds(rbase, nch)], idxb)

        def gathers(c, s):
            return (
                pltpu.async_copy(
                    byte_h.at[idxa.at[c]], buf[s].at[:, pl.ds(0, d_byte)], gsem[s]
                ),
                pltpu.async_copy(
                    cmb_h.at[idxb.at[c]], buf[s].at[:, pl.ds(d_byte, d_cmb)], gsem[s]
                ),
            )

        def writes(c, s):
            tok = wid * per_w + c * _T
            return (pltpu.async_copy(buf[s], out_h.at[pl.ds(tok, _T)], wsem[s]),)

        nbuf = 3
        gd = [None] * nbuf
        wd = [None] * nbuf
        gd[0] = gathers(0, 0)
        if nch > 1:
            gd[1] = gathers(1, 1)
        for c in range(nch):
            s = c % nbuf
            if c + 2 < nch:
                ns = (c + 2) % nbuf
                if wd[ns] is not None:
                    for d in wd[ns]:
                        d.wait()
                gd[ns] = gathers(c + 2, ns)
            for d in gd[s]:
                d.wait()
            wd[s] = writes(c, s)
        for ds in wd:
            if ds is not None:
                for d in ds:
                    d.wait()

    return k


def kernel(input_ids, families, micro_refs, byte_table, family_table, micro_table):
    b, s = input_ids.shape
    n = b * s
    d_byte = byte_table.shape[1]
    d_fam = family_table.shape[1]
    d_mic = micro_table.shape[1]
    d_cmb = d_fam + d_mic
    nb = byte_table.shape[0]
    nm = micro_table.shape[0]
    ncmb = family_table.shape[0] * nm

    cmb = jnp.concatenate(
        [
            jnp.repeat(family_table, nm, axis=0),
            jnp.tile(micro_table, (family_table.shape[0], 1)),
        ],
        axis=1,
    )
    byte_rep = jnp.tile(byte_table, (_REP, 1))
    cmb_rep = jnp.tile(cmb, (_REP, 1))

    pos = jnp.arange(n, dtype=jnp.int32)
    ids_r = input_ids.astype(jnp.int32).reshape(n) + (pos % _REP) * nb
    cidx = (
        families.astype(jnp.int32).reshape(n) * nm
        + micro_refs.astype(jnp.int32).reshape(n)
        + (pos % _REP) * ncmb
    )
    ids2 = ids_r.reshape(n // _T, _T)
    cidx2 = cidx.reshape(n // _T, _T)

    k = _make_kernel(n, d_byte, d_cmb, d_byte + d_cmb)
    out = k(ids2, cidx2, byte_rep, cmb_rep)
    return out.reshape(b, s, d_byte + d_cmb)

# --- scband reference (transcript-rebuilt; emitter-appended) ---
"""Pipeline reference for scband-byte-layer1-1314259993043 (READ-ONLY COPY).

The authoritative reference and input builder live on the scoring server;
editing this copy changes nothing except your own understanding.
"""

import jax, jax.numpy as jnp
import numpy as np

DIM = 512

def setup_inputs(seed: int = 0) -> dict:
    key = jax.random.key(seed)
    k1, k2, k3, k4, k5, k6 = jax.random.split(key, 6)
    input_ids = jax.random.randint(k1, (4, 8192), 0, 256, dtype=jnp.int64 if jax.config.jax_enable_x64 else jnp.int32)
    families = jax.random.randint(k2, (4, 8192), 0, 4, dtype=jnp.int32)
    micro_refs = jax.random.randint(k3, (4, 8192), 0, 64, dtype=jnp.int32)
    byte_table = jax.random.normal(k4, (256, DIM // 2), dtype=jnp.float32)
    family_table = jax.random.normal(k5, (4, DIM // 4), dtype=jnp.float32)
    micro_table = jax.random.normal(k6, (64, DIM // 4), dtype=jnp.float32)
    return {
        "input_ids": input_ids,
        "families": families,
        "micro_refs": micro_refs,
        "byte_table": byte_table,
        "family_table": family_table,
        "micro_table": micro_table,
    }

def reference(input_ids, families, micro_refs, byte_table, family_table, micro_table):
    a = jnp.take(byte_table, jnp.clip(input_ids, 0, 255), axis=0)
    b = jnp.take(family_table, jnp.clip(families, 0, 3), axis=0)
    c = jnp.take(micro_table, jnp.clip(micro_refs, 0, 63), axis=0)
    return jnp.concatenate([a, b, c], axis=-1)

if __name__ == "__main__":
    import jax
    _d = setup_inputs()
    print(jax.jit(kernel)(*tuple(_d.values())))

</pallas_src>

<mosaic_0001>
#map = affine_map<(d0, d1) -> (0, 0)>
module attributes {stable_mosaic.version = 14 : i64} {
  func.func @k(%arg0: i32, %arg1: i32, %arg2: memref<512x64xi32, #tpu.memory_space<hbm>>, %arg3: memref<512x64xi32, #tpu.memory_space<hbm>>, %arg4: memref<4096x256xf32, #tpu.memory_space<hbm>>, %arg5: memref<4096x256xf32, #tpu.memory_space<hbm>>, %arg6: memref<32768x512xf32, #tpu.memory_space<hbm>>, %arg7: memref<16x64xi32, #tpu.memory_space<vmem>>, %arg8: memref<16x64xi32, #tpu.memory_space<vmem>>, %arg9: memref<64x512xf32, #tpu.memory_space<vmem>>, %arg10: memref<64x512xf32, #tpu.memory_space<vmem>>, %arg11: memref<64x512xf32, #tpu.memory_space<vmem>>, %arg12: memref<!tpu.dma_semaphore, #tpu.memory_space<semaphore_mem>>, %arg13: memref<!tpu.dma_semaphore, #tpu.memory_space<semaphore_mem>>, %arg14: memref<!tpu.dma_semaphore, #tpu.memory_space<semaphore_mem>>, %arg15: memref<!tpu.dma_semaphore, #tpu.memory_space<semaphore_mem>>, %arg16: memref<!tpu.dma_semaphore, #tpu.memory_space<semaphore_mem>>, %arg17: memref<!tpu.dma_semaphore, #tpu.memory_space<semaphore_mem>>) attributes {dimension_semantics = [#tpu.dimension_semantics<core_parallel>, #tpu.dimension_semantics<subcore_parallel>], iteration_bounds = array<i64: 2, 16>, scalar_prefetch = 0 : i64, scratch_operands = 11 : i64, tpu.core_type = #tpu.core_type<sc_vector_subcore>, window_params = [{transform_indices = #map}, {transform_indices = #map}, {transform_indices = #map}, {transform_indices = #map}, {transform_indices = #map}]} {
    %mul3A = arith.constant 2 : i32
    %mul3A_0 = arith.muli %arg1, %mul3A : i32
    %add3A = arith.addi %mul3A_0, %arg0 : i32
    %mul3A_1 = arith.constant 16 : i32
    %mul3A_2 = arith.muli %add3A, %mul3A_1 : i32
    "tpu.region"() ({
      %run_scoped3A = tpu.sem_alloc : memref<!tpu.dma_semaphore, #tpu.memory_space<semaphore_mem>>
      %dma_start3A_833 = arith.constant 0 : i32
      %dma_start3A_834 = tpu.memref_slice %arg2[%mul3A_2, %dma_start3A_833] : memref<512x64xi32, #tpu.memory_space<hbm>> -> memref<16x64xi32, #tpu.memory_space<hbm>>
      %dma_start3A_835 = arith.constant 0 : i32
      %dma_start3A_836 = tpu.memref_slice %arg2[%mul3A_2, %dma_start3A_835] : memref<512x64xi32, #tpu.memory_space<hbm>> -> memref<16x64xi32, #tpu.memory_space<hbm>>
      tpu.enqueue_dma source(%dma_start3A_836 : memref<16x64xi32, #tpu.memory_space<hbm>>) target(%arg7 : memref<16x64xi32, #tpu.memory_space<vmem>>) target_semaphore(%run_scoped3A : memref<!tpu.dma_semaphore, #tpu.memory_space<semaphore_mem>>)
      %dma_wait3A_837 = arith.constant 0 : i32
      %dma_wait3A_838 = tpu.memref_slice %arg2[%mul3A_2, %dma_wait3A_837] : memref<512x64xi32, #tpu.memory_space<hbm>> -> memref<16x64xi32, #tpu.memory_space<hbm>>
      %dma_wait3A_839 = arith.constant 0 : i32
      %dma_wait3A_840 = tpu.memref_slice %arg2[%mul3A_2, %dma_wait3A_839] : memref<512x64xi32, #tpu.memory_space<hbm>> -> memref<16x64xi32, #tpu.memory_space<hbm>>
      tpu.wait_dma2 semaphore(%run_scoped3A : memref<!tpu.dma_semaphore, #tpu.memory_space<semaphore_mem>>) src(%dma_wait3A_840 : memref<16x64xi32, #tpu.memory_space<hbm>>) dst(%arg7 : memref<16x64xi32, #tpu.memory_space<vmem>>)
      tpu.yield
    }) : () -> ()
    "tpu.region"() ({
      %run_scoped3A = tpu.sem_alloc : memref<!tpu.dma_semaphore, #tpu.memory_space<semaphore_mem>>
      %dma_start3A_833 = arith.constant 0 : i32
      %dma_start3A_834 = tpu.memref_slice %arg3[%mul3A_2, %dma_start3A_833] : memref<512x64xi32, #tpu.memory_space<hbm>> -> memref<16x64xi32, #tpu.memory_space<hbm>>
      %dma_start3A_835 = arith.constant 0 : i32
      %dma_start3A_836 = tpu.memref_slice %arg3[%mul3A_2, %dma_start3A_835] : memref<512x64xi32, #tpu.memory_space<hbm>> -> memref<16x64xi32, #tpu.memory_space<hbm>>
      tpu.enqueue_dma source(%dma_start3A_836 : memref<16x64xi32, #tpu.memory_space<hbm>>) target(%arg8 : memref<16x64xi32, #tpu.memory_space<vmem>>) target_semaphore(%run_scoped3A : memref<!tpu.dma_semaphore, #tpu.memory_space<semaphore_mem>>)
      %dma_wait3A_837 = arith.constant 0 : i32
      %dma_wait3A_838 = tpu.memref_slice %arg3[%mul3A_2, %dma_wait3A_837] : memref<512x64xi32, #tpu.memory_space<hbm>> -> memref<16x64xi32, #tpu.memory_space<hbm>>
      %dma_wait3A_839 = arith.constant 0 : i32
      %dma_wait3A_840 = tpu.memref_slice %arg3[%mul3A_2, %dma_wait3A_839] : memref<512x64xi32, #tpu.memory_space<hbm>> -> memref<16x64xi32, #tpu.memory_space<hbm>>
      tpu.wait_dma2 semaphore(%run_scoped3A : memref<!tpu.dma_semaphore, #tpu.memory_space<semaphore_mem>>) src(%dma_wait3A_840 : memref<16x64xi32, #tpu.memory_space<hbm>>) dst(%arg8 : memref<16x64xi32, #tpu.memory_space<vmem>>)
      tpu.yield
    }) : () -> ()
    %dma_start3A = arith.constant 0 : i32
    %dma_start3A_3 = arith.constant 0 : i32
    %dma_start3A_4 = arith.constant 0 : i32
    %dma_start3A_5 = tpu.memref_slice %arg9[%dma_start3A_3, %dma_start3A_4] : memref<64x512xf32, #tpu.memory_space<vmem>> -> memref<64x256xf32, #tpu.memory_space<vmem>>
    %dma_start3A_6 = arith.constant 0 : i32
    %dma_start3A_7 = tpu.memref_slice %arg7[%dma_start3A, %dma_start3A_6] : memref<16x64xi32, #tpu.memory_space<vmem>> -> memref<1x64xi32, #tpu.memory_space<vmem>>
    %dma_start3A_8 = tpu.memref_squeeze %dma_start3A_7 : memref<1x64xi32, #tpu.memory_space<vmem>> -> memref<64xi32, #tpu.memory_space<vmem>>
    %dma_start3A_9 = arith.constant 0 : i32
    %dma_start3A_10 = arith.constant 0 : i32
    %dma_start3A_11 = tpu.memref_slice %arg4[%dma_start3A_9, %dma_start3A_10] : memref<4096x256xf32, #tpu.memory_space<hbm>> -> memref<4096x256xf32, #tpu.memory_space<hbm>>
    tpu.enqueue_indirect_dma source(%dma_start3A_11 : memref<4096x256xf32, #tpu.memory_space<hbm>>) target(%dma_start3A_5 : memref<64x256xf32, #tpu.memory_space<vmem>>) offsets(%dma_start3A_8 : memref<64xi32, #tpu.memory_space<vmem>>) semaphore(%arg12 : memref<!tpu.dma_semaphore, #tpu.memory_space<semaphore_mem>>)
    %dma_start3A_12 = arith.constant 0 : i32
    %dma_start3A_13 = arith.constant 0 : i32
    %dma_start3A_14 = arith.constant 256 : i32
    %dma_start3A_15 = tpu.memref_slice %arg9[%dma_start3A_13, %dma_start3A_14] : memref<64x512xf32, #tpu.memory_space<vmem>> -> memref<64x256xf32, #tpu.memory_space<vmem>>
    %dma_start3A_16 = arith.constant 0 : i32
    %dma_start3A_17 = tpu.memref_slice %arg8[%dma_start3A_12, %dma_start3A_16] : memref<16x64xi32, #tpu.memory_space<vmem>> -> memref<1x64xi32, #tpu.memory_space<vmem>>
    %dma_start3A_18 = tpu.memref_squeeze %dma_start3A_17 : memref<1x64xi32, #tpu.memory_space<vmem>> -> memref<64xi32, #tpu.memory_space<vmem>>
    %dma_start3A_19 = arith.constant 0 : i32
    %dma_start3A_20 = arith.constant 0 : i32
    %dma_start3A_21 = tpu.memref_slice %arg5[%dma_start3A_19, %dma_start3A_20] : memref<4096x256xf32, #tpu.memory_space<hbm>> -> memref<4096x256xf32, #tpu.memory_space<hbm>>
    tpu.enqueue_indirect_dma source(%dma_start3A_21 : memref<4096x256xf32, #tpu.memory_space<hbm>>) target(%dma_start3A_15 : memref<64x256xf32, #tpu.memory_space<vmem>>) offsets(%dma_start3A_18 : memref<64xi32, #tpu.memory_space<vmem>>) semaphore(%arg12 : memref<!tpu.dma_semaphore, #tpu.memory_space<semaphore_mem>>)
    %dma_start3A_22 = arith.constant 1 : i32
    %dma_start3A_23 = arith.constant 0 : i32
    %dma_start3A_24 = arith.constant 0 : i32
    %dma_start3A_25 = tpu.memref_slice %arg10[%dma_start3A_23, %dma_start3A_24] : memref<64x512xf32, #tpu.memory_space<vmem>> -> memref<64x256xf32, #tpu.memory_space<vmem>>
    %dma_start3A_26 = arith.constant 0 : i32
    %dma_start3A_27 = tpu.memref_slice %arg7[%dma_start3A_22, %dma_start3A_26] : memref<16x64xi32, #tpu.memory_space<vmem>> -> memref<1x64xi32, #tpu.memory_space<vmem>>
    %dma_start3A_28 = tpu.memref_squeeze %dma_start3A_27 : memref<1x64xi32, #tpu.memory_space<vmem>> -> memref<64xi32, #tpu.memory_space<vmem>>
    %dma_start3A_29 = arith.constant 0 : i32
    %dma_start3A_30 = arith.constant 0 : i32
    %dma_start3A_31 = tpu.memref_slice %arg4[%dma_start3A_29, %dma_start3A_30] : memref<4096x256xf32, #tpu.memory_space<hbm>> -> memref<4096x256xf32, #tpu.memory_space<hbm>>
    tpu.enqueue_indirect_dma source(%dma_start3A_31 : memref<4096x256xf32, #tpu.memory_space<hbm>>) target(%dma_start3A_25 : memref<64x256xf32, #tpu.memory_space<vmem>>) offsets(%dma_start3A_28 : memref<64xi32, #tpu.memory_space<vmem>>) semaphore(%arg13 : memref<!tpu.dma_semaphore, #tpu.memory_space<semaphore_mem>>)
    %dma_start3A_32 = arith.constant 1 : i32
    %dma_start3A_33 = arith.constant 0 : i32
    %dma_start3A_34 = arith.constant 256 : i32
    %dma_start3A_35 = tpu.memref_slice %arg10[%dma_start3A_33, %dma_start3A_34] : memref<64x512xf32, #tpu.memory_space<vmem>> -> memref<64x256xf32, #tpu.memory_space<vmem>>
    %dma_start3A_36 = arith.constant 0 : i32
    %dma_start3A_37 = tpu.memref_slice %arg8[%dma_start3A_32, %dma_start3A_36] : memref<16x64xi32, #tpu.memory_space<vmem>> -> memref<1x64xi32, #tpu.memory_space<vmem>>
    %dma_start3A_38 = tpu.memref_squeeze %dma_start3A_37 : memref<1x64xi32, #tpu.memory_space<vmem>> -> memref<64xi32, #tpu.memory_space<vmem>>
    %dma_start3A_39 = arith.constant 0 : i32
    %dma_start3A_40 = arith.constant 0 : i32
    %dma_start3A_41 = tpu.memref_slice %arg5[%dma_start3A_39, %dma_start3A_40] : memref<4096x256xf32, #tpu.memory_space<hbm>> -> memref<4096x256xf32, #tpu.memory_space<hbm>>
    tpu.enqueue_indirect_dma source(%dma_start3A_41 : memref<4096x256xf32, #tpu.memory_space<hbm>>) target(%dma_start3A_35 : memref<64x256xf32, #tpu.memory_space<vmem>>) offsets(%dma_start3A_38 : memref<64xi32, #tpu.memory_space<vmem>>) semaphore(%arg13 : memref<!tpu.dma_semaphore, #tpu.memory_space<semaphore_mem>>)
    %dma_start3A_42 = arith.constant 2 : i32
    %dma_start3A_43 = arith.constant 0 : i32
    %dma_start3A_44 = arith.constant 0 : i32
    %dma_start3A_45 = tpu.memref_slice %arg11[%dma_start3A_43, %dma_start3A_44] : memref<64x512xf32, #tpu.memory_space<vmem>> -> memref<64x256xf32, #tpu.memory_space<vmem>>
    %dma_start3A_46 = arith.constant 0 : i32
    %dma_start3A_47 = tpu.memref_slice %arg7[%dma_start3A_42, %dma_start3A_46] : memref<16x64xi32, #tpu.memory_space<vmem>> -> memref<1x64xi32, #tpu.memory_space<vmem>>
    %dma_start3A_48 = tpu.memref_squeeze %dma_start3A_47 : memref<1x64xi32, #tpu.memory_space<vmem>> -> memref<64xi32, #tpu.memory_space<vmem>>
    %dma_start3A_49 = arith.constant 0 : i32
    %dma_start3A_50 = arith.constant 0 : i32
    %dma_start3A_51 = tpu.memref_slice %arg4[%dma_start3A_49, %dma_start3A_50] : memref<4096x256xf32, #tpu.memory_space<hbm>> -> memref<4096x256xf32, #tpu.memory_space<hbm>>
    tpu.enqueue_indirect_dma source(%dma_start3A_51 : memref<4096x256xf32, #tpu.memory_space<hbm>>) target(%dma_start3A_45 : memref<64x256xf32, #tpu.memory_space<vmem>>) offsets(%dma_start3A_48 : memref<64xi32, #tpu.memory_space<vmem>>) semaphore(%arg14 : memref<!tpu.dma_semaphore, #tpu.memory_space<semaphore_mem>>)
    %dma_start3A_52 = arith.constant 2 : i32
    %dma_start3A_53 = arith.constant 0 : i32
    %dma_start3A_54 = arith.constant 256 : i32
    %dma_start3A_55 = tpu.memref_slice %arg11[%dma_start3A_53, %dma_start3A_54] : memref<64x512xf32, #tpu.memory_space<vmem>> -> memref<64x256xf32, #tpu.memory_space<vmem>>
    %dma_start3A_56 = arith.constant 0 : i32
    %dma_start3A_57 = tpu.memref_slice %arg8[%dma_start3A_52, %dma_start3A_56] : memref<16x64xi32, #tpu.memory_space<vmem>> -> memref<1x64xi32, #tpu.memory_space<vmem>>
    %dma_start3A_58 = tpu.memref_squeeze %dma_start3A_57 : memref<1x64xi32, #tpu.memory_space<vmem>> -> memref<64xi32, #tpu.memory_space<vmem>>
    %dma_start3A_59 = arith.constant 0 : i32
    %dma_start3A_60 = arith.constant 0 : i32
    %dma_start3A_61 = tpu.memref_slice %arg5[%dma_start3A_59, %dma_start3A_60] : memref<4096x256xf32, #tpu.memory_space<hbm>> -> memref<4096x256xf32, #tpu.memory_space<hbm>>
    tpu.enqueue_indirect_dma source(%dma_start3A_61 : memref<4096x256xf32, #tpu.memory_space<hbm>>) target(%dma_start3A_55 : memref<64x256xf32, #tpu.memory_space<vmem>>) offsets(%dma_start3A_58 : memref<64xi32, #tpu.memory_space<vmem>>) semaphore(%arg14 : memref<!tpu.dma_semaphore, #tpu.memory_space<semaphore_mem>>)
    %dma_wait3A = arith.constant 0 : i32
    %dma_wait3A_62 = arith.constant 0 : i32
    %dma_wait3A_63 = arith.constant 0 : i32
    %dma_wait3A_64 = tpu.memref_slice %arg9[%dma_wait3A_62, %dma_wait3A_63] : memref<64x512xf32, #tpu.memory_space<vmem>> -> memref<64x256xf32, #tpu.memory_space<vmem>>
    %dma_wait3A_65 = arith.constant 0 : i32
    %dma_wait3A_66 = tpu.memref_slice %arg7[%dma_wait3A, %dma_wait3A_65] : memref<16x64xi32, #tpu.memory_space<vmem>> -> memref<1x64xi32, #tpu.memory_space<vmem>>
    %dma_wait3A_67 = tpu.memref_squeeze %dma_wait3A_66 : memref<1x64xi32, #tpu.memory_space<vmem>> -> memref<64xi32, #tpu.memory_space<vmem>>
    %dma_wait3A_68 = arith.constant 0 : i32
    %dma_wait3A_69 = arith.constant 0 : i32
    %dma_wait3A_70 = tpu.memref_slice %arg4[%dma_wait3A_68, %dma_wait3A_69] : memref<4096x256xf32, #tpu.memory_space<hbm>> -> memref<4096x256xf32, #tpu.memory_space<hbm>>
    tpu.wait_indirect_dma semaphore(%arg12 : memref<!tpu.dma_semaphore, #tpu.memory_space<semaphore_mem>>) src(%dma_wait3A_70 : memref<4096x256xf32, #tpu.memory_space<hbm>>) dst(%dma_wait3A_64 : memref<64x256xf32, #tpu.memory_space<vmem>>)
    %dma_wait3A_71 = arith.constant 0 : i32
    %dma_wait3A_72 = arith.constant 0 : i32
    %dma_wait3A_73 = arith.constant 256 : i32
    %dma_wait3A_74 = tpu.memref_slice %arg9[%dma_wait3A_72, %dma_wait3A_73] : memref<64x512xf32, #tpu.memory_space<vmem>> -> memref<64x256xf32, #tpu.memory_space<vmem>>
    %dma_wait3A_75 = arith.constant 0 : i32
    %dma_wait3A_76 = tpu.memref_slice %arg8[%dma_wait3A_71, %dma_wait3A_75] : memref<16x64xi32, #tpu.memory_space<vmem>> -> memref<1x64xi32, #tpu.memory_space<vmem>>
    %dma_wait3A_77 = tpu.memref_squeeze %dma_wait3A_76 : memref<1x64xi32, #tpu.memory_space<vmem>> -> memref<64xi32, #tpu.memory_space<vmem>>
    %dma_wait3A_78 = arith.constant 0 : i32
    %dma_wait3A_79 = arith.constant 0 : i32
    %dma_wait3A_80 = tpu.memref_slice %arg5[%dma_wait3A_78, %dma_wait3A_79] : memref<4096x256xf32, #tpu.memory_space<hbm>> -> memref<4096x256xf32, #tpu.memory_space<hbm>>
    tpu.wait_indirect_dma semaphore(%arg12 : memref<!tpu.dma_semaphore, #tpu.memory_space<semaphore_mem>>) src(%dma_wait3A_80 : memref<4096x256xf32, #tpu.memory_space<hbm>>) dst(%dma_wait3A_74 : memref<64x256xf32, #tpu.memory_space<vmem>>)
    %mul3A_81 = arith.constant 1024 : i32
    %mul3A_82 = arith.muli %add3A, %mul3A_81 : i32
    %add3A_83 = arith.constant 0 : i32
    %add3A_84 = arith.addi %mul3A_82, %add3A_83 : i32
    %dma_start3A_85 = arith.constant 0 : i32
    %dma_start3A_86 = tpu.memref_slice %arg6[%add3A_84, %dma_start3A_85] : memref<32768x512xf32, #tpu.memory_space<hbm>> -> memref<64x512xf32, #tpu.memory_space<hbm>>
    %dma_start3A_87 = arith.constant 0 : i32
    %dma_start3A_88 = tpu.memref_slice %arg6[%add3A_84, %dma_start3A_87] : memref<32768x512xf32, #tpu.memory_space<hbm>> -> memref<64x512xf32, #tpu.memory_space<hbm>>
    tpu.enqueue_dma source(%arg9 : memref<64x512xf32, #tpu.memory_space<vmem>>) target(%dma_start3A_88 : memref<64x512xf32, #tpu.memory_space<hbm>>) target_semaphore(%arg15 : memref<!tpu.dma_semaphore, #tpu.memory_space<semaphore_mem>>)
    %dma_wait3A_89 = arith.constant 0 : i32
    %dma_wait3A_90 = tpu.memref_slice %arg6[%add3A_84, %dma_wait3A_89] : memref<32768x512xf32, #tpu.memory_space<hbm>> -> memref<64x512xf32, #tpu.memory_space<hbm>>
    %dma_wait3A_91 = arith.constant 0 : i32
    %dma_wait3A_92 = tpu.memref_slice %arg6[%add3A_84, %dma_wait3A_91] : memref<32768x512xf32, #tpu.memory_space<hbm>> -> memref<64x512xf32, #tpu.memory_space<hbm>>
    tpu.wait_dma2 semaphore(%arg15 : memref<!tpu.dma_semaphore, #tpu.memory_space<semaphore_mem>>) src(%arg9 : memref<64x512xf32, #tpu.memory_space<vmem>>) dst(%dma_wait3A_92 : memref<64x512xf32, #tpu.memory_space<hbm>>)
    %dma_start3A_93 = arith.constant 3 : i32
    %dma_start3A_94 = arith.constant 0 : i32
    %dma_start3A_95 = arith.constant 0 : i32
    %dma_start3A_96 = tpu.memref_slice %arg9[%dma_start3A_94, %dma_start3A_95] : memref<64x512xf32, #tpu.memory_space<vmem>> -> memref<64x256xf32, #tpu.memory_space<vmem>>
    %dma_start3A_97 = arith.constant 0 : i32
    %dma_start3A_98 = tpu.memref_slice %arg7[%dma_start3A_93, %dma_start3A_97] : memref<16x64xi32, #tpu.memory_space<vmem>> -> memref<1x64xi32, #tpu.memory_space<vmem>>
    %dma_start3A_99 = tpu.memref_squeeze %dma_start3A_98 : memref<1x64xi32, #tpu.memory_space<vmem>> -> memref<64xi32, #tpu.memory_space<vmem>>
    %dma_start3A_100 = arith.constant 0 : i32
    %dma_start3A_101 = arith.constant 0 : i32
    %dma_start3A_102 = tpu.memref_slice %arg4[%dma_start3A_100, %dma_start3A_101] : memref<4096x256xf32, #tpu.memory_space<hbm>> -> memref<4096x256xf32, #tpu.memory_space<hbm>>
    tpu.enqueue_indirect_dma source(%dma_start3A_102 : memref<4096x256xf32, #tpu.memory_space<hbm>>) target(%dma_start3A_96 : memref<64x256xf32, #tpu.memory_space<vmem>>) offsets(%dma_start3A_99 : memref<64xi32, #tpu.memory_space<vmem>>) semaphore(%arg12 : memref<!tpu.dma_semaphore, #tpu.memory_space<semaphore_mem>>)
    %dma_start3A_103 = arith.constant 3 : i32
    %dma_start3A_104 = arith.constant 0 : i32
    %dma_start3A_105 = arith.constant 256 : i32
    %dma_start3A_106 = tpu.memref_slice %arg9[%dma_start3A_104, %dma_start3A_105] : memref<64x512xf32, #tpu.memory_space<vmem>> -> memref<64x256xf32, #tpu.memory_space<vmem>>
    %dma_start3A_107 = arith.constant 0 : i32
    %dma_start3A_108 = tpu.memref_slice %arg8[%dma_start3A_103, %dma_start3A_107] : memref<16x64xi32, #tpu.memory_space<vmem>> -> memref<1x64xi32, #tpu.memory_space<vmem>>
    %dma_start3A_109 = tpu.memref_squeeze %dma_start3A_108 : memref<1x64xi32, #tpu.memory_space<vmem>> -> memref<64xi32, #tpu.memory_space<vmem>>
    %dma_start3A_110 = arith.constant 0 : i32
    %dma_start3A_111 = arith.constant 0 : i32
    %dma_start3A_112 = tpu.memref_slice %arg5[%dma_start3A_110, %dma_start3A_111] : memref<4096x256xf32, #tpu.memory_space<hbm>> -> memref<4096x256xf32, #tpu.memory_space<hbm>>
    tpu.enqueue_indirect_dma source(%dma_start3A_112 : memref<4096x256xf32, #tpu.memory_space<hbm>>) target(%dma_start3A_106 : memref<64x256xf32, #tpu.memory_space<vmem>>) offsets(%dma_start3A_109 : memref<64xi32, #tpu.memory_space<vmem>>) semaphore(%arg12 : memref<!tpu.dma_semaphore, #tpu.memory_space<semaphore_mem>>)
    %dma_wait3A_113 = arith.constant 1 : i32
    %dma_wait3A_114 = arith.constant 0 : i32
    %dma_wait3A_115 = arith.constant 0 : i32
    %dma_wait3A_116 = tpu.memref_slice %arg10[%dma_wait3A_114, %dma_wait3A_115] : memref<64x512xf32, #tpu.memory_space<vmem>> -> memref<64x256xf32, #tpu.memory_space<vmem>>
    %dma_wait3A_117 = arith.constant 0 : i32
    %dma_wait3A_118 = tpu.memref_slice %arg7[%dma_wait3A_113, %dma_wait3A_117] : memref<16x64xi32, #tpu.memory_space<vmem>> -> memref<1x64xi32, #tpu.memory_space<vmem>>
    %dma_wait3A_119 = tpu.memref_squeeze %dma_wait3A_118 : memref<1x64xi32, #tpu.memory_space<vmem>> -> memref<64xi32, #tpu.memory_space<vmem>>
    %dma_wait3A_120 = arith.constant 0 : i32
    %dma_wait3A_121 = arith.constant 0 : i32
    %dma_wait3A_122 = tpu.memref_slice %arg4[%dma_wait3A_120, %dma_wait3A_121] : memref<4096x256xf32, #tpu.memory_space<hbm>> -> memref<4096x256xf32, #tpu.memory_space<hbm>>
    tpu.wait_indirect_dma semaphore(%arg13 : memref<!tpu.dma_semaphore, #tpu.memory_space<semaphore_mem>>) src(%dma_wait3A_122 : memref<4096x256xf32, #tpu.memory_space<hbm>>) dst(%dma_wait3A_116 : memref<64x256xf32, #tpu.memory_space<vmem>>)
    %dma_wait3A_123 = arith.constant 1 : i32
    %dma_wait3A_124 = arith.constant 0 : i32
    %dma_wait3A_125 = arith.constant 256 : i32
    %dma_wait3A_126 = tpu.memref_slice %arg10[%dma_wait3A_124, %dma_wait3A_125] : memref<64x512xf32, #tpu.memory_space<vmem>> -> memref<64x256xf32, #tpu.memory_space<vmem>>
    %dma_wait3A_127 = arith.constant 0 : i32
    %dma_wait3A_128 = tpu.memref_slice %arg8[%dma_wait3A_123, %dma_wait3A_127] : memref<16x64xi32, #tpu.memory_space<vmem>> -> memref<1x64xi32, #tpu.memory_space<vmem>>
    %dma_wait3A_129 = tpu.memref_squeeze %dma_wait3A_128 : memref<1x64xi32, #tpu.memory_space<vmem>> -> memref<64xi32, #tpu.memory_space<vmem>>
    %dma_wait3A_130 = arith.constant 0 : i32
    %dma_wait3A_131 = arith.constant 0 : i32
    %dma_wait3A_132 = tpu.memref_slice %arg5[%dma_wait3A_130, %dma_wait3A_131] : memref<4096x256xf32, #tpu.memory_space<hbm>> -> memref<4096x256xf32, #tpu.memory_space<hbm>>
    tpu.wait_indirect_dma semaphore(%arg13 : memref<!tpu.dma_semaphore, #tpu.memory_space<semaphore_mem>>) src(%dma_wait3A_132 : memref<4096x256xf32, #tpu.memory_space<hbm>>) dst(%dma_wait3A_126 : memref<64x256xf32, #tpu.memory_space<vmem>>)
    %mul3A_133 = arith.constant 1024 : i32
    %mul3A_134 = arith.muli %add3A, %mul3A_133 : i32
    %add3A_135 = arith.constant 64 : i32
    %add3A_136 = arith.addi %mul3A_134, %add3A_135 : i32
    %dma_start3A_137 = arith.constant 0 : i32
    %dma_start3A_138 = tpu.memref_slice %arg6[%add3A_136, %dma_start3A_137] : memref<32768x512xf32, #tpu.memory_space<hbm>> -> memref<64x512xf32, #tpu.memory_space<hbm>>
    %dma_start3A_139 = arith.constant 0 : i32
    %dma_start3A_140 = tpu.memref_slice %arg6[%add3A_136, %dma_start3A_139] : memref<32768x512xf32, #tpu.memory_space<hbm>> -> memref<64x512xf32, #tpu.memory_space<hbm>>
    tpu.enqueue_dma source(%arg10 : memref<64x512xf32, #tpu.memory_space<vmem>>) target(%dma_start3A_140 : memref<64x512xf32, #tpu.memory_space<hbm>>) target_semaphore(%arg16 : memref<!tpu.dma_semaphore, #tpu.memory_space<semaphore_mem>>)
    %dma_wait3A_141 = arith.constant 0 : i32
    %dma_wait3A_142 = tpu.memref_slice %arg6[%add3A_136, %dma_wait3A_141] : memref<32768x512xf32, #tpu.memory_space<hbm>> -> memref<64x512xf32, #tpu.memory_space<hbm>>
    %dma_wait3A_143 = arith.constant 0 : i32
    %dma_wait3A_144 = tpu.memref_slice %arg6[%add3A_136, %dma_wait3A_143] : memref<32768x512xf32, #tpu.memory_space<hbm>> -> memref<64x512xf32, #tpu.memory_space<hbm>>
    tpu.wait_dma2 semaphore(%arg16 : memref<!tpu.dma_semaphore, #tpu.memory_space<semaphore_mem>>) src(%arg10 : memref<64x512xf32, #tpu.memory_space<vmem>>) dst(%dma_wait3A_144 : memref<64x512xf32, #tpu.memory_space<hbm>>)
    %dma_start3A_145 = arith.constant 4 : i32
    %dma_start3A_146 = arith.constant 0 : i32
    %dma_start3A_147 = arith.constant 0 : i32
    %dma_start3A_148 = tpu.memref_slice %arg10[%dma_start3A_146, %dma_start3A_147] : memref<64x512xf32, #tpu.memory_space<vmem>> -> memref<64x256xf32, #tpu.memory_space<vmem>>
    %dma_start3A_149 = arith.constant 0 : i32
    %dma_start3A_150 = tpu.memref_slice %arg7[%dma_start3A_145, %dma_start3A_149] : memref<16x64xi32, #tpu.memory_space<vmem>> -> memref<1x64xi32, #tpu.memory_space<vmem>>
    %dma_start3A_151 = tpu.memref_squeeze %dma_start3A_150 : memref<1x64xi32, #tpu.memory_space<vmem>> -> memref<64xi32, #tpu.memory_space<vmem>>
    %dma_start3A_152 = arith.constant 0 : i32
    %dma_start3A_153 = arith.constant 0 : i32
    %dma_start3A_154 = tpu.memref_slice %arg4[%dma_start3A_152, %dma_start3A_153] : memref<4096x256xf32, #tpu.memory_space<hbm>> -> memref<4096x256xf32, #tpu.memory_space<hbm>>
    tpu.enqueue_indirect_dma source(%dma_start3A_154 : memref<4096x256xf32, #tpu.memory_space<hbm>>) target(%dma_start3A_148 : memref<64x256xf32, #tpu.memory_space<vmem>>) offsets(%dma_start3A_151 : memref<64xi32, #tpu.memory_space<vmem>>) semaphore(%arg13 : memref<!tpu.dma_semaphore, #tpu.memory_space<semaphore_mem>>)
    %dma_start3A_155 = arith.constant 4 : i32
    %dma_start3A_156 = arith.constant 0 : i32
    %dma_start3A_157 = arith.constant 256 : i32
    %dma_start3A_158 = tpu.memref_slice %arg10[%dma_start3A_156, %dma_start3A_157] : memref<64x512xf32, #tpu.memory_space<vmem>> -> memref<64x256xf32, #tpu.memory_space<vmem>>
    %dma_start3A_159 = arith.constant 0 : i32
    %dma_start3A_160 = tpu.memref_slice %arg8[%dma_start3A_155, %dma_start3A_159] : memref<16x64xi32, #tpu.memory_space<vmem>> -> memref<1x64xi32, #tpu.memory_space<vmem>>
    %dma_start3A_161 = tpu.memref_squeeze %dma_start3A_160 : memref<1x64xi32, #tpu.memory_space<vmem>> -> memref<64xi32, #tpu.memory_space<vmem>>
    %dma_start3A_162 = arith.constant 0 : i32
    %dma_start3A_163 = arith.constant 0 : i32
    %dma_start3A_164 = tpu.memref_slice %arg5[%dma_start3A_162, %dma_start3A_163] : memref<4096x256xf32, #tpu.memory_space<hbm>> -> memref<4096x256xf32, #tpu.memory_space<hbm>>
    tpu.enqueue_indirect_dma source(%dma_start3A_164 : memref<4096x256xf32, #tpu.memory_space<hbm>>) target(%dma_start3A_158 : memref<64x256xf32, #tpu.memory_space<vmem>>) offsets(%dma_start3A_161 : memref<64xi32, #tpu.memory_space<vmem>>) semaphore(%arg13 : memref<!tpu.dma_semaphore, #tpu.memory_space<semaphore_mem>>)
    %dma_wait3A_165 = arith.constant 2 : i32
    %dma_wait3A_166 = arith.constant 0 : i32
    %dma_wait3A_167 = arith.constant 0 : i32
    %dma_wait3A_168 = tpu.memref_slice %arg11[%dma_wait3A_166, %dma_wait3A_167] : memref<64x512xf32, #tpu.memory_space<vmem>> -> memref<64x256xf32, #tpu.memory_space<vmem>>
    %dma_wait3A_169 = arith.constant 0 : i32
    %dma_wait3A_170 = tpu.memref_slice %arg7[%dma_wait3A_165, %dma_wait3A_169] : memref<16x64xi32, #tpu.memory_space<vmem>> -> memref<1x64xi32, #tpu.memory_space<vmem>>
    %dma_wait3A_171 = tpu.memref_squeeze %dma_wait3A_170 : memref<1x64xi32, #tpu.memory_space<vmem>> -> memref<64xi32, #tpu.memory_space<vmem>>
    %dma_wait3A_172 = arith.constant 0 : i32
    %dma_wait3A_173 = arith.constant 0 : i32
    %dma_wait3A_174 = tpu.memref_slice %arg4[%dma_wait3A_172, %dma_wait3A_173] : memref<4096x256xf32, #tpu.memory_space<hbm>> -> memref<4096x256xf32, #tpu.memory_space<hbm>>
    tpu.wait_indirect_dma semaphore(%arg14 : memref<!tpu.dma_semaphore, #tpu.memory_space<semaphore_mem>>) src(%dma_wait3A_174 : memref<4096x256xf32, #tpu.memory_space<hbm>>) dst(%dma_wait3A_168 : memref<64x256xf32, #tpu.memory_space<vmem>>)
    %dma_wait3A_175 = arith.constant 2 : i32
    %dma_wait3A_176 = arith.constant 0 : i32
    %dma_wait3A_177 = arith.constant 256 : i32
    %dma_wait3A_178 = tpu.memref_slice %arg11[%dma_wait3A_176, %dma_wait3A_177] : memref<64x512xf32, #tpu.memory_space<vmem>> -> memref<64x256xf32, #tpu.memory_space<vmem>>
    %dma_wait3A_179 = arith.constant 0 : i32
    %dma_wait3A_180 = tpu.memref_slice %arg8[%dma_wait3A_175, %dma_wait3A_179] : memref<16x64xi32, #tpu.memory_space<vmem>> -> memref<1x64xi32, #tpu.memory_space<vmem>>
    %dma_wait3A_181 = tpu.memref_squeeze %dma_wait3A_180 : memref<1x64xi32, #tpu.memory_space<vmem>> -> memref<64xi32, #tpu.memory_space<vmem>>
    %dma_wait3A_182 = arith.constant 0 : i32
    %dma_wait3A_183 = arith.constant 0 : i32
    %dma_wait3A_184 = tpu.memref_slice %arg5[%dma_wait3A_182, %dma_wait3A_183] : memref<4096x256xf32, #tpu.memory_space<hbm>> -> memref<4096x256xf32, #tpu.memory_space<hbm>>
    tpu.wait_indirect_dma semaphore(%arg14 : memref<!tpu.dma_semaphore, #tpu.memory_space<semaphore_mem>>) src(%dma_wait3A_184 : memref<4096x256xf32, #tpu.memory_space<hbm>>) dst(%dma_wait3A_178 : memref<64x256xf32, #tpu.memory_space<vmem>>)
    %mul3A_185 = arith.constant 1024 : i32
    %mul3A_186 = arith.muli %add3A, %mul3A_185 : i32
    %add3A_187 = arith.constant 128 : i32
    %add3A_188 = arith.addi %mul3A_186, %add3A_187 : i32
    %dma_start3A_189 = arith.constant 0 : i32
    %dma_start3A_190 = tpu.memref_slice %arg6[%add3A_188, %dma_start3A_189] : memref<32768x512xf32, #tpu.memory_space<hbm>> -> memref<64x512xf32, #tpu.memory_space<hbm>>
    %dma_start3A_191 = arith.constant 0 : i32
    %dma_start3A_192 = tpu.memref_slice %arg6[%add3A_188, %dma_start3A_191] : memref<32768x512xf32, #tpu.memory_space<hbm>> -> memref<64x512xf32, #tpu.memory_space<hbm>>
    tpu.enqueue_dma source(%arg11 : memref<64x512xf32, #tpu.memory_space<vmem>>) target(%dma_start3A_192 : memref<64x512xf32, #tpu.memory_space<hbm>>) target_semaphore(%arg17 : memref<!tpu.dma_semaphore, #tpu.memory_space<semaphore_mem>>)
    %dma_wait3A_193 = arith.constant 0 : i32
    %dma_wait3A_194 = tpu.memref_slice %arg6[%add3A_188, %dma_wait3A_193] : memref<32768x512xf32, #tpu.memory_space<hbm>> -> memref<64x512xf32, #tpu.memory_space<hbm>>
    %dma_wait3A_195 = arith.constant 0 : i32
    %dma_wait3A_196 = tpu.memref_slice %arg6[%add3A_188, %dma_wait3A_195] : memref<32768x512xf32, #tpu.memory_space<hbm>> -> memref<64x512xf32, #tpu.memory_space<hbm>>
    tpu.wait_dma2 semaphore(%arg17 : memref<!tpu.dma_semaphore, #tpu.memory_space<semaphore_mem>>) src(%arg11 : memref<64x512xf32, #tpu.memory_space<vmem>>) dst(%dma_wait3A_196 : memref<64x512xf32, #tpu.memory_space<hbm>>)
    %dma_start3A_197 = arith.constant 5 : i32
    %dma_start3A_198 = arith.constant 0 : i32
    %dma_start3A_199 = arith.constant 0 : i32
    %dma_start3A_200 = tpu.memref_slice %arg11[%dma_start3A_198, %dma_start3A_199] : memref<64x512xf32, #tpu.memory_space<vmem>> -> memref<64x256xf32, #tpu.memory_space<vmem>>
    %dma_start3A_201 = arith.constant 0 : i32
    %dma_start3A_202 = tpu.memref_slice %arg7[%dma_start3A_197, %dma_start3A_201] : memref<16x64xi32, #tpu.memory_space<vmem>> -> memref<1x64xi32, #tpu.memory_space<vmem>>
    %dma_start3A_203 = tpu.memref_squeeze %dma_start3A_202 : memref<1x64xi32, #tpu.memory_space<vmem>> -> memref<64xi32, #tpu.memory_space<vmem>>
    %dma_start3A_204 = arith.constant 0 : i32
    %dma_start3A_205 = arith.constant 0 : i32
    %dma_start3A_206 = tpu.memref_slice %arg4[%dma_start3A_204, %dma_start3A_205] : memref<4096x256xf32, #tpu.memory_space<hbm>> -> memref<4096x256xf32, #tpu.memory_space<hbm>>
    tpu.enqueue_indirect_dma source(%dma_start3A_206 : memref<4096x256xf32, #tpu.memory_space<hbm>>) target(%dma_start3A_200 : memref<64x256xf32, #tpu.memory_space<vmem>>) offsets(%dma_start3A_203 : memref<64xi32, #tpu.memory_space<vmem>>) semaphore(%arg14 : memref<!tpu.dma_semaphore, #tpu.memory_space<semaphore_mem>>)
    %dma_start3A_207 = arith.constant 5 : i32
    %dma_start3A_208 = arith.constant 0 : i32
    %dma_start3A_209 = arith.constant 256 : i32
    %dma_start3A_210 = tpu.memref_slice %arg11[%dma_start3A_208, %dma_start3A_209] : memref<64x512xf32, #tpu.memory_space<vmem>> -> memref<64x256xf32, #tpu.memory_space<vmem>>
    %dma_start3A_211 = arith.constant 0 : i32
    %dma_start3A_212 = tpu.memref_slice %arg8[%dma_start3A_207, %dma_start3A_211] : memref<16x64xi32, #tpu.memory_space<vmem>> -> memref<1x64xi32, #tpu.memory_space<vmem>>
    %dma_start3A_213 = tpu.memref_squeeze %dma_start3A_212 : memref<1x64xi32, #tpu.memory_space<vmem>> -> memref<64xi32, #tpu.memory_space<vmem>>
    %dma_start3A_214 = arith.constant 0 : i32
    %dma_start3A_215 = arith.constant 0 : i32
    %dma_start3A_216 = tpu.memref_slice %arg5[%dma_start3A_214, %dma_start3A_215] : memref<4096x256xf32, #tpu.memory_space<hbm>> -> memref<4096x256xf32, #tpu.memory_space<hbm>>
    tpu.enqueue_indirect_dma source(%dma_start3A_216 : memref<4096x256xf32, #tpu.memory_space<hbm>>) target(%dma_start3A_210 : memref<64x256xf32, #tpu.memory_space<vmem>>) offsets(%dma_start3A_213 : memref<64xi32, #tpu.memory_space<vmem>>) semaphore(%arg14 : memref<!tpu.dma_semaphore, #tpu.memory_space<semaphore_mem>>)
    %dma_wait3A_217 = arith.constant 3 : i32
    %dma_wait3A_218 = arith.constant 0 : i32
    %dma_wait3A_219 = arith.constant 0 : i32
    %dma_wait3A_220 = tpu.memref_slice %arg9[%dma_wait3A_218, %dma_wait3A_219] : memref<64x512xf32, #tpu.memory_space<vmem>> -> memref<64x256xf32, #tpu.memory_space<vmem>>
    %dma_wait3A_221 = arith.constant 0 : i32
    %dma_wait3A_222 = tpu.memref_slice %arg7[%dma_wait3A_217, %dma_wait3A_221] : memref<16x64xi32, #tpu.memory_space<vmem>> -> memref<1x64xi32, #tpu.memory_space<vmem>>
    %dma_wait3A_223 = tpu.memref_squeeze %dma_wait3A_222 : memref<1x64xi32, #tpu.memory_space<vmem>> -> memref<64xi32, #tpu.memory_space<vmem>>
    %dma_wait3A_224 = arith.constant 0 : i32
    %dma_wait3A_225 = arith.constant 0 : i32
    %dma_wait3A_226 = tpu.memref_slice %arg4[%dma_wait3A_224, %dma_wait3A_225] : memref<4096x256xf32, #tpu.memory_space<hbm>> -> memref<4096x256xf32, #tpu.memory_space<hbm>>
    tpu.wait_indirect_dma semaphore(%arg12 : memref<!tpu.dma_semaphore, #tpu.memory_space<semaphore_mem>>) src(%dma_wait3A_226 : memref<4096x256xf32, #tpu.memory_space<hbm>>) dst(%dma_wait3A_220 : memref<64x256xf32, #tpu.memory_space<vmem>>)
    %dma_wait3A_227 = arith.constant 3 : i32
    %dma_wait3A_228 = arith.constant 0 : i32
    %dma_wait3A_229 = arith.constant 256 : i32
    %dma_wait3A_230 = tpu.memref_slice %arg9[%dma_wait3A_228, %dma_wait3A_229] : memref<64x512xf32, #tpu.memory_space<vmem>> -> memref<64x256xf32, #tpu.memory_space<vmem>>
    %dma_wait3A_231 = arith.constant 0 : i32
    %dma_wait3A_232 = tpu.memref_slice %arg8[%dma_wait3A_227, %dma_wait3A_231] : memref<16x64xi32, #tpu.memory_space<vmem>> -> memref<1x64xi32, #tpu.memory_space<vmem>>
    %dma_wait3A_233 = tpu.memref_squeeze %dma_wait3A_232 : memref<1x64xi32, #tpu.memory_space<vmem>> -> memref<64xi32, #tpu.memory_space<vmem>>
    %dma_wait3A_234 = arith.constant 0 : i32
    %dma_wait3A_235 = arith.constant 0 : i32
    %dma_wait3A_236 = tpu.memref_slice %arg5[%dma_wait3A_234, %dma_wait3A_235] : memref<4096x256xf32, #tpu.memory_space<hbm>> -> memref<4096x256xf32, #tpu.memory_space<hbm>>
    tpu.wait_indirect_dma semaphore(%arg12 : memref<!tpu.dma_semaphore, #tpu.memory_space<semaphore_mem>>) src(%dma_wait3A_236 : memref<4096x256xf32, #tpu.memory_space<hbm>>) dst(%dma_wait3A_230 : memref<64x256xf32, #tpu.memory_space<vmem>>)
    %mul3A_237 = arith.constant 1024 : i32
    %mul3A_238 = arith.muli %add3A, %mul3A_237 : i32
    %add3A_239 = arith.constant 192 : i32
    %add3A_240 = arith.addi %mul3A_238, %add3A_239 : i32
    %dma_start3A_241 = arith.constant 0 : i32
    %dma_start3A_242 = tpu.memref_slice %arg6[%add3A_240, %dma_start3A_241] : memref<32768x512xf32, #tpu.memory_space<hbm>> -> memref<64x512xf32, #tpu.memory_space<hbm>>
    %dma_start3A_243 = arith.constant 0 : i32
    %dma_start3A_244 = tpu.memref_slice %arg6[%add3A_240, %dma_start3A_243] : memref<32768x512xf32, #tpu.memory_space<hbm>> -> memref<64x512xf32, #tpu.memory_space<hbm>>
    tpu.enqueue_dma source(%arg9 : memref<64x512xf32, #tpu.memory_space<vmem>>) target(%dma_start3A_244 : memref<64x512xf32, #tpu.memory_space<hbm>>) target_semaphore(%arg15 : memref<!tpu.dma_semaphore, #tpu.memory_space<semaphore_mem>>)
    %dma_wait3A_245 = arith.constant 0 : i32
    %dma_wait3A_246 = tpu.memref_slice %arg6[%add3A_240, %dma_wait3A_245] : memref<32768x512xf32, #tpu.memory_space<hbm>> -> memref<64x512xf32, #tpu.memory_space<hbm>>
    %dma_wait3A_247 = arith.constant 0 : i32
    %dma_wait3A_248 = tpu.memref_slice %arg6[%add3A_240, %dma_wait3A_247] : memref<32768x512xf32, #tpu.memory_space<hbm>> -> memref<64x512xf32, #tpu.memory_space<hbm>>
    tpu.wait_dma2 semaphore(%arg15 : memref<!tpu.dma_semaphore, #tpu.memory_space<semaphore_mem>>) src(%arg9 : memref<64x512xf32, #tpu.memory_space<vmem>>) dst(%dma_wait3A_248 : memref<64x512xf32, #tpu.memory_space<hbm>>)
    %dma_start3A_249 = arith.constant 6 : i32
    %dma_start3A_250 = arith.constant 0 : i32
    %dma_start3A_251 = arith.constant 0 : i32
    %dma_start3A_252 = tpu.memref_slice %arg9[%dma_start3A_250, %dma_start3A_251] : memref<64x512xf32, #tpu.memory_space<vmem>> -> memref<64x256xf32, #tpu.memory_space<vmem>>
    %dma_start3A_253 = arith.constant 0 : i32
    %dma_start3A_254 = tpu.memref_slice %arg7[%dma_start3A_249, %dma_start3A_253] : memref<16x64xi32, #tpu.memory_space<vmem>> -> memref<1x64xi32, #tpu.memory_space<vmem>>
    %dma_start3A_255 = tpu.memref_squeeze %dma_start3A_254 : memref<1x64xi32, #tpu.memory_space<vmem>> -> memref<64xi32, #tpu.memory_space<vmem>>
    %dma_start3A_256 = arith.constant 0 : i32
    %dma_start3A_257 = arith.constant 0 : i32
    %dma_start3A_258 = tpu.memref_slice %arg4[%dma_start3A_256, %dma_start3A_257] : memref<4096x256xf32, #tpu.memory_space<hbm>> -> memref<4096x256xf32, #tpu.memory_space<hbm>>
    tpu.enqueue_indirect_dma source(%dma_start3A_258 : memref<4096x256xf32, #tpu.memory_space<hbm>>) target(%dma_start3A_252 : memref<64x256xf32, #tpu.memory_space<vmem>>) offsets(%dma_start3A_255 : memref<64xi32, #tpu.memory_space<vmem>>) semaphore(%arg12 : memref<!tpu.dma_semaphore, #tpu.memory_space<semaphore_mem>>)
    %dma_start3A_259 = arith.constant 6 : i32
    %dma_start3A_260 = arith.constant 0 : i32
    %dma_start3A_261 = arith.constant 256 : i32
    %dma_start3A_262 = tpu.memref_slice %arg9[%dma_start3A_260, %dma_start3A_261] : memref<64x512xf32, #tpu.memory_space<vmem>> -> memref<64x256xf32, #tpu.memory_space<vmem>>
    %dma_start3A_263 = arith.constant 0 : i32
    %dma_start3A_264 = tpu.memref_slice %arg8[%dma_start3A_259, %dma_start3A_263] : memref<16x64xi32, #tpu.memory_space<vmem>> -> memref<1x64xi32, #tpu.memory_space<vmem>>
    %dma_start3A_265 = tpu.memref_squeeze %dma_start3A_264 : memref<1x64xi32, #tpu.memory_space<vmem>> -> memref<64xi32, #tpu.memory_space<vmem>>
    %dma_start3A_266 = arith.constant 0 : i32
    %dma_start3A_267 = arith.constant 0 : i32
    %dma_start3A_268 = tpu.memref_slice %arg5[%dma_start3A_266, %dma_start3A_267] : memref<4096x256xf32, #tpu.memory_space<hbm>> -> memref<4096x256xf32, #tpu.memory_space<hbm>>
    tpu.enqueue_indirect_dma source(%dma_start3A_268 : memref<4096x256xf32, #tpu.memory_space<hbm>>) target(%dma_start3A_262 : memref<64x256xf32, #tpu.memory_space<vmem>>) offsets(%dma_start3A_265 : memref<64xi32, #tpu.memory_space<vmem>>) semaphore(%arg12 : memref<!tpu.dma_semaphore, #tpu.memory_space<semaphore_mem>>)
    %dma_wait3A_269 = arith.constant 4 : i32
    %dma_wait3A_270 = arith.constant 0 : i32
    %dma_wait3A_271 = arith.constant 0 : i32
    %dma_wait3A_272 = tpu.memref_slice %arg10[%dma_wait3A_270, %dma_wait3A_271] : memref<64x512xf32, #tpu.memory_space<vmem>> -> memref<64x256xf32, #tpu.memory_space<vmem>>
    %dma_wait3A_273 = arith.constant 0 : i32
    %dma_wait3A_274 = tpu.memref_slice %arg7[%dma_wait3A_269, %dma_wait3A_273] : memref<16x64xi32, #tpu.memory_space<vmem>> -> memref<1x64xi32, #tpu.memory_space<vmem>>
    %dma_wait3A_275 = tpu.memref_squeeze %dma_wait3A_274 : memref<1x64xi32, #tpu.memory_space<vmem>> -> memref<64xi32, #tpu.memory_space<vmem>>
    %dma_wait3A_276 = arith.constant 0 : i32
    %dma_wait3A_277 = arith.constant 0 : i32
    %dma_wait3A_278 = tpu.memref_slice %arg4[%dma_wait3A_276, %dma_wait3A_277] : memref<4096x256xf32, #tpu.memory_space<hbm>> -> memref<4096x256xf32, #tpu.memory_space<hbm>>
    tpu.wait_indirect_dma semaphore(%arg13 : memref<!tpu.dma_semaphore, #tpu.memory_space<semaphore_mem>>) src(%dma_wait3A_278 : memref<4096x256xf32, #tpu.memory_space<hbm>>) dst(%dma_wait3A_272 : memref<64x256xf32, #tpu.memory_space<vmem>>)
    %dma_wait3A_279 = arith.constant 4 : i32
    %dma_wait3A_280 = arith.constant 0 : i32
    %dma_wait3A_281 = arith.constant 256 : i32
    %dma_wait3A_282 = tpu.memref_slice %arg10[%dma_wait3A_280, %dma_wait3A_281] : memref<64x512xf32, #tpu.memory_space<vmem>> -> memref<64x256xf32, #tpu.memory_space<vmem>>
    %dma_wait3A_283 = arith.constant 0 : i32
    %dma_wait3A_284 = tpu.memref_slice %arg8[%dma_wait3A_279, %dma_wait3A_283] : memref<16x64xi32, #tpu.memory_space<vmem>> -> memref<1x64xi32, #tpu.memory_space<vmem>>
    %dma_wait3A_285 = tpu.memref_squeeze %dma_wait3A_284 : memref<1x64xi32, #tpu.memory_space<vmem>> -> memref<64xi32, #tpu.memory_space<vmem>>
    %dma_wait3A_286 = arith.constant 0 : i32
    %dma_wait3A_287 = arith.constant 0 : i32
    %dma_wait3A_288 = tpu.memref_slice %arg5[%dma_wait3A_286, %dma_wait3A_287] : memref<4096x256xf32, #tpu.memory_space<hbm>> -> memref<4096x256xf32, #tpu.memory_space<hbm>>
    tpu.wait_indirect_dma semaphore(%arg13 : memref<!tpu.dma_semaphore, #tpu.memory_space<semaphore_mem>>) src(%dma_wait3A_288 : memref<4096x256xf32, #tpu.memory_space<hbm>>) dst(%dma_wait3A_282 : memref<64x256xf32, #tpu.memory_space<vmem>>)
    %mul3A_289 = arith.constant 1024 : i32
    %mul3A_290 = arith.muli %add3A, %mul3A_289 : i32
    %add3A_291 = arith.constant 256 : i32
    %add3A_292 = arith.addi %mul3A_290, %add3A_291 : i32
    %dma_start3A_293 = arith.constant 0 : i32
    %dma_start3A_294 = tpu.memref_slice %arg6[%add3A_292, %dma_start3A_293] : memref<32768x512xf32, #tpu.memory_space<hbm>> -> memref<64x512xf32, #tpu.memory_space<hbm>>
    %dma_start3A_295 = arith.constant 0 : i32
    %dma_start3A_296 = tpu.memref_slice %arg6[%add3A_292, %dma_start3A_295] : memref<32768x512xf32, #tpu.memory_space<hbm>> -> memref<64x512xf32, #tpu.memory_space<hbm>>
    tpu.enqueue_dma source(%arg10 : memref<64x512xf32, #tpu.memory_space<vmem>>) target(%dma_start3A_296 : memref<64x512xf32, #tpu.memory_space<hbm>>) target_semaphore(%arg16 : memref<!tpu.dma_semaphore, #tpu.memory_space<semaphore_mem>>)
    %dma_wait3A_297 = arith.constant 0 : i32
    %dma_wait3A_298 = tpu.memref_slice %arg6[%add3A_292, %dma_wait3A_297] : memref<32768x512xf32, #tpu.memory_space<hbm>> -> memref<64x512xf32, #tpu.memory_space<hbm>>
    %dma_wait3A_299 = arith.constant 0 : i32
    %dma_wait3A_300 = tpu.memref_slice %arg6[%add3A_292, %dma_wait3A_299] : memref<32768x512xf32, #tpu.memory_space<hbm>> -> memref<64x512xf32, #tpu.memory_space<hbm>>
    tpu.wait_dma2 semaphore(%arg16 : memref<!tpu.dma_semaphore, #tpu.memory_space<semaphore_mem>>) src(%arg10 : memref<64x512xf32, #tpu.memory_space<vmem>>) dst(%dma_wait3A_300 : memref<64x512xf32, #tpu.memory_space<hbm>>)
    %dma_start3A_301 = arith.constant 7 : i32
    %dma_start3A_302 = arith.constant 0 : i32
    %dma_start3A_303 = arith.constant 0 : i32
    %dma_start3A_304 = tpu.memref_slice %arg10[%dma_start3A_302, %dma_start3A_303] : memref<64x512xf32, #tpu.memory_space<vmem>> -> memref<64x256xf32, #tpu.memory_space<vmem>>
    %dma_start3A_305 = arith.constant 0 : i32
    %dma_start3A_306 = tpu.memref_slice %arg7[%dma_start3A_301, %dma_start3A_305] : memref<16x64xi32, #tpu.memory_space<vmem>> -> memref<1x64xi32, #tpu.memory_space<vmem>>
    %dma_start3A_307 = tpu.memref_squeeze %dma_start3A_306 : memref<1x64xi32, #tpu.memory_space<vmem>> -> memref<64xi32, #tpu.memory_space<vmem>>
    %dma_start3A_308 = arith.constant 0 : i32
    %dma_start3A_309 = arith.constant 0 : i32
    %dma_start3A_310 = tpu.memref_slice %arg4[%dma_start3A_308, %dma_start3A_309] : memref<4096x256xf32, #tpu.memory_space<hbm>> -> memref<4096x256xf32, #tpu.memory_space<hbm>>
    tpu.enqueue_indirect_dma source(%dma_start3A_310 : memref<4096x256xf32, #tpu.memory_space<hbm>>) target(%dma_start3A_304 : memref<64x256xf32, #tpu.memory_space<vmem>>) offsets(%dma_start3A_307 : memref<64xi32, #tpu.memory_space<vmem>>) semaphore(%arg13 : memref<!tpu.dma_semaphore, #tpu.memory_space<semaphore_mem>>)
    %dma_start3A_311 = arith.constant 7 : i32
    %dma_start3A_312 = arith.constant 0 : i32
    %dma_start3A_313 = arith.constant 256 : i32
    %dma_start3A_314 = tpu.memref_slice %arg10[%dma_start3A_312, %dma_start3A_313] : memref<64x512xf32, #tpu.memory_space<vmem>> -> memref<64x256xf32, #tpu.memory_space<vmem>>
    %dma_start3A_315 = arith.constant 0 : i32
    %dma_start3A_316 = tpu.memref_slice %arg8[%dma_start3A_311, %dma_start3A_315] : memref<16x64xi32, #tpu.memory_space<vmem>> -> memref<1x64xi32, #tpu.memory_space<vmem>>
    %dma_start3A_317 = tpu.memref_squeeze %dma_start3A_316 : memref<1x64xi32, #tpu.memory_space<vmem>> -> memref<64xi32, #tpu.memory_space<vmem>>
    %dma_start3A_318 = arith.constant 0 : i32
    %dma_start3A_319 = arith.constant 0 : i32
    %dma_start3A_320 = tpu.memref_slice %arg5[%dma_start3A_318, %dma_start3A_319] : memref<4096x256xf32, #tpu.memory_space<hbm>> -> memref<4096x256xf32, #tpu.memory_space<hbm>>
    tpu.enqueue_indirect_dma source(%dma_start3A_320 : memref<4096x256xf32, #tpu.memory_space<hbm>>) target(%dma_start3A_314 : memref<64x256xf32, #tpu.memory_space<vmem>>) offsets(%dma_start3A_317 : memref<64xi32, #tpu.memory_space<vmem>>) semaphore(%arg13 : memref<!tpu.dma_semaphore, #tpu.memory_space<semaphore_mem>>)
    %dma_wait3A_321 = arith.constant 5 : i32
    %dma_wait3A_322 = arith.constant 0 : i32
    %dma_wait3A_323 = arith.constant 0 : i32
    %dma_wait3A_324 = tpu.memref_slice %arg11[%dma_wait3A_322, %dma_wait3A_323] : memref<64x512xf32, #tpu.memory_space<vmem>> -> memref<64x256xf32, #tpu.memory_space<vmem>>
    %dma_wait3A_325 = arith.constant 0 : i32
    %dma_wait3A_326 = tpu.memref_slice %arg7[%dma_wait3A_321, %dma_wait3A_325] : memref<16x64xi32, #tpu.memory_space<vmem>> -> memref<1x64xi32, #tpu.memory_space<vmem>>
    %dma_wait3A_327 = tpu.memref_squeeze %dma_wait3A_326 : memref<1x64xi32, #tpu.memory_space<vmem>> -> memref<64xi32, #tpu.memory_space<vmem>>
    %dma_wait3A_328 = arith.constant 0 : i32
    %dma_wait3A_329 = arith.constant 0 : i32
    %dma_wait3A_330 = tpu.memref_slice %arg4[%dma_wait3A_328, %dma_wait3A_329] : memref<4096x256xf32, #tpu.memory_space<hbm>> -> memref<4096x256xf32, #tpu.memory_space<hbm>>
    tpu.wait_indirect_dma semaphore(%arg14 : memref<!tpu.dma_semaphore, #tpu.memory_space<semaphore_mem>>) src(%dma_wait3A_330 : memref<4096x256xf32, #tpu.memory_space<hbm>>) dst(%dma_wait3A_324 : memref<64x256xf32, #tpu.memory_space<vmem>>)
    %dma_wait3A_331 = arith.constant 5 : i32
    %dma_wait3A_332 = arith.constant 0 : i32
    %dma_wait3A_333 = arith.constant 256 : i32
    %dma_wait3A_334 = tpu.memref_slice %arg11[%dma_wait3A_332, %dma_wait3A_333] : memref<64x512xf32, #tpu.memory_space<vmem>> -> memref<64x256xf32, #tpu.memory_space<vmem>>
    %dma_wait3A_335 = arith.constant 0 : i32
    %dma_wait3A_336 = tpu.memref_slice %arg8[%dma_wait3A_331, %dma_wait3A_335] : memref<16x64xi32, #tpu.memory_space<vmem>> -> memref<1x64xi32, #tpu.memory_space<vmem>>
    %dma_wait3A_337 = tpu.memref_squeeze %dma_wait3A_336 : memref<1x64xi32, #tpu.memory_space<vmem>> -> memref<64xi32, #tpu.memory_space<vmem>>
    %dma_wait3A_338 = arith.constant 0 : i32
    %dma_wait3A_339 = arith.constant 0 : i32
    %dma_wait3A_340 = tpu.memref_slice %arg5[%dma_wait3A_338, %dma_wait3A_339] : memref<4096x256xf32, #tpu.memory_space<hbm>> -> memref<4096x256xf32, #tpu.memory_space<hbm>>
    tpu.wait_indirect_dma semaphore(%arg14 : memref<!tpu.dma_semaphore, #tpu.memory_space<semaphore_mem>>) src(%dma_wait3A_340 : memref<4096x256xf32, #tpu.memory_space<hbm>>) dst(%dma_wait3A_334 : memref<64x256xf32, #tpu.memory_space<vmem>>)
    %mul3A_341 = arith.constant 1024 : i32
    %mul3A_342 = arith.muli %add3A, %mul3A_341 : i32
    %add3A_343 = arith.constant 320 : i32
    %add3A_344 = arith.addi %mul3A_342, %add3A_343 : i32
    %dma_start3A_345 = arith.constant 0 : i32
    %dma_start3A_346 = tpu.memref_slice %arg6[%add3A_344, %dma_start3A_345] : memref<32768x512xf32, #tpu.memory_space<hbm>> -> memref<64x512xf32, #tpu.memory_space<hbm>>
    %dma_start3A_347 = arith.constant 0 : i32
    %dma_start3A_348 = tpu.memref_slice %arg6[%add3A_344, %dma_start3A_347] : memref<32768x512xf32, #tpu.memory_space<hbm>> -> memref<64x512xf32, #tpu.memory_space<hbm>>
    tpu.enqueue_dma source(%arg11 : memref<64x512xf32, #tpu.memory_space<vmem>>) target(%dma_start3A_348 : memref<64x512xf32, #tpu.memory_space<hbm>>) target_semaphore(%arg17 : memref<!tpu.dma_semaphore, #tpu.memory_space<semaphore_mem>>)
    %dma_wait3A_349 = arith.constant 0 : i32
    %dma_wait3A_350 = tpu.memref_slice %arg6[%add3A_344, %dma_wait3A_349] : memref<32768x512xf32, #tpu.memory_space<hbm>> -> memref<64x512xf32, #tpu.memory_space<hbm>>
    %dma_wait3A_351 = arith.constant 0 : i32
    %dma_wait3A_352 = tpu.memref_slice %arg6[%add3A_344, %dma_wait3A_351] : memref<32768x512xf32, #tpu.memory_space<hbm>> -> memref<64x512xf32, #tpu.memory_space<hbm>>
    tpu.wait_dma2 semaphore(%arg17 : memref<!tpu.dma_semaphore, #tpu.memory_space<semaphore_mem>>) src(%arg11 : memref<64x512xf32, #tpu.memory_space<vmem>>) dst(%dma_wait3A_352 : memref<64x512xf32, #tpu.memory_space<hbm>>)
    %dma_start3A_353 = arith.constant 8 : i32
    %dma_start3A_354 = arith.constant 0 : i32
    %dma_start3A_355 = arith.constant 0 : i32
    %dma_start3A_356 = tpu.memref_slice %arg11[%dma_start3A_354, %dma_start3A_355] : memref<64x512xf32, #tpu.memory_space<vmem>> -> memref<64x256xf32, #tpu.memory_space<vmem>>
    %dma_start3A_357 = arith.constant 0 : i32
    %dma_start3A_358 = tpu.memref_slice %arg7[%dma_start3A_353, %dma_start3A_357] : memref<16x64xi32, #tpu.memory_space<vmem>> -> memref<1x64xi32, #tpu.memory_space<vmem>>
    %dma_start3A_359 = tpu.memref_squeeze %dma_start3A_358 : memref<1x64xi32, #tpu.memory_space<vmem>> -> memref<64xi32, #tpu.memory_space<vmem>>
    %dma_start3A_360 = arith.constant 0 : i32
    %dma_start3A_361 = arith.constant 0 : i32
    %dma_start3A_362 = tpu.memref_slice %arg4[%dma_start3A_360, %dma_start3A_361] : memref<4096x256xf32, #tpu.memory_space<hbm>> -> memref<4096x256xf32, #tpu.memory_space<hbm>>
    tpu.enqueue_indirect_dma source(%dma_start3A_362 : memref<4096x256xf32, #tpu.memory_space<hbm>>) target(%dma_start3A_356 : memref<64x256xf32, #tpu.memory_space<vmem>>) offsets(%dma_start3A_359 : memref<64xi32, #tpu.memory_space<vmem>>) semaphore(%arg14 : memref<!tpu.dma_semaphore, #tpu.memory_space<semaphore_mem>>)
    %dma_start3A_363 = arith.constant 8 : i32
    %dma_start3A_364 = arith.constant 0 : i32
    %dma_start3A_365 = arith.constant 256 : i32
    %dma_start3A_366 = tpu.memref_slice %arg11[%dma_start3A_364, %dma_start3A_365] : memref<64x512xf32, #tpu.memory_space<vmem>> -> memref<64x256xf32, #tpu.memory_space<vmem>>
    %dma_start3A_367 = arith.constant 0 : i32
    %dma_start3A_368 = tpu.memref_slice %arg8[%dma_start3A_363, %dma_start3A_367] : memref<16x64xi32, #tpu.memory_space<vmem>> -> memref<1x64xi32, #tpu.memory_space<vmem>>
    %dma_start3A_369 = tpu.memref_squeeze %dma_start3A_368 : memref<1x64xi32, #tpu.memory_space<vmem>> -> memref<64xi32, #tpu.memory_space<vmem>>
    %dma_start3A_370 = arith.constant 0 : i32
    %dma_start3A_371 = arith.constant 0 : i32
    %dma_start3A_372 = tpu.memref_slice %arg5[%dma_start3A_370, %dma_start3A_371] : memref<4096x256xf32, #tpu.memory_space<hbm>> -> memref<4096x256xf32, #tpu.memory_space<hbm>>
    tpu.enqueue_indirect_dma source(%dma_start3A_372 : memref<4096x256xf32, #tpu.memory_space<hbm>>) target(%dma_start3A_366 : memref<64x256xf32, #tpu.memory_space<vmem>>) offsets(%dma_start3A_369 : memref<64xi32, #tpu.memory_space<vmem>>) semaphore(%arg14 : memref<!tpu.dma_semaphore, #tpu.memory_space<semaphore_mem>>)
    %dma_wait3A_373 = arith.constant 6 : i32
    %dma_wait3A_374 = arith.constant 0 : i32
    %dma_wait3A_375 = arith.constant 0 : i32
    %dma_wait3A_376 = tpu.memref_slice %arg9[%dma_wait3A_374, %dma_wait3A_375] : memref<64x512xf32, #tpu.memory_space<vmem>> -> memref<64x256xf32, #tpu.memory_space<vmem>>
    %dma_wait3A_377 = arith.constant 0 : i32
    %dma_wait3A_378 = tpu.memref_slice %arg7[%dma_wait3A_373, %dma_wait3A_377] : memref<16x64xi32, #tpu.memory_space<vmem>> -> memref<1x64xi32, #tpu.memory_space<vmem>>
    %dma_wait3A_379 = tpu.memref_squeeze %dma_wait3A_378 : memref<1x64xi32, #tpu.memory_space<vmem>> -> memref<64xi32, #tpu.memory_space<vmem>>
    %dma_wait3A_380 = arith.constant 0 : i32
    %dma_wait3A_381 = arith.constant 0 : i32
    %dma_wait3A_382 = tpu.memref_slice %arg4[%dma_wait3A_380, %dma_wait3A_381] : memref<4096x256xf32, #tpu.memory_space<hbm>> -> memref<4096x256xf32, #tpu.memory_space<hbm>>
    tpu.wait_indirect_dma semaphore(%arg12 : memref<!tpu.dma_semaphore, #tpu.memory_space<semaphore_mem>>) src(%dma_wait3A_382 : memref<4096x256xf32, #tpu.memory_space<hbm>>) dst(%dma_wait3A_376 : memref<64x256xf32, #tpu.memory_space<vmem>>)
    %dma_wait3A_383 = arith.constant 6 : i32
    %dma_wait3A_384 = arith.constant 0 : i32
    %dma_wait3A_385 = arith.constant 256 : i32
    %dma_wait3A_386 = tpu.memref_slice %arg9[%dma_wait3A_384, %dma_wait3A_385] : memref<64x512xf32, #tpu.memory_space<vmem>> -> memref<64x256xf32, #tpu.memory_space<vmem>>
    %dma_wait3A_387 = arith.constant 0 : i32
    %dma_wait3A_388 = tpu.memref_slice %arg8[%dma_wait3A_383, %dma_wait3A_387] : memref<16x64xi32, #tpu.memory_space<vmem>> -> memref<1x64xi32, #tpu.memory_space<vmem>>
    %dma_wait3A_389 = tpu.memref_squeeze %dma_wait3A_388 : memref<1x64xi32, #tpu.memory_space<vmem>> -> memref<64xi32, #tpu.memory_space<vmem>>
    %dma_wait3A_390 = arith.constant 0 : i32
    %dma_wait3A_391 = arith.constant 0 : i32
    %dma_wait3A_392 = tpu.memref_slice %arg5[%dma_wait3A_390, %dma_wait3A_391] : memref<4096x256xf32, #tpu.memory_space<hbm>> -> memref<4096x256xf32, #tpu.memory_space<hbm>>
    tpu.wait_indirect_dma semaphore(%arg12 : memref<!tpu.dma_semaphore, #tpu.memory_space<semaphore_mem>>) src(%dma_wait3A_392 : memref<4096x256xf32, #tpu.memory_space<hbm>>) dst(%dma_wait3A_386 : memref<64x256xf32, #tpu.memory_space<vmem>>)
    %mul3A_393 = arith.constant 1024 : i32
    %mul3A_394 = arith.muli %add3A, %mul3A_393 : i32
    %add3A_395 = arith.constant 384 : i32
    %add3A_396 = arith.addi %mul3A_394, %add3A_395 : i32
    %dma_start3A_397 = arith.constant 0 : i32
    %dma_start3A_398 = tpu.memref_slice %arg6[%add3A_396, %dma_start3A_397] : memref<32768x512xf32, #tpu.memory_space<hbm>> -> memref<64x512xf32, #tpu.memory_space<hbm>>
    %dma_start3A_399 = arith.constant 0 : i32
    %dma_start3A_400 = tpu.memref_slice %arg6[%add3A_396, %dma_start3A_399] : memref<32768x512xf32, #tpu.memory_space<hbm>> -> memref<64x512xf32, #tpu.memory_space<hbm>>
    tpu.enqueue_dma source(%arg9 : memref<64x512xf32, #tpu.memory_space<vmem>>) target(%dma_start3A_400 : memref<64x512xf32, #tpu.memory_space<hbm>>) target_semaphore(%arg15 : memref<!tpu.dma_semaphore, #tpu.memory_space<semaphore_mem>>)
    %dma_wait3A_401 = arith.constant 0 : i32
    %dma_wait3A_402 = tpu.memref_slice %arg6[%add3A_396, %dma_wait3A_401] : memref<32768x512xf32, #tpu.memory_space<hbm>> -> memref<64x512xf32, #tpu.memory_space<hbm>>
    %dma_wait3A_403 = arith.constant 0 : i32
    %dma_wait3A_404 = tpu.memref_slice %arg6[%add3A_396, %dma_wait3A_403] : memref<32768x512xf32, #tpu.memory_space<hbm>> -> memref<64x512xf32, #tpu.memory_space<hbm>>
    tpu.wait_dma2 semaphore(%arg15 : memref<!tpu.dma_semaphore, #tpu.memory_space<semaphore_mem>>) src(%arg9 : memref<64x512xf32, #tpu.memory_space<vmem>>) dst(%dma_wait3A_404 : memref<64x512xf32, #tpu.memory_space<hbm>>)
    %dma_start3A_405 = arith.constant 9 : i32
    %dma_start3A_406 = arith.constant 0 : i32
    %dma_start3A_407 = arith.constant 0 : i32
    %dma_start3A_408 = tpu.memref_slice %arg9[%dma_start3A_406, %dma_start3A_407] : memref<64x512xf32, #tpu.memory_space<vmem>> -> memref<64x256xf32, #tpu.memory_space<vmem>>
    %dma_start3A_409 = arith.constant 0 : i32
    %dma_start3A_410 = tpu.memref_slice %arg7[%dma_start3A_405, %dma_start3A_409] : memref<16x64xi32, #tpu.memory_space<vmem>> -> memref<1x64xi32, #tpu.memory_space<vmem>>
    %dma_start3A_411 = tpu.memref_squeeze %dma_start3A_410 : memref<1x64xi32, #tpu.memory_space<vmem>> -> memref<64xi32, #tpu.memory_space<vmem>>
    %dma_start3A_412 = arith.constant 0 : i32
    %dma_start3A_413 = arith.constant 0 : i32
    %dma_start3A_414 = tpu.memref_slice %arg4[%dma_start3A_412, %dma_start3A_413] : memref<4096x256xf32, #tpu.memory_space<hbm>> -> memref<4096x256xf32, #tpu.memory_space<hbm>>
    tpu.enqueue_indirect_dma source(%dma_start3A_414 : memref<4096x256xf32, #tpu.memory_space<hbm>>) target(%dma_start3A_408 : memref<64x256xf32, #tpu.memory_space<vmem>>) offsets(%dma_start3A_411 : memref<64xi32, #tpu.memory_space<vmem>>) semaphore(%arg12 : memref<!tpu.dma_semaphore, #tpu.memory_space<semaphore_mem>>)
    %dma_start3A_415 = arith.constant 9 : i32
    %dma_start3A_416 = arith.constant 0 : i32
    %dma_start3A_417 = arith.constant 256 : i32
    %dma_start3A_418 = tpu.memref_slice %arg9[%dma_start3A_416, %dma_start3A_417] : memref<64x512xf32, #tpu.memory_space<vmem>> -> memref<64x256xf32, #tpu.memory_space<vmem>>
    %dma_start3A_419 = arith.constant 0 : i32
    %dma_start3A_420 = tpu.memref_slice %arg8[%dma_start3A_415, %dma_start3A_419] : memref<16x64xi32, #tpu.memory_space<vmem>> -> memref<1x64xi32, #tpu.memory_space<vmem>>
    %dma_start3A_421 = tpu.memref_squeeze %dma_start3A_420 : memref<1x64xi32, #tpu.memory_space<vmem>> -> memref<64xi32, #tpu.memory_space<vmem>>
    %dma_start3A_422 = arith.constant 0 : i32
    %dma_start3A_423 = arith.constant 0 : i32
    %dma_start3A_424 = tpu.memref_slice %arg5[%dma_start3A_422, %dma_start3A_423] : memref<4096x256xf32, #tpu.memory_space<hbm>> -> memref<4096x256xf32, #tpu.memory_space<hbm>>
    tpu.enqueue_indirect_dma source(%dma_start3A_424 : memref<4096x256xf32, #tpu.memory_space<hbm>>) target(%dma_start3A_418 : memref<64x256xf32, #tpu.memory_space<vmem>>) offsets(%dma_start3A_421 : memref<64xi32, #tpu.memory_space<vmem>>) semaphore(%arg12 : memref<!tpu.dma_semaphore, #tpu.memory_space<semaphore_mem>>)
    %dma_wait3A_425 = arith.constant 7 : i32
    %dma_wait3A_426 = arith.constant 0 : i32
    %dma_wait3A_427 = arith.constant 0 : i32
    %dma_wait3A_428 = tpu.memref_slice %arg10[%dma_wait3A_426, %dma_wait3A_427] : memref<64x512xf32, #tpu.memory_space<vmem>> -> memref<64x256xf32, #tpu.memory_space<vmem>>
    %dma_wait3A_429 = arith.constant 0 : i32
    %dma_wait3A_430 = tpu.memref_slice %arg7[%dma_wait3A_425, %dma_wait3A_429] : memref<16x64xi32, #tpu.memory_space<vmem>> -> memref<1x64xi32, #tpu.memory_space<vmem>>
    %dma_wait3A_431 = tpu.memref_squeeze %dma_wait3A_430 : memref<1x64xi32, #tpu.memory_space<vmem>> -> memref<64xi32, #tpu.memory_space<vmem>>
    %dma_wait3A_432 = arith.constant 0 : i32
    %dma_wait3A_433 = arith.constant 0 : i32
    %dma_wait3A_434 = tpu.memref_slice %arg4[%dma_wait3A_432, %dma_wait3A_433] : memref<4096x256xf32, #tpu.memory_space<hbm>> -> memref<4096x256xf32, #tpu.memory_space<hbm>>
    tpu.wait_indirect_dma semaphore(%arg13 : memref<!tpu.dma_semaphore, #tpu.memory_space<semaphore_mem>>) src(%dma_wait3A_434 : memref<4096x256xf32, #tpu.memory_space<hbm>>) dst(%dma_wait3A_428 : memref<64x256xf32, #tpu.memory_space<vmem>>)
    %dma_wait3A_435 = arith.constant 7 : i32
    %dma_wait3A_436 = arith.constant 0 : i32
    %dma_wait3A_437 = arith.constant 256 : i32
    %dma_wait3A_438 = tpu.memref_slice %arg10[%dma_wait3A_436, %dma_wait3A_437] : memref<64x512xf32, #tpu.memory_space<vmem>> -> memref<64x256xf32, #tpu.memory_space<vmem>>
    %dma_wait3A_439 = arith.constant 0 : i32
    %dma_wait3A_440 = tpu.memref_slice %arg8[%dma_wait3A_435, %dma_wait3A_439] : memref<16x64xi32, #tpu.memory_space<vmem>> -> memref<1x64xi32, #tpu.memory_space<vmem>>
    %dma_wait3A_441 = tpu.memref_squeeze %dma_wait3A_440 : memref<1x64xi32, #tpu.memory_space<vmem>> -> memref<64xi32, #tpu.memory_space<vmem>>
    %dma_wait3A_442 = arith.constant 0 : i32
    %dma_wait3A_443 = arith.constant 0 : i32
    %dma_wait3A_444 = tpu.memref_slice %arg5[%dma_wait3A_442, %dma_wait3A_443] : memref<4096x256xf32, #tpu.memory_space<hbm>> -> memref<4096x256xf32, #tpu.memory_space<hbm>>
    tpu.wait_indirect_dma semaphore(%arg13 : memref<!tpu.dma_semaphore, #tpu.memory_space<semaphore_mem>>) src(%dma_wait3A_444 : memref<4096x256xf32, #tpu.memory_space<hbm>>) dst(%dma_wait3A_438 : memref<64x256xf32, #tpu.memory_space<vmem>>)
    %mul3A_445 = arith.constant 1024 : i32
    %mul3A_446 = arith.muli %add3A, %mul3A_445 : i32
    %add3A_447 = arith.constant 448 : i32
    %add3A_448 = arith.addi %mul3A_446, %add3A_447 : i32
    %dma_start3A_449 = arith.constant 0 : i32
    %dma_start3A_450 = tpu.memref_slice %arg6[%add3A_448, %dma_start3A_449] : memref<32768x512xf32, #tpu.memory_space<hbm>> -> memref<64x512xf32, #tpu.memory_space<hbm>>
    %dma_start3A_451 = arith.constant 0 : i32
    %dma_start3A_452 = tpu.memref_slice %arg6[%add3A_448, %dma_start3A_451] : memref<32768x512xf32, #tpu.memory_space<hbm>> -> memref<64x512xf32, #tpu.memory_space<hbm>>
    tpu.enqueue_dma source(%arg10 : memref<64x512xf32, #tpu.memory_space<vmem>>) target(%dma_start3A_452 : memref<64x512xf32, #tpu.memory_space<hbm>>) target_semaphore(%arg16 : memref<!tpu.dma_semaphore, #tpu.memory_space<semaphore_mem>>)
    %dma_wait3A_453 = arith.constant 0 : i32
    %dma_wait3A_454 = tpu.memref_slice %arg6[%add3A_448, %dma_wait3A_453] : memref<32768x512xf32, #tpu.memory_space<hbm>> -> memref<64x512xf32, #tpu.memory_space<hbm>>
    %dma_wait3A_455 = arith.constant 0 : i32
    %dma_wait3A_456 = tpu.memref_slice %arg6[%add3A_448, %dma_wait3A_455] : memref<32768x512xf32, #tpu.memory_space<hbm>> -> memref<64x512xf32, #tpu.memory_space<hbm>>
    tpu.wait_dma2 semaphore(%arg16 : memref<!tpu.dma_semaphore, #tpu.memory_space<semaphore_mem>>) src(%arg10 : memref<64x512xf32, #tpu.memory_space<vmem>>) dst(%dma_wait3A_456 : memref<64x512xf32, #tpu.memory_space<hbm>>)
    %dma_start3A_457 = arith.constant 10 : i32
    %dma_start3A_458 = arith.constant 0 : i32
    %dma_start3A_459 = arith.constant 0 : i32
    %dma_start3A_460 = tpu.memref_slice %arg10[%dma_start3A_458, %dma_start3A_459] : memref<64x512xf32, #tpu.memory_space<vmem>> -> memref<64x256xf32, #tpu.memory_space<vmem>>
    %dma_start3A_461 = arith.constant 0 : i32
    %dma_start3A_462 = tpu.memref_slice %arg7[%dma_start3A_457, %dma_start3A_461] : memref<16x64xi32, #tpu.memory_space<vmem>> -> memref<1x64xi32, #tpu.memory_space<vmem>>
    %dma_start3A_463 = tpu.memref_squeeze %dma_start3A_462 : memref<1x64xi32, #tpu.memory_space<vmem>> -> memref<64xi32, #tpu.memory_space<vmem>>
    %dma_start3A_464 = arith.constant 0 : i32
    %dma_start3A_465 = arith.constant 0 : i32
    %dma_start3A_466 = tpu.memref_slice %arg4[%dma_start3A_464, %dma_start3A_465] : memref<4096x256xf32, #tpu.memory_space<hbm>> -> memref<4096x256xf32, #tpu.memory_space<hbm>>
    tpu.enqueue_indirect_dma source(%dma_start3A_466 : memref<4096x256xf32, #tpu.memory_space<hbm>>) target(%dma_start3A_460 : memref<64x256xf32, #tpu.memory_space<vmem>>) offsets(%dma_start3A_463 : memref<64xi32, #tpu.memory_space<vmem>>) semaphore(%arg13 : memref<!tpu.dma_semaphore, #tpu.memory_space<semaphore_mem>>)
    %dma_start3A_467 = arith.constant 10 : i32
    %dma_start3A_468 = arith.constant 0 : i32
    %dma_start3A_469 = arith.constant 256 : i32
    %dma_start3A_470 = tpu.memref_slice %arg10[%dma_start3A_468, %dma_start3A_469] : memref<64x512xf32, #tpu.memory_space<vmem>> -> memref<64x256xf32, #tpu.memory_space<vmem>>
    %dma_start3A_471 = arith.constant 0 : i32
    %dma_start3A_472 = tpu.memref_slice %arg8[%dma_start3A_467, %dma_start3A_471] : memref<16x64xi32, #tpu.memory_space<vmem>> -> memref<1x64xi32, #tpu.memory_space<vmem>>
    %dma_start3A_473 = tpu.memref_squeeze %dma_start3A_472 : memref<1x64xi32, #tpu.memory_space<vmem>> -> memref<64xi32, #tpu.memory_space<vmem>>
    %dma_start3A_474 = arith.constant 0 : i32
    %dma_start3A_475 = arith.constant 0 : i32
    %dma_start3A_476 = tpu.memref_slice %arg5[%dma_start3A_474, %dma_start3A_475] : memref<4096x256xf32, #tpu.memory_space<hbm>> -> memref<4096x256xf32, #tpu.memory_space<hbm>>
    tpu.enqueue_indirect_dma source(%dma_start3A_476 : memref<4096x256xf32, #tpu.memory_space<hbm>>) target(%dma_start3A_470 : memref<64x256xf32, #tpu.memory_space<vmem>>) offsets(%dma_start3A_473 : memref<64xi32, #tpu.memory_space<vmem>>) semaphore(%arg13 : memref<!tpu.dma_semaphore, #tpu.memory_space<semaphore_mem>>)
    %dma_wait3A_477 = arith.constant 8 : i32
    %dma_wait3A_478 = arith.constant 0 : i32
    %dma_wait3A_479 = arith.constant 0 : i32
    %dma_wait3A_480 = tpu.memref_slice %arg11[%dma_wait3A_478, %dma_wait3A_479] : memref<64x512xf32, #tpu.memory_space<vmem>> -> memref<64x256xf32, #tpu.memory_space<vmem>>
    %dma_wait3A_481 = arith.constant 0 : i32
    %dma_wait3A_482 = tpu.memref_slice %arg7[%dma_wait3A_477, %dma_wait3A_481] : memref<16x64xi32, #tpu.memory_space<vmem>> -> memref<1x64xi32, #tpu.memory_space<vmem>>
    %dma_wait3A_483 = tpu.memref_squeeze %dma_wait3A_482 : memref<1x64xi32, #tpu.memory_space<vmem>> -> memref<64xi32, #tpu.memory_space<vmem>>
    %dma_wait3A_484 = arith.constant 0 : i32
    %dma_wait3A_485 = arith.constant 0 : i32
    %dma_wait3A_486 = tpu.memref_slice %arg4[%dma_wait3A_484, %dma_wait3A_485] : memref<4096x256xf32, #tpu.memory_space<hbm>> -> memref<4096x256xf32, #tpu.memory_space<hbm>>
    tpu.wait_indirect_dma semaphore(%arg14 : memref<!tpu.dma_semaphore, #tpu.memory_space<semaphore_mem>>) src(%dma_wait3A_486 : memref<4096x256xf32, #tpu.memory_space<hbm>>) dst(%dma_wait3A_480 : memref<64x256xf32, #tpu.memory_space<vmem>>)
    %dma_wait3A_487 = arith.constant 8 : i32
    %dma_wait3A_488 = arith.constant 0 : i32
    %dma_wait3A_489 = arith.constant 256 : i32
    %dma_wait3A_490 = tpu.memref_slice %arg11[%dma_wait3A_488, %dma_wait3A_489] : memref<64x512xf32, #tpu.memory_space<vmem>> -> memref<64x256xf32, #tpu.memory_space<vmem>>
    %dma_wait3A_491 = arith.constant 0 : i32
    %dma_wait3A_492 = tpu.memref_slice %arg8[%dma_wait3A_487, %dma_wait3A_491] : memref<16x64xi32, #tpu.memory_space<vmem>> -> memref<1x64xi32, #tpu.memory_space<vmem>>
    %dma_wait3A_493 = tpu.memref_squeeze %dma_wait3A_492 : memref<1x64xi32, #tpu.memory_space<vmem>> -> memref<64xi32, #tpu.memory_space<vmem>>
    %dma_wait3A_494 = arith.constant 0 : i32
    %dma_wait3A_495 = arith.constant 0 : i32
    %dma_wait3A_496 = tpu.memref_slice %arg5[%dma_wait3A_494, %dma_wait3A_495] : memref<4096x256xf32, #tpu.memory_space<hbm>> -> memref<4096x256xf32, #tpu.memory_space<hbm>>
    tpu.wait_indirect_dma semaphore(%arg14 : memref<!tpu.dma_semaphore, #tpu.memory_space<semaphore_mem>>) src(%dma_wait3A_496 : memref<4096x256xf32, #tpu.memory_space<hbm>>) dst(%dma_wait3A_490 : memref<64x256xf32, #tpu.memory_space<vmem>>)
    %mul3A_497 = arith.constant 1024 : i32
    %mul3A_498 = arith.muli %add3A, %mul3A_497 : i32
    %add3A_499 = arith.constant 512 : i32
    %add3A_500 = arith.addi %mul3A_498, %add3A_499 : i32
    %dma_start3A_501 = arith.constant 0 : i32
    %dma_start3A_502 = tpu.memref_slice %arg6[%add3A_500, %dma_start3A_501] : memref<32768x512xf32, #tpu.memory_space<hbm>> -> memref<64x512xf32, #tpu.memory_space<hbm>>
    %dma_start3A_503 = arith.constant 0 : i32
    %dma_start3A_504 = tpu.memref_slice %arg6[%add3A_500, %dma_start3A_503] : memref<32768x512xf32, #tpu.memory_space<hbm>> -> memref<64x512xf32, #tpu.memory_space<hbm>>
    tpu.enqueue_dma source(%arg11 : memref<64x512xf32, #tpu.memory_space<vmem>>) target(%dma_start3A_504 : memref<64x512xf32, #tpu.memory_space<hbm>>) target_semaphore(%arg17 : memref<!tpu.dma_semaphore, #tpu.memory_space<semaphore_mem>>)
    %dma_wait3A_505 = arith.constant 0 : i32
    %dma_wait3A_506 = tpu.memref_slice %arg6[%add3A_500, %dma_wait3A_505] : memref<32768x512xf32, #tpu.memory_space<hbm>> -> memref<64x512xf32, #tpu.memory_space<hbm>>
    %dma_wait3A_507 = arith.constant 0 : i32
    %dma_wait3A_508 = tpu.memref_slice %arg6[%add3A_500, %dma_wait3A_507] : memref<32768x512xf32, #tpu.memory_space<hbm>> -> memref<64x512xf32, #tpu.memory_space<hbm>>
    tpu.wait_dma2 semaphore(%arg17 : memref<!tpu.dma_semaphore, #tpu.memory_space<semaphore_mem>>) src(%arg11 : memref<64x512xf32, #tpu.memory_space<vmem>>) dst(%dma_wait3A_508 : memref<64x512xf32, #tpu.memory_space<hbm>>)
    %dma_start3A_509 = arith.constant 11 : i32
    %dma_start3A_510 = arith.constant 0 : i32
    %dma_start3A_511 = arith.constant 0 : i32
    %dma_start3A_512 = tpu.memref_slice %arg11[%dma_start3A_510, %dma_start3A_511] : memref<64x512xf32, #tpu.memory_space<vmem>> -> memref<64x256xf32, #tpu.memory_space<vmem>>
    %dma_start3A_513 = arith.constant 0 : i32
    %dma_start3A_514 = tpu.memref_slice %arg7[%dma_start3A_509, %dma_start3A_513] : memref<16x64xi32, #tpu.memory_space<vmem>> -> memref<1x64xi32, #tpu.memory_space<vmem>>
    %dma_start3A_515 = tpu.memref_squeeze %dma_start3A_514 : memref<1x64xi32, #tpu.memory_space<vmem>> -> memref<64xi32, #tpu.memory_space<vmem>>
    %dma_start3A_516 = arith.constant 0 : i32
    %dma_start3A_517 = arith.constant 0 : i32
    %dma_start3A_518 = tpu.memref_slice %arg4[%dma_start3A_516, %dma_start3A_517] : memref<4096x256xf32, #tpu.memory_space<hbm>> -> memref<4096x256xf32, #tpu.memory_space<hbm>>
    tpu.enqueue_indirect_dma source(%dma_start3A_518 : memref<4096x256xf32, #tpu.memory_space<hbm>>) target(%dma_start3A_512 : memref<64x256xf32, #tpu.memory_space<vmem>>) offsets(%dma_start3A_515 : memref<64xi32, #tpu.memory_space<vmem>>) semaphore(%arg14 : memref<!tpu.dma_semaphore, #tpu.memory_space<semaphore_mem>>)
    %dma_start3A_519 = arith.constant 11 : i32
    %dma_start3A_520 = arith.constant 0 : i32
    %dma_start3A_521 = arith.constant 256 : i32
    %dma_start3A_522 = tpu.memref_slice %arg11[%dma_start3A_520, %dma_start3A_521] : memref<64x512xf32, #tpu.memory_space<vmem>> -> memref<64x256xf32, #tpu.memory_space<vmem>>
    %dma_start3A_523 = arith.constant 0 : i32
    %dma_start3A_524 = tpu.memref_slice %arg8[%dma_start3A_519, %dma_start3A_523] : memref<16x64xi32, #tpu.memory_space<vmem>> -> memref<1x64xi32, #tpu.memory_space<vmem>>
    %dma_start3A_525 = tpu.memref_squeeze %dma_start3A_524 : memref<1x64xi32, #tpu.memory_space<vmem>> -> memref<64xi32, #tpu.memory_space<vmem>>
    %dma_start3A_526 = arith.constant 0 : i32
    %dma_start3A_527 = arith.constant 0 : i32
    %dma_start3A_528 = tpu.memref_slice %arg5[%dma_start3A_526, %dma_start3A_527] : memref<4096x256xf32, #tpu.memory_space<hbm>> -> memref<4096x256xf32, #tpu.memory_space<hbm>>
    tpu.enqueue_indirect_dma source(%dma_start3A_528 : memref<4096x256xf32, #tpu.memory_space<hbm>>) target(%dma_start3A_522 : memref<64x256xf32, #tpu.memory_space<vmem>>) offsets(%dma_start3A_525 : memref<64xi32, #tpu.memory_space<vmem>>) semaphore(%arg14 : memref<!tpu.dma_semaphore, #tpu.memory_space<semaphore_mem>>)
    %dma_wait3A_529 = arith.constant 9 : i32
    %dma_wait3A_530 = arith.constant 0 : i32
    %dma_wait3A_531 = arith.constant 0 : i32
    %dma_wait3A_532 = tpu.memref_slice %arg9[%dma_wait3A_530, %dma_wait3A_531] : memref<64x512xf32, #tpu.memory_space<vmem>> -> memref<64x256xf32, #tpu.memory_space<vmem>>
    %dma_wait3A_533 = arith.constant 0 : i32
    %dma_wait3A_534 = tpu.memref_slice %arg7[%dma_wait3A_529, %dma_wait3A_533] : memref<16x64xi32, #tpu.memory_space<vmem>> -> memref<1x64xi32, #tpu.memory_space<vmem>>
    %dma_wait3A_535 = tpu.memref_squeeze %dma_wait3A_534 : memref<1x64xi32, #tpu.memory_space<vmem>> -> memref<64xi32, #tpu.memory_space<vmem>>
    %dma_wait3A_536 = arith.constant 0 : i32
    %dma_wait3A_537 = arith.constant 0 : i32
    %dma_wait3A_538 = tpu.memref_slice %arg4[%dma_wait3A_536, %dma_wait3A_537] : memref<4096x256xf32, #tpu.memory_space<hbm>> -> memref<4096x256xf32, #tpu.memory_space<hbm>>
    tpu.wait_indirect_dma semaphore(%arg12 : memref<!tpu.dma_semaphore, #tpu.memory_space<semaphore_mem>>) src(%dma_wait3A_538 : memref<4096x256xf32, #tpu.memory_space<hbm>>) dst(%dma_wait3A_532 : memref<64x256xf32, #tpu.memory_space<vmem>>)
    %dma_wait3A_539 = arith.constant 9 : i32
    %dma_wait3A_540 = arith.constant 0 : i32
    %dma_wait3A_541 = arith.constant 256 : i32
    %dma_wait3A_542 = tpu.memref_slice %arg9[%dma_wait3A_540, %dma_wait3A_541] : memref<64x512xf32, #tpu.memory_space<vmem>> -> memref<64x256xf32, #tpu.memory_space<vmem>>
    %dma_wait3A_543 = arith.constant 0 : i32
    %dma_wait3A_544 = tpu.memref_slice %arg8[%dma_wait3A_539, %dma_wait3A_543] : memref<16x64xi32, #tpu.memory_space<vmem>> -> memref<1x64xi32, #tpu.memory_space<vmem>>
    %dma_wait3A_545 = tpu.memref_squeeze %dma_wait3A_544 : memref<1x64xi32, #tpu.memory_space<vmem>> -> memref<64xi32, #tpu.memory_space<vmem>>
    %dma_wait3A_546 = arith.constant 0 : i32
    %dma_wait3A_547 = arith.constant 0 : i32
    %dma_wait3A_548 = tpu.memref_slice %arg5[%dma_wait3A_546, %dma_wait3A_547] : memref<4096x256xf32, #tpu.memory_space<hbm>> -> memref<4096x256xf32, #tpu.memory_space<hbm>>
    tpu.wait_indirect_dma semaphore(%arg12 : memref<!tpu.dma_semaphore, #tpu.memory_space<semaphore_mem>>) src(%dma_wait3A_548 : memref<4096x256xf32, #tpu.memory_space<hbm>>) dst(%dma_wait3A_542 : memref<64x256xf32, #tpu.memory_space<vmem>>)
    %mul3A_549 = arith.constant 1024 : i32
    %mul3A_550 = arith.muli %add3A, %mul3A_549 : i32
    %add3A_551 = arith.constant 576 : i32
    %add3A_552 = arith.addi %mul3A_550, %add3A_551 : i32
    %dma_start3A_553 = arith.constant 0 : i32
    %dma_start3A_554 = tpu.memref_slice %arg6[%add3A_552, %dma_start3A_553] : memref<32768x512xf32, #tpu.memory_space<hbm>> -> memref<64x512xf32, #tpu.memory_space<hbm>>
    %dma_start3A_555 = arith.constant 0 : i32
    %dma_start3A_556 = tpu.memref_slice %arg6[%add3A_552, %dma_start3A_555] : memref<32768x512xf32, #tpu.memory_space<hbm>> -> memref<64x512xf32, #tpu.memory_space<hbm>>
    tpu.enqueue_dma source(%arg9 : memref<64x512xf32, #tpu.memory_space<vmem>>) target(%dma_start3A_556 : memref<64x512xf32, #tpu.memory_space<hbm>>) target_semaphore(%arg15 : memref<!tpu.dma_semaphore, #tpu.memory_space<semaphore_mem>>)
    %dma_wait3A_557 = arith.constant 0 : i32
    %dma_wait3A_558 = tpu.memref_slice %arg6[%add3A_552, %dma_wait3A_557] : memref<32768x512xf32, #tpu.memory_space<hbm>> -> memref<64x512xf32, #tpu.memory_space<hbm>>
    %dma_wait3A_559 = arith.constant 0 : i32
    %dma_wait3A_560 = tpu.memref_slice %arg6[%add3A_552, %dma_wait3A_559] : memref<32768x512xf32, #tpu.memory_space<hbm>> -> memref<64x512xf32, #tpu.memory_space<hbm>>
    tpu.wait_dma2 semaphore(%arg15 : memref<!tpu.dma_semaphore, #tpu.memory_space<semaphore_mem>>) src(%arg9 : memref<64x512xf32, #tpu.memory_space<vmem>>) dst(%dma_wait3A_560 : memref<64x512xf32, #tpu.memory_space<hbm>>)
    %dma_start3A_561 = arith.constant 12 : i32
    %dma_start3A_562 = arith.constant 0 : i32
    %dma_start3A_563 = arith.constant 0 : i32
    %dma_start3A_564 = tpu.memref_slice %arg9[%dma_start3A_562, %dma_start3A_563] : memref<64x512xf32, #tpu.memory_space<vmem>> -> memref<64x256xf32, #tpu.memory_space<vmem>>
    %dma_start3A_565 = arith.constant 0 : i32
    %dma_start3A_566 = tpu.memref_slice %arg7[%dma_start3A_561, %dma_start3A_565] : memref<16x64xi32, #tpu.memory_space<vmem>> -> memref<1x64xi32, #tpu.memory_space<vmem>>
    %dma_start3A_567 = tpu.memref_squeeze %dma_start3A_566 : memref<1x64xi32, #tpu.memory_space<vmem>> -> memref<64xi32, #tpu.memory_space<vmem>>
    %dma_start3A_568 = arith.constant 0 : i32
    %dma_start3A_569 = arith.constant 0 : i32
    %dma_start3A_570 = tpu.memref_slice %arg4[%dma_start3A_568, %dma_start3A_569] : memref<4096x256xf32, #tpu.memory_space<hbm>> -> memref<4096x256xf32, #tpu.memory_space<hbm>>
    tpu.enqueue_indirect_dma source(%dma_start3A_570 : memref<4096x256xf32, #tpu.memory_space<hbm>>) target(%dma_start3A_564 : memref<64x256xf32, #tpu.memory_space<vmem>>) offsets(%dma_start3A_567 : memref<64xi32, #tpu.memory_space<vmem>>) semaphore(%arg12 : memref<!tpu.dma_semaphore, #tpu.memory_space<semaphore_mem>>)
    %dma_start3A_571 = arith.constant 12 : i32
    %dma_start3A_572 = arith.constant 0 : i32
    %dma_start3A_573 = arith.constant 256 : i32
    %dma_start3A_574 = tpu.memref_slice %arg9[%dma_start3A_572, %dma_start3A_573] : memref<64x512xf32, #tpu.memory_space<vmem>> -> memref<64x256xf32, #tpu.memory_space<vmem>>
    %dma_start3A_575 = arith.constant 0 : i32
    %dma_start3A_576 = tpu.memref_slice %arg8[%dma_start3A_571, %dma_start3A_575] : memref<16x64xi32, #tpu.memory_space<vmem>> -> memref<1x64xi32, #tpu.memory_space<vmem>>
    %dma_start3A_577 = tpu.memref_squeeze %dma_start3A_576 : memref<1x64xi32, #tpu.memory_space<vmem>> -> memref<64xi32, #tpu.memory_space<vmem>>
    %dma_start3A_578 = arith.constant 0 : i32
    %dma_start3A_579 = arith.constant 0 : i32
    %dma_start3A_580 = tpu.memref_slice %arg5[%dma_start3A_578, %dma_start3A_579] : memref<4096x256xf32, #tpu.memory_space<hbm>> -> memref<4096x256xf32, #tpu.memory_space<hbm>>
    tpu.enqueue_indirect_dma source(%dma_start3A_580 : memref<4096x256xf32, #tpu.memory_space<hbm>>) target(%dma_start3A_574 : memref<64x256xf32, #tpu.memory_space<vmem>>) offsets(%dma_start3A_577 : memref<64xi32, #tpu.memory_space<vmem>>) semaphore(%arg12 : memref<!tpu.dma_semaphore, #tpu.memory_space<semaphore_mem>>)
    %dma_wait3A_581 = arith.constant 10 : i32
    %dma_wait3A_582 = arith.constant 0 : i32
    %dma_wait3A_583 = arith.constant 0 : i32
    %dma_wait3A_584 = tpu.memref_slice %arg10[%dma_wait3A_582, %dma_wait3A_583] : memref<64x512xf32, #tpu.memory_space<vmem>> -> memref<64x256xf32, #tpu.memory_space<vmem>>
    %dma_wait3A_585 = arith.constant 0 : i32
    %dma_wait3A_586 = tpu.memref_slice %arg7[%dma_wait3A_581, %dma_wait3A_585] : memref<16x64xi32, #tpu.memory_space<vmem>> -> memref<1x64xi32, #tpu.memory_space<vmem>>
    %dma_wait3A_587 = tpu.memref_squeeze %dma_wait3A_586 : memref<1x64xi32, #tpu.memory_space<vmem>> -> memref<64xi32, #tpu.memory_space<vmem>>
    %dma_wait3A_588 = arith.constant 0 : i32
    %dma_wait3A_589 = arith.constant 0 : i32
    %dma_wait3A_590 = tpu.memref_slice %arg4[%dma_wait3A_588, %dma_wait3A_589] : memref<4096x256xf32, #tpu.memory_space<hbm>> -> memref<4096x256xf32, #tpu.memory_space<hbm>>
    tpu.wait_indirect_dma semaphore(%arg13 : memref<!tpu.dma_semaphore, #tpu.memory_space<semaphore_mem>>) src(%dma_wait3A_590 : memref<4096x256xf32, #tpu.memory_space<hbm>>) dst(%dma_wait3A_584 : memref<64x256xf32, #tpu.memory_space<vmem>>)
    %dma_wait3A_591 = arith.constant 10 : i32
    %dma_wait3A_592 = arith.constant 0 : i32
    %dma_wait3A_593 = arith.constant 256 : i32
    %dma_wait3A_594 = tpu.memref_slice %arg10[%dma_wait3A_592, %dma_wait3A_593] : memref<64x512xf32, #tpu.memory_space<vmem>> -> memref<64x256xf32, #tpu.memory_space<vmem>>
    %dma_wait3A_595 = arith.constant 0 : i32
    %dma_wait3A_596 = tpu.memref_slice %arg8[%dma_wait3A_591, %dma_wait3A_595] : memref<16x64xi32, #tpu.memory_space<vmem>> -> memref<1x64xi32, #tpu.memory_space<vmem>>
    %dma_wait3A_597 = tpu.memref_squeeze %dma_wait3A_596 : memref<1x64xi32, #tpu.memory_space<vmem>> -> memref<64xi32, #tpu.memory_space<vmem>>
    %dma_wait3A_598 = arith.constant 0 : i32
    %dma_wait3A_599 = arith.constant 0 : i32
    %dma_wait3A_600 = tpu.memref_slice %arg5[%dma_wait3A_598, %dma_wait3A_599] : memref<4096x256xf32, #tpu.memory_space<hbm>> -> memref<4096x256xf32, #tpu.memory_space<hbm>>
    tpu.wait_indirect_dma semaphore(%arg13 : memref<!tpu.dma_semaphore, #tpu.memory_space<semaphore_mem>>) src(%dma_wait3A_600 : memref<4096x256xf32, #tpu.memory_space<hbm>>) dst(%dma_wait3A_594 : memref<64x256xf32, #tpu.memory_space<vmem>>)
    %mul3A_601 = arith.constant 1024 : i32
    %mul3A_602 = arith.muli %add3A, %mul3A_601 : i32
    %add3A_603 = arith.constant 640 : i32
    %add3A_604 = arith.addi %mul3A_602, %add3A_603 : i32
    %dma_start3A_605 = arith.constant 0 : i32
    %dma_start3A_606 = tpu.memref_slice %arg6[%add3A_604, %dma_start3A_605] : memref<32768x512xf32, #tpu.memory_space<hbm>> -> memref<64x512xf32, #tpu.memory_space<hbm>>
    %dma_start3A_607 = arith.constant 0 : i32
    %dma_start3A_608 = tpu.memref_slice %arg6[%add3A_604, %dma_start3A_607] : memref<32768x512xf32, #tpu.memory_space<hbm>> -> memref<64x512xf32, #tpu.memory_space<hbm>>
    tpu.enqueue_dma source(%arg10 : memref<64x512xf32, #tpu.memory_space<vmem>>) target(%dma_start3A_608 : memref<64x512xf32, #tpu.memory_space<hbm>>) target_semaphore(%arg16 : memref<!tpu.dma_semaphore, #tpu.memory_space<semaphore_mem>>)
    %dma_wait3A_609 = arith.constant 0 : i32
    %dma_wait3A_610 = tpu.memref_slice %arg6[%add3A_604, %dma_wait3A_609] : memref<32768x512xf32, #tpu.memory_space<hbm>> -> memref<64x512xf32, #tpu.memory_space<hbm>>
    %dma_wait3A_611 = arith.constant 0 : i32
    %dma_wait3A_612 = tpu.memref_slice %arg6[%add3A_604, %dma_wait3A_611] : memref<32768x512xf32, #tpu.memory_space<hbm>> -> memref<64x512xf32, #tpu.memory_space<hbm>>
    tpu.wait_dma2 semaphore(%arg16 : memref<!tpu.dma_semaphore, #tpu.memory_space<semaphore_mem>>) src(%arg10 : memref<64x512xf32, #tpu.memory_space<vmem>>) dst(%dma_wait3A_612 : memref<64x512xf32, #tpu.memory_space<hbm>>)
    %dma_start3A_613 = arith.constant 13 : i32
    %dma_start3A_614 = arith.constant 0 : i32
    %dma_start3A_615 = arith.constant 0 : i32
    %dma_start3A_616 = tpu.memref_slice %arg10[%dma_start3A_614, %dma_start3A_615] : memref<64x512xf32, #tpu.memory_space<vmem>> -> memref<64x256xf32, #tpu.memory_space<vmem>>
    %dma_start3A_617 = arith.constant 0 : i32
    %dma_start3A_618 = tpu.memref_slice %arg7[%dma_start3A_613, %dma_start3A_617] : memref<16x64xi32, #tpu.memory_space<vmem>> -> memref<1x64xi32, #tpu.memory_space<vmem>>
    %dma_start3A_619 = tpu.memref_squeeze %dma_start3A_618 : memref<1x64xi32, #tpu.memory_space<vmem>> -> memref<64xi32, #tpu.memory_space<vmem>>
    %dma_start3A_620 = arith.constant 0 : i32
    %dma_start3A_621 = arith.constant 0 : i32
    %dma_start3A_622 = tpu.memref_slice %arg4[%dma_start3A_620, %dma_start3A_621] : memref<4096x256xf32, #tpu.memory_space<hbm>> -> memref<4096x256xf32, #tpu.memory_space<hbm>>
    tpu.enqueue_indirect_dma source(%dma_start3A_622 : memref<4096x256xf32, #tpu.memory_space<hbm>>) target(%dma_start3A_616 : memref<64x256xf32, #tpu.memory_space<vmem>>) offsets(%dma_start3A_619 : memref<64xi32, #tpu.memory_space<vmem>>) semaphore(%arg13 : memref<!tpu.dma_semaphore, #tpu.memory_space<semaphore_mem>>)
    %dma_start3A_623 = arith.constant 13 : i32
    %dma_start3A_624 = arith.constant 0 : i32
    %dma_start3A_625 = arith.constant 256 : i32
    %dma_start3A_626 = tpu.memref_slice %arg10[%dma_start3A_624, %dma_start3A_625] : memref<64x512xf32, #tpu.memory_space<vmem>> -> memref<64x256xf32, #tpu.memory_space<vmem>>
    %dma_start3A_627 = arith.constant 0 : i32
    %dma_start3A_628 = tpu.memref_slice %arg8[%dma_start3A_623, %dma_start3A_627] : memref<16x64xi32, #tpu.memory_space<vmem>> -> memref<1x64xi32, #tpu.memory_space<vmem>>
    %dma_start3A_629 = tpu.memref_squeeze %dma_start3A_628 : memref<1x64xi32, #tpu.memory_space<vmem>> -> memref<64xi32, #tpu.memory_space<vmem>>
    %dma_start3A_630 = arith.constant 0 : i32
    %dma_start3A_631 = arith.constant 0 : i32
    %dma_start3A_632 = tpu.memref_slice %arg5[%dma_start3A_630, %dma_start3A_631] : memref<4096x256xf32, #tpu.memory_space<hbm>> -> memref<4096x256xf32, #tpu.memory_space<hbm>>
    tpu.enqueue_indirect_dma source(%dma_start3A_632 : memref<4096x256xf32, #tpu.memory_space<hbm>>) target(%dma_start3A_626 : memref<64x256xf32, #tpu.memory_space<vmem>>) offsets(%dma_start3A_629 : memref<64xi32, #tpu.memory_space<vmem>>) semaphore(%arg13 : memref<!tpu.dma_semaphore, #tpu.memory_space<semaphore_mem>>)
    %dma_wait3A_633 = arith.constant 11 : i32
    %dma_wait3A_634 = arith.constant 0 : i32
    %dma_wait3A_635 = arith.constant 0 : i32
    %dma_wait3A_636 = tpu.memref_slice %arg11[%dma_wait3A_634, %dma_wait3A_635] : memref<64x512xf32, #tpu.memory_space<vmem>> -> memref<64x256xf32, #tpu.memory_space<vmem>>
    %dma_wait3A_637 = arith.constant 0 : i32
    %dma_wait3A_638 = tpu.memref_slice %arg7[%dma_wait3A_633, %dma_wait3A_637] : memref<16x64xi32, #tpu.memory_space<vmem>> -> memref<1x64xi32, #tpu.memory_space<vmem>>
    %dma_wait3A_639 = tpu.memref_squeeze %dma_wait3A_638 : memref<1x64xi32, #tpu.memory_space<vmem>> -> memref<64xi32, #tpu.memory_space<vmem>>
    %dma_wait3A_640 = arith.constant 0 : i32
    %dma_wait3A_641 = arith.constant 0 : i32
    %dma_wait3A_642 = tpu.memref_slice %arg4[%dma_wait3A_640, %dma_wait3A_641] : memref<4096x256xf32, #tpu.memory_space<hbm>> -> memref<4096x256xf32, #tpu.memory_space<hbm>>
    tpu.wait_indirect_dma semaphore(%arg14 : memref<!tpu.dma_semaphore, #tpu.memory_space<semaphore_mem>>) src(%dma_wait3A_642 : memref<4096x256xf32, #tpu.memory_space<hbm>>) dst(%dma_wait3A_636 : memref<64x256xf32, #tpu.memory_space<vmem>>)
    %dma_wait3A_643 = arith.constant 11 : i32
    %dma_wait3A_644 = arith.constant 0 : i32
    %dma_wait3A_645 = arith.constant 256 : i32
    %dma_wait3A_646 = tpu.memref_slice %arg11[%dma_wait3A_644, %dma_wait3A_645] : memref<64x512xf32, #tpu.memory_space<vmem>> -> memref<64x256xf32, #tpu.memory_space<vmem>>
    %dma_wait3A_647 = arith.constant 0 : i32
    %dma_wait3A_648 = tpu.memref_slice %arg8[%dma_wait3A_643, %dma_wait3A_647] : memref<16x64xi32, #tpu.memory_space<vmem>> -> memref<1x64xi32, #tpu.memory_space<vmem>>
    %dma_wait3A_649 = tpu.memref_squeeze %dma_wait3A_648 : memref<1x64xi32, #tpu.memory_space<vmem>> -> memref<64xi32, #tpu.memory_space<vmem>>
    %dma_wait3A_650 = arith.constant 0 : i32
    %dma_wait3A_651 = arith.constant 0 : i32
    %dma_wait3A_652 = tpu.memref_slice %arg5[%dma_wait3A_650, %dma_wait3A_651] : memref<4096x256xf32, #tpu.memory_space<hbm>> -> memref<4096x256xf32, #tpu.memory_space<hbm>>
    tpu.wait_indirect_dma semaphore(%arg14 : memref<!tpu.dma_semaphore, #tpu.memory_space<semaphore_mem>>) src(%dma_wait3A_652 : memref<4096x256xf32, #tpu.memory_space<hbm>>) dst(%dma_wait3A_646 : memref<64x256xf32, #tpu.memory_space<vmem>>)
    %mul3A_653 = arith.constant 1024 : i32
    %mul3A_654 = arith.muli %add3A, %mul3A_653 : i32
    %add3A_655 = arith.constant 704 : i32
    %add3A_656 = arith.addi %mul3A_654, %add3A_655 : i32
    %dma_start3A_657 = arith.constant 0 : i32
    %dma_start3A_658 = tpu.memref_slice %arg6[%add3A_656, %dma_start3A_657] : memref<32768x512xf32, #tpu.memory_space<hbm>> -> memref<64x512xf32, #tpu.memory_space<hbm>>
    %dma_start3A_659 = arith.constant 0 : i32
    %dma_start3A_660 = tpu.memref_slice %arg6[%add3A_656, %dma_start3A_659] : memref<32768x512xf32, #tpu.memory_space<hbm>> -> memref<64x512xf32, #tpu.memory_space<hbm>>
    tpu.enqueue_dma source(%arg11 : memref<64x512xf32, #tpu.memory_space<vmem>>) target(%dma_start3A_660 : memref<64x512xf32, #tpu.memory_space<hbm>>) target_semaphore(%arg17 : memref<!tpu.dma_semaphore, #tpu.memory_space<semaphore_mem>>)
    %dma_wait3A_661 = arith.constant 0 : i32
    %dma_wait3A_662 = tpu.memref_slice %arg6[%add3A_656, %dma_wait3A_661] : memref<32768x512xf32, #tpu.memory_space<hbm>> -> memref<64x512xf32, #tpu.memory_space<hbm>>
    %dma_wait3A_663 = arith.constant 0 : i32
    %dma_wait3A_664 = tpu.memref_slice %arg6[%add3A_656, %dma_wait3A_663] : memref<32768x512xf32, #tpu.memory_space<hbm>> -> memref<64x512xf32, #tpu.memory_space<hbm>>
    tpu.wait_dma2 semaphore(%arg17 : memref<!tpu.dma_semaphore, #tpu.memory_space<semaphore_mem>>) src(%arg11 : memref<64x512xf32, #tpu.memory_space<vmem>>) dst(%dma_wait3A_664 : memref<64x512xf32, #tpu.memory_space<hbm>>)
    %dma_start3A_665 = arith.constant 14 : i32
    %dma_start3A_666 = arith.constant 0 : i32
    %dma_start3A_667 = arith.constant 0 : i32
    %dma_start3A_668 = tpu.memref_slice %arg11[%dma_start3A_666, %dma_start3A_667] : memref<64x512xf32, #tpu.memory_space<vmem>> -> memref<64x256xf32, #tpu.memory_space<vmem>>
    %dma_start3A_669 = arith.constant 0 : i32
    %dma_start3A_670 = tpu.memref_slice %arg7[%dma_start3A_665, %dma_start3A_669] : memref<16x64xi32, #tpu.memory_space<vmem>> -> memref<1x64xi32, #tpu.memory_space<vmem>>
    %dma_start3A_671 = tpu.memref_squeeze %dma_start3A_670 : memref<1x64xi32, #tpu.memory_space<vmem>> -> memref<64xi32, #tpu.memory_space<vmem>>
    %dma_start3A_672 = arith.constant 0 : i32
    %dma_start3A_673 = arith.constant 0 : i32
    %dma_start3A_674 = tpu.memref_slice %arg4[%dma_start3A_672, %dma_start3A_673] : memref<4096x256xf32, #tpu.memory_space<hbm>> -> memref<4096x256xf32, #tpu.memory_space<hbm>>
    tpu.enqueue_indirect_dma source(%dma_start3A_674 : memref<4096x256xf32, #tpu.memory_space<hbm>>) target(%dma_start3A_668 : memref<64x256xf32, #tpu.memory_space<vmem>>) offsets(%dma_start3A_671 : memref<64xi32, #tpu.memory_space<vmem>>) semaphore(%arg14 : memref<!tpu.dma_semaphore, #tpu.memory_space<semaphore_mem>>)
    %dma_start3A_675 = arith.constant 14 : i32
    %dma_start3A_676 = arith.constant 0 : i32
    %dma_start3A_677 = arith.constant 256 : i32
    %dma_start3A_678 = tpu.memref_slice %arg11[%dma_start3A_676, %dma_start3A_677] : memref<64x512xf32, #tpu.memory_space<vmem>> -> memref<64x256xf32, #tpu.memory_space<vmem>>
    %dma_start3A_679 = arith.constant 0 : i32
    %dma_start3A_680 = tpu.memref_slice %arg8[%dma_start3A_675, %dma_start3A_679] : memref<16x64xi32, #tpu.memory_space<vmem>> -> memref<1x64xi32, #tpu.memory_space<vmem>>
    %dma_start3A_681 = tpu.memref_squeeze %dma_start3A_680 : memref<1x64xi32, #tpu.memory_space<vmem>> -> memref<64xi32, #tpu.memory_space<vmem>>
    %dma_start3A_682 = arith.constant 0 : i32
    %dma_start3A_683 = arith.constant 0 : i32
    %dma_start3A_684 = tpu.memref_slice %arg5[%dma_start3A_682, %dma_start3A_683] : memref<4096x256xf32, #tpu.memory_space<hbm>> -> memref<4096x256xf32, #tpu.memory_space<hbm>>
    tpu.enqueue_indirect_dma source(%dma_start3A_684 : memref<4096x256xf32, #tpu.memory_space<hbm>>) target(%dma_start3A_678 : memref<64x256xf32, #tpu.memory_space<vmem>>) offsets(%dma_start3A_681 : memref<64xi32, #tpu.memory_space<vmem>>) semaphore(%arg14 : memref<!tpu.dma_semaphore, #tpu.memory_space<semaphore_mem>>)
    %dma_wait3A_685 = arith.constant 12 : i32
    %dma_wait3A_686 = arith.constant 0 : i32
    %dma_wait3A_687 = arith.constant 0 : i32
    %dma_wait3A_688 = tpu.memref_slice %arg9[%dma_wait3A_686, %dma_wait3A_687] : memref<64x512xf32, #tpu.memory_space<vmem>> -> memref<64x256xf32, #tpu.memory_space<vmem>>
    %dma_wait3A_689 = arith.constant 0 : i32
    %dma_wait3A_690 = tpu.memref_slice %arg7[%dma_wait3A_685, %dma_wait3A_689] : memref<16x64xi32, #tpu.memory_space<vmem>> -> memref<1x64xi32, #tpu.memory_space<vmem>>
    %dma_wait3A_691 = tpu.memref_squeeze %dma_wait3A_690 : memref<1x64xi32, #tpu.memory_space<vmem>> -> memref<64xi32, #tpu.memory_space<vmem>>
    %dma_wait3A_692 = arith.constant 0 : i32
    %dma_wait3A_693 = arith.constant 0 : i32
    %dma_wait3A_694 = tpu.memref_slice %arg4[%dma_wait3A_692, %dma_wait3A_693] : memref<4096x256xf32, #tpu.memory_space<hbm>> -> memref<4096x256xf32, #tpu.memory_space<hbm>>
    tpu.wait_indirect_dma semaphore(%arg12 : memref<!tpu.dma_semaphore, #tpu.memory_space<semaphore_mem>>) src(%dma_wait3A_694 : memref<4096x256xf32, #tpu.memory_space<hbm>>) dst(%dma_wait3A_688 : memref<64x256xf32, #tpu.memory_space<vmem>>)
    %dma_wait3A_695 = arith.constant 12 : i32
    %dma_wait3A_696 = arith.constant 0 : i32
    %dma_wait3A_697 = arith.constant 256 : i32
    %dma_wait3A_698 = tpu.memref_slice %arg9[%dma_wait3A_696, %dma_wait3A_697] : memref<64x512xf32, #tpu.memory_space<vmem>> -> memref<64x256xf32, #tpu.memory_space<vmem>>
    %dma_wait3A_699 = arith.constant 0 : i32
    %dma_wait3A_700 = tpu.memref_slice %arg8[%dma_wait3A_695, %dma_wait3A_699] : memref<16x64xi32, #tpu.memory_space<vmem>> -> memref<1x64xi32, #tpu.memory_space<vmem>>
    %dma_wait3A_701 = tpu.memref_squeeze %dma_wait3A_700 : memref<1x64xi32, #tpu.memory_space<vmem>> -> memref<64xi32, #tpu.memory_space<vmem>>
    %dma_wait3A_702 = arith.constant 0 : i32
    %dma_wait3A_703 = arith.constant 0 : i32
    %dma_wait3A_704 = tpu.memref_slice %arg5[%dma_wait3A_702, %dma_wait3A_703] : memref<4096x256xf32, #tpu.memory_space<hbm>> -> memref<4096x256xf32, #tpu.memory_space<hbm>>
    tpu.wait_indirect_dma semaphore(%arg12 : memref<!tpu.dma_semaphore, #tpu.memory_space<semaphore_mem>>) src(%dma_wait3A_704 : memref<4096x256xf32, #tpu.memory_space<hbm>>) dst(%dma_wait3A_698 : memref<64x256xf32, #tpu.memory_space<vmem>>)
    %mul3A_705 = arith.constant 1024 : i32
    %mul3A_706 = arith.muli %add3A, %mul3A_705 : i32
    %add3A_707 = arith.constant 768 : i32
    %add3A_708 = arith.addi %mul3A_706, %add3A_707 : i32
    %dma_start3A_709 = arith.constant 0 : i32
    %dma_start3A_710 = tpu.memref_slice %arg6[%add3A_708, %dma_start3A_709] : memref<32768x512xf32, #tpu.memory_space<hbm>> -> memref<64x512xf32, #tpu.memory_space<hbm>>
    %dma_start3A_711 = arith.constant 0 : i32
    %dma_start3A_712 = tpu.memref_slice %arg6[%add3A_708, %dma_start3A_711] : memref<32768x512xf32, #tpu.memory_space<hbm>> -> memref<64x512xf32, #tpu.memory_space<hbm>>
    tpu.enqueue_dma source(%arg9 : memref<64x512xf32, #tpu.memory_space<vmem>>) target(%dma_start3A_712 : memref<64x512xf32, #tpu.memory_space<hbm>>) target_semaphore(%arg15 : memref<!tpu.dma_semaphore, #tpu.memory_space<semaphore_mem>>)
    %dma_wait3A_713 = arith.constant 0 : i32
    %dma_wait3A_714 = tpu.memref_slice %arg6[%add3A_708, %dma_wait3A_713] : memref<32768x512xf32, #tpu.memory_space<hbm>> -> memref<64x512xf32, #tpu.memory_space<hbm>>
    %dma_wait3A_715 = arith.constant 0 : i32
    %dma_wait3A_716 = tpu.memref_slice %arg6[%add3A_708, %dma_wait3A_715] : memref<32768x512xf32, #tpu.memory_space<hbm>> -> memref<64x512xf32, #tpu.memory_space<hbm>>
    tpu.wait_dma2 semaphore(%arg15 : memref<!tpu.dma_semaphore, #tpu.memory_space<semaphore_mem>>) src(%arg9 : memref<64x512xf32, #tpu.memory_space<vmem>>) dst(%dma_wait3A_716 : memref<64x512xf32, #tpu.memory_space<hbm>>)
    %dma_start3A_717 = arith.constant 15 : i32
    %dma_start3A_718 = arith.constant 0 : i32
    %dma_start3A_719 = arith.constant 0 : i32
    %dma_start3A_720 = tpu.memref_slice %arg9[%dma_start3A_718, %dma_start3A_719] : memref<64x512xf32, #tpu.memory_space<vmem>> -> memref<64x256xf32, #tpu.memory_space<vmem>>
    %dma_start3A_721 = arith.constant 0 : i32
    %dma_start3A_722 = tpu.memref_slice %arg7[%dma_start3A_717, %dma_start3A_721] : memref<16x64xi32, #tpu.memory_space<vmem>> -> memref<1x64xi32, #tpu.memory_space<vmem>>
    %dma_start3A_723 = tpu.memref_squeeze %dma_start3A_722 : memref<1x64xi32, #tpu.memory_space<vmem>> -> memref<64xi32, #tpu.memory_space<vmem>>
    %dma_start3A_724 = arith.constant 0 : i32
    %dma_start3A_725 = arith.constant 0 : i32
    %dma_start3A_726 = tpu.memref_slice %arg4[%dma_start3A_724, %dma_start3A_725] : memref<4096x256xf32, #tpu.memory_space<hbm>> -> memref<4096x256xf32, #tpu.memory_space<hbm>>
    tpu.enqueue_indirect_dma source(%dma_start3A_726 : memref<4096x256xf32, #tpu.memory_space<hbm>>) target(%dma_start3A_720 : memref<64x256xf32, #tpu.memory_space<vmem>>) offsets(%dma_start3A_723 : memref<64xi32, #tpu.memory_space<vmem>>) semaphore(%arg12 : memref<!tpu.dma_semaphore, #tpu.memory_space<semaphore_mem>>)
    %dma_start3A_727 = arith.constant 15 : i32
    %dma_start3A_728 = arith.constant 0 : i32
    %dma_start3A_729 = arith.constant 256 : i32
    %dma_start3A_730 = tpu.memref_slice %arg9[%dma_start3A_728, %dma_start3A_729] : memref<64x512xf32, #tpu.memory_space<vmem>> -> memref<64x256xf32, #tpu.memory_space<vmem>>
    %dma_start3A_731 = arith.constant 0 : i32
    %dma_start3A_732 = tpu.memref_slice %arg8[%dma_start3A_727, %dma_start3A_731] : memref<16x64xi32, #tpu.memory_space<vmem>> -> memref<1x64xi32, #tpu.memory_space<vmem>>
    %dma_start3A_733 = tpu.memref_squeeze %dma_start3A_732 : memref<1x64xi32, #tpu.memory_space<vmem>> -> memref<64xi32, #tpu.memory_space<vmem>>
    %dma_start3A_734 = arith.constant 0 : i32
    %dma_start3A_735 = arith.constant 0 : i32
    %dma_start3A_736 = tpu.memref_slice %arg5[%dma_start3A_734, %dma_start3A_735] : memref<4096x256xf32, #tpu.memory_space<hbm>> -> memref<4096x256xf32, #tpu.memory_space<hbm>>
    tpu.enqueue_indirect_dma source(%dma_start3A_736 : memref<4096x256xf32, #tpu.memory_space<hbm>>) target(%dma_start3A_730 : memref<64x256xf32, #tpu.memory_space<vmem>>) offsets(%dma_start3A_733 : memref<64xi32, #tpu.memory_space<vmem>>) semaphore(%arg12 : memref<!tpu.dma_semaphore, #tpu.memory_space<semaphore_mem>>)
    %dma_wait3A_737 = arith.constant 13 : i32
    %dma_wait3A_738 = arith.constant 0 : i32
    %dma_wait3A_739 = arith.constant 0 : i32
    %dma_wait3A_740 = tpu.memref_slice %arg10[%dma_wait3A_738, %dma_wait3A_739] : memref<64x512xf32, #tpu.memory_space<vmem>> -> memref<64x256xf32, #tpu.memory_space<vmem>>
    %dma_wait3A_741 = arith.constant 0 : i32
    %dma_wait3A_742 = tpu.memref_slice %arg7[%dma_wait3A_737, %dma_wait3A_741] : memref<16x64xi32, #tpu.memory_space<vmem>> -> memref<1x64xi32, #tpu.memory_space<vmem>>
    %dma_wait3A_743 = tpu.memref_squeeze %dma_wait3A_742 : memref<1x64xi32, #tpu.memory_space<vmem>> -> memref<64xi32, #tpu.memory_space<vmem>>
    %dma_wait3A_744 = arith.constant 0 : i32
    %dma_wait3A_745 = arith.constant 0 : i32
    %dma_wait3A_746 = tpu.memref_slice %arg4[%dma_wait3A_744, %dma_wait3A_745] : memref<4096x256xf32, #tpu.memory_space<hbm>> -> memref<4096x256xf32, #tpu.memory_space<hbm>>
    tpu.wait_indirect_dma semaphore(%arg13 : memref<!tpu.dma_semaphore, #tpu.memory_space<semaphore_mem>>) src(%dma_wait3A_746 : memref<4096x256xf32, #tpu.memory_space<hbm>>) dst(%dma_wait3A_740 : memref<64x256xf32, #tpu.memory_space<vmem>>)
    %dma_wait3A_747 = arith.constant 13 : i32
    %dma_wait3A_748 = arith.constant 0 : i32
    %dma_wait3A_749 = arith.constant 256 : i32
    %dma_wait3A_750 = tpu.memref_slice %arg10[%dma_wait3A_748, %dma_wait3A_749] : memref<64x512xf32, #tpu.memory_space<vmem>> -> memref<64x256xf32, #tpu.memory_space<vmem>>
    %dma_wait3A_751 = arith.constant 0 : i32
    %dma_wait3A_752 = tpu.memref_slice %arg8[%dma_wait3A_747, %dma_wait3A_751] : memref<16x64xi32, #tpu.memory_space<vmem>> -> memref<1x64xi32, #tpu.memory_space<vmem>>
    %dma_wait3A_753 = tpu.memref_squeeze %dma_wait3A_752 : memref<1x64xi32, #tpu.memory_space<vmem>> -> memref<64xi32, #tpu.memory_space<vmem>>
    %dma_wait3A_754 = arith.constant 0 : i32
    %dma_wait3A_755 = arith.constant 0 : i32
    %dma_wait3A_756 = tpu.memref_slice %arg5[%dma_wait3A_754, %dma_wait3A_755] : memref<4096x256xf32, #tpu.memory_space<hbm>> -> memref<4096x256xf32, #tpu.memory_space<hbm>>
    tpu.wait_indirect_dma semaphore(%arg13 : memref<!tpu.dma_semaphore, #tpu.memory_space<semaphore_mem>>) src(%dma_wait3A_756 : memref<4096x256xf32, #tpu.memory_space<hbm>>) dst(%dma_wait3A_750 : memref<64x256xf32, #tpu.memory_space<vmem>>)
    %mul3A_757 = arith.constant 1024 : i32
    %mul3A_758 = arith.muli %add3A, %mul3A_757 : i32
    %add3A_759 = arith.constant 832 : i32
    %add3A_760 = arith.addi %mul3A_758, %add3A_759 : i32
    %dma_start3A_761 = arith.constant 0 : i32
    %dma_start3A_762 = tpu.memref_slice %arg6[%add3A_760, %dma_start3A_761] : memref<32768x512xf32, #tpu.memory_space<hbm>> -> memref<64x512xf32, #tpu.memory_space<hbm>>
    %dma_start3A_763 = arith.constant 0 : i32
    %dma_start3A_764 = tpu.memref_slice %arg6[%add3A_760, %dma_start3A_763] : memref<32768x512xf32, #tpu.memory_space<hbm>> -> memref<64x512xf32, #tpu.memory_space<hbm>>
    tpu.enqueue_dma source(%arg10 : memref<64x512xf32, #tpu.memory_space<vmem>>) target(%dma_start3A_764 : memref<64x512xf32, #tpu.memory_space<hbm>>) target_semaphore(%arg16 : memref<!tpu.dma_semaphore, #tpu.memory_space<semaphore_mem>>)
    %dma_wait3A_765 = arith.constant 14 : i32
    %dma_wait3A_766 = arith.constant 0 : i32
    %dma_wait3A_767 = arith.constant 0 : i32
    %dma_wait3A_768 = tpu.memref_slice %arg11[%dma_wait3A_766, %dma_wait3A_767] : memref<64x512xf32, #tpu.memory_space<vmem>> -> memref<64x256xf32, #tpu.memory_space<vmem>>
    %dma_wait3A_769 = arith.constant 0 : i32
    %dma_wait3A_770 = tpu.memref_slice %arg7[%dma_wait3A_765, %dma_wait3A_769] : memref<16x64xi32, #tpu.memory_space<vmem>> -> memref<1x64xi32, #tpu.memory_space<vmem>>
    %dma_wait3A_771 = tpu.memref_squeeze %dma_wait3A_770 : memref<1x64xi32, #tpu.memory_space<vmem>> -> memref<64xi32, #tpu.memory_space<vmem>>
    %dma_wait3A_772 = arith.constant 0 : i32
    %dma_wait3A_773 = arith.constant 0 : i32
    %dma_wait3A_774 = tpu.memref_slice %arg4[%dma_wait3A_772, %dma_wait3A_773] : memref<4096x256xf32, #tpu.memory_space<hbm>> -> memref<4096x256xf32, #tpu.memory_space<hbm>>
    tpu.wait_indirect_dma semaphore(%arg14 : memref<!tpu.dma_semaphore, #tpu.memory_space<semaphore_mem>>) src(%dma_wait3A_774 : memref<4096x256xf32, #tpu.memory_space<hbm>>) dst(%dma_wait3A_768 : memref<64x256xf32, #tpu.memory_space<vmem>>)
    %dma_wait3A_775 = arith.constant 14 : i32
    %dma_wait3A_776 = arith.constant 0 : i32
    %dma_wait3A_777 = arith.constant 256 : i32
    %dma_wait3A_778 = tpu.memref_slice %arg11[%dma_wait3A_776, %dma_wait3A_777] : memref<64x512xf32, #tpu.memory_space<vmem>> -> memref<64x256xf32, #tpu.memory_space<vmem>>
    %dma_wait3A_779 = arith.constant 0 : i32
    %dma_wait3A_780 = tpu.memref_slice %arg8[%dma_wait3A_775, %dma_wait3A_779] : memref<16x64xi32, #tpu.memory_space<vmem>> -> memref<1x64xi32, #tpu.memory_space<vmem>>
    %dma_wait3A_781 = tpu.memref_squeeze %dma_wait3A_780 : memref<1x64xi32, #tpu.memory_space<vmem>> -> memref<64xi32, #tpu.memory_space<vmem>>
    %dma_wait3A_782 = arith.constant 0 : i32
    %dma_wait3A_783 = arith.constant 0 : i32
    %dma_wait3A_784 = tpu.memref_slice %arg5[%dma_wait3A_782, %dma_wait3A_783] : memref<4096x256xf32, #tpu.memory_space<hbm>> -> memref<4096x256xf32, #tpu.memory_space<hbm>>
    tpu.wait_indirect_dma semaphore(%arg14 : memref<!tpu.dma_semaphore, #tpu.memory_space<semaphore_mem>>) src(%dma_wait3A_784 : memref<4096x256xf32, #tpu.memory_space<hbm>>) dst(%dma_wait3A_778 : memref<64x256xf32, #tpu.memory_space<vmem>>)
    %mul3A_785 = arith.constant 1024 : i32
    %mul3A_786 = arith.muli %add3A, %mul3A_785 : i32
    %add3A_787 = arith.constant 896 : i32
    %add3A_788 = arith.addi %mul3A_786, %add3A_787 : i32
    %dma_start3A_789 = arith.constant 0 : i32
    %dma_start3A_790 = tpu.memref_slice %arg6[%add3A_788, %dma_start3A_789] : memref<32768x512xf32, #tpu.memory_space<hbm>> -> memref<64x512xf32, #tpu.memory_space<hbm>>
    %dma_start3A_791 = arith.constant 0 : i32
    %dma_start3A_792 = tpu.memref_slice %arg6[%add3A_788, %dma_start3A_791] : memref<32768x512xf32, #tpu.memory_space<hbm>> -> memref<64x512xf32, #tpu.memory_space<hbm>>
    tpu.enqueue_dma source(%arg11 : memref<64x512xf32, #tpu.memory_space<vmem>>) target(%dma_start3A_792 : memref<64x512xf32, #tpu.memory_space<hbm>>) target_semaphore(%arg17 : memref<!tpu.dma_semaphore, #tpu.memory_space<semaphore_mem>>)
    %dma_wait3A_793 = arith.constant 15 : i32
    %dma_wait3A_794 = arith.constant 0 : i32
    %dma_wait3A_795 = arith.constant 0 : i32
    %dma_wait3A_796 = tpu.memref_slice %arg9[%dma_wait3A_794, %dma_wait3A_795] : memref<64x512xf32, #tpu.memory_space<vmem>> -> memref<64x256xf32, #tpu.memory_space<vmem>>
    %dma_wait3A_797 = arith.constant 0 : i32
    %dma_wait3A_798 = tpu.memref_slice %arg7[%dma_wait3A_793, %dma_wait3A_797] : memref<16x64xi32, #tpu.memory_space<vmem>> -> memref<1x64xi32, #tpu.memory_space<vmem>>
    %dma_wait3A_799 = tpu.memref_squeeze %dma_wait3A_798 : memref<1x64xi32, #tpu.memory_space<vmem>> -> memref<64xi32, #tpu.memory_space<vmem>>
    %dma_wait3A_800 = arith.constant 0 : i32
    %dma_wait3A_801 = arith.constant 0 : i32
    %dma_wait3A_802 = tpu.memref_slice %arg4[%dma_wait3A_800, %dma_wait3A_801] : memref<4096x256xf32, #tpu.memory_space<hbm>> -> memref<4096x256xf32, #tpu.memory_space<hbm>>
    tpu.wait_indirect_dma semaphore(%arg12 : memref<!tpu.dma_semaphore, #tpu.memory_space<semaphore_mem>>) src(%dma_wait3A_802 : memref<4096x256xf32, #tpu.memory_space<hbm>>) dst(%dma_wait3A_796 : memref<64x256xf32, #tpu.memory_space<vmem>>)
    %dma_wait3A_803 = arith.constant 15 : i32
    %dma_wait3A_804 = arith.constant 0 : i32
    %dma_wait3A_805 = arith.constant 256 : i32
    %dma_wait3A_806 = tpu.memref_slice %arg9[%dma_wait3A_804, %dma_wait3A_805] : memref<64x512xf32, #tpu.memory_space<vmem>> -> memref<64x256xf32, #tpu.memory_space<vmem>>
    %dma_wait3A_807 = arith.constant 0 : i32
    %dma_wait3A_808 = tpu.memref_slice %arg8[%dma_wait3A_803, %dma_wait3A_807] : memref<16x64xi32, #tpu.memory_space<vmem>> -> memref<1x64xi32, #tpu.memory_space<vmem>>
    %dma_wait3A_809 = tpu.memref_squeeze %dma_wait3A_808 : memref<1x64xi32, #tpu.memory_space<vmem>> -> memref<64xi32, #tpu.memory_space<vmem>>
    %dma_wait3A_810 = arith.constant 0 : i32
    %dma_wait3A_811 = arith.constant 0 : i32
    %dma_wait3A_812 = tpu.memref_slice %arg5[%dma_wait3A_810, %dma_wait3A_811] : memref<4096x256xf32, #tpu.memory_space<hbm>> -> memref<4096x256xf32, #tpu.memory_space<hbm>>
    tpu.wait_indirect_dma semaphore(%arg12 : memref<!tpu.dma_semaphore, #tpu.memory_space<semaphore_mem>>) src(%dma_wait3A_812 : memref<4096x256xf32, #tpu.memory_space<hbm>>) dst(%dma_wait3A_806 : memref<64x256xf32, #tpu.memory_space<vmem>>)
    %mul3A_813 = arith.constant 1024 : i32
    %mul3A_814 = arith.muli %add3A, %mul3A_813 : i32
    %add3A_815 = arith.constant 960 : i32
    %add3A_816 = arith.addi %mul3A_814, %add3A_815 : i32
    %dma_start3A_817 = arith.constant 0 : i32
    %dma_start3A_818 = tpu.memref_slice %arg6[%add3A_816, %dma_start3A_817] : memref<32768x512xf32, #tpu.memory_space<hbm>> -> memref<64x512xf32, #tpu.memory_space<hbm>>
    %dma_start3A_819 = arith.constant 0 : i32
    %dma_start3A_820 = tpu.memref_slice %arg6[%add3A_816, %dma_start3A_819] : memref<32768x512xf32, #tpu.memory_space<hbm>> -> memref<64x512xf32, #tpu.memory_space<hbm>>
    tpu.enqueue_dma source(%arg9 : memref<64x512xf32, #tpu.memory_space<vmem>>) target(%dma_start3A_820 : memref<64x512xf32, #tpu.memory_space<hbm>>) target_semaphore(%arg15 : memref<!tpu.dma_semaphore, #tpu.memory_space<semaphore_mem>>)
    %dma_wait3A_821 = arith.constant 0 : i32
    %dma_wait3A_822 = tpu.memref_slice %arg6[%add3A_816, %dma_wait3A_821] : memref<32768x512xf32, #tpu.memory_space<hbm>> -> memref<64x512xf32, #tpu.memory_space<hbm>>
    %dma_wait3A_823 = arith.constant 0 : i32
    %dma_wait3A_824 = tpu.memref_slice %arg6[%add3A_816, %dma_wait3A_823] : memref<32768x512xf32, #tpu.memory_space<hbm>> -> memref<64x512xf32, #tpu.memory_space<hbm>>
    tpu.wait_dma2 semaphore(%arg15 : memref<!tpu.dma_semaphore, #tpu.memory_space<semaphore_mem>>) src(%arg9 : memref<64x512xf32, #tpu.memory_space<vmem>>) dst(%dma_wait3A_824 : memref<64x512xf32, #tpu.memory_space<hbm>>)
    %dma_wait3A_825 = arith.constant 0 : i32
    %dma_wait3A_826 = tpu.memref_slice %arg6[%add3A_760, %dma_wait3A_825] : memref<32768x512xf32, #tpu.memory_space<hbm>> -> memref<64x512xf32, #tpu.memory_space<hbm>>
    %dma_wait3A_827 = arith.constant 0 : i32
    %dma_wait3A_828 = tpu.memref_slice %arg6[%add3A_760, %dma_wait3A_827] : memref<32768x512xf32, #tpu.memory_space<hbm>> -> memref<64x512xf32, #tpu.memory_space<hbm>>
    tpu.wait_dma2 semaphore(%arg16 : memref<!tpu.dma_semaphore, #tpu.memory_space<semaphore_mem>>) src(%arg10 : memref<64x512xf32, #tpu.memory_space<vmem>>) dst(%dma_wait3A_828 : memref<64x512xf32, #tpu.memory_space<hbm>>)
    %dma_wait3A_829 = arith.constant 0 : i32
    %dma_wait3A_830 = tpu.memref_slice %arg6[%add3A_788, %dma_wait3A_829] : memref<32768x512xf32, #tpu.memory_space<hbm>> -> memref<64x512xf32, #tpu.memory_space<hbm>>
    %dma_wait3A_831 = arith.constant 0 : i32
    %dma_wait3A_832 = tpu.memref_slice %arg6[%add3A_788, %dma_wait3A_831] : memref<32768x512xf32, #tpu.memory_space<hbm>> -> memref<64x512xf32, #tpu.memory_space<hbm>>
    tpu.wait_dma2 semaphore(%arg17 : memref<!tpu.dma_semaphore, #tpu.memory_space<semaphore_mem>>) src(%arg11 : memref<64x512xf32, #tpu.memory_space<vmem>>) dst(%dma_wait3A_832 : memref<64x512xf32, #tpu.memory_space<hbm>>)
    return
  }
}

</mosaic_0001>

<sc_bundles>
// kernel: kernel.3.cloned.1.call-start
scs
__scs_entry_jumppad:
0x0: {  	(pc) =	sbr.rel $0x88, $3  }
0x1: {  	(tag) =	ssettag $0x0;
	lr =	simm.s32 $0x1  }
0x2: {  	[smem:$0x3F9B] =	sst lr;
	_ =	strace $0xD0000000  }
0x3: {  	_ = 	snop  }
0x4: {  	_ = 	snop  }
0x5: {  	_ = 	snop  }
0x6: {  	_ = 	snop  }
0x7: {  	_ = 	snop  }
__scs_overlays_trampoline_lowered:
0x8: {  	[smem:$0x3FAA] =	sst s0  }
0x9: {  	[smem:$0x3FAB] =	sst s1  }
0xa: {  	[smem:$0x3FAC] =	sst s2  }
0xb: {  	[smem:$0x3FAD] =	sst s3  }
0xc: {  	[smem:$0x3FAE] =	sst s4  }
0xd: {  	[smem:$0x3FAF] =	sst s5  }
0xe: {  	[smem:$0x3FB0] =	sst s6  }
0xf: {  	[smem:$0x3FB1] =	sst s7  }
0x10: {  	[smem:$0x3FB2] =	sst s8  }
0x11: {  	[smem:$0x3FB3] =	sst s9;
	s0 =	simm.s32 @!p0 $0x0  }
0x12: {  	s1 =	sld [smem:$0x3F99];
	s0 =	simm.s32 @p0 $0x1  }
0x13: {  	[smem:$0x3FB4] =	sst s0;
	s0 =	simm.s32 @!p1 $0x0  }
0x14: {  	s2 =	sld [smem:$0x3F98];
	s0 =	simm.s32 @p1 $0x1  }
0x15: {  	[smem:$0x3FB5] =	sst s0;
	s0 =	simm.s32 @!p2 $0x0  }
0x16: {  	s3 =	sld [smem:$0x3FDB];
	s0 =	simm.s32 @p2 $0x1  }
0x17: {  	s4 =	simm.s32 $0x1BF5;
	[smem:$0x3FB7] =	sst s0  }
0x18: {  	s0 =	sld [smem:$0x3F9A];
	_ =	swait.ge [sflag:s4], $0x0  }
0x19: {  	s7 =	sld [smem:$0x3F9B]  }
0x1a: {  	s8 =	sadd.s32 $0xFFFFE003, lr  }
0x1b: {  	s9 =	sadd.s32 $0xFFFFFEF7, lr;
	s5 =	simm.s32 $0xFFFFFFFF;
	p2 =	slt.u32 s8, $0xFFFFF086  }
0x1c: {  	p1 =	slt.u32 s9, $0xF7A;
	s5 =	simm.s32 @!p2 $0x0  }
0x1d: {  	s5 =	simm.s32 @p1 $0x1;
	p0 =	seq.s32 s7, s2  }
0x1e: {  	s7 =	smul.u32 @!p0 $0xF7A, s2;
	p2 =	seq.s32 @!p0 s5, $0x0  }
0x1f: {  	s9 =	smul.u32 $0xF7A, s1;
	s8 =	simm.s32 @!p0 $0x1BF5;
	p2 =	por !p2, p0  }
0x20: {  	[sflag:s8] =	ssyncset.s32 @!p0 $0xFFFFF086;
	s6 =	sadd.s32 @!p0 s3, s7;
	s7 =	simm.s32 @!p0 $0x108  }
0x21: {  	s3 =	sadd.s32 s3, s9;
	s6 =	sadd.s32 @!p0 $0x88, s6;
	s7 =	simm.s32 @p2 $0x1082  }
0x22: {  	[simem:s7], [sflag:s8] =	dma.local @!p0 [hbm:s6], $0xF7A  }
0x23: {  	s9 =	sor.u32 $0xD0000000, s2;
	s6 =	simm.s32 $0x108;
	_ =	swait.ge @!p0 [sflag:s8], $0x0  }
0x24: {  	s3 =	sadd.s32 $0x88, s3;
	s6 =	simm.s32 @!p1 $0x1082;
	[sflag:s4] =	ssyncset.s32 $0xFFFFF086  }
0x25: {  	[simem:s6], [sflag:s4] =	dma.local [hbm:s3], $0xF7A  }
0x26: {  	[smem:$0x3F9B] =	sst s1;
	(tag) =	ssettag s2;
	_ =	strace s9  }
0x27: {  	s1 =	sld [smem:$0x3FAB]  }
0x28: {  	s2 =	sld [smem:$0x3FAC]  }
0x29: {  	s4 =	sld [smem:$0x3FAE]  }
0x2a: {  	p0 =	seq.s32 s5, $0x0;
	s5 =	sld [smem:$0x3FAF]  }
0x2b: {  	s6 =	sld [smem:$0x3FB0]  }
0x2c: {  	s7 =	sld [smem:$0x3FB1]  }
0x2d: {  	s3 =	simm.s32 $0x108;
	s8 =	sld [smem:$0x3FB2]  }
0x2e: {  	s3 =	simm.s32 @!p0 $0x1082;
	s9 =	sld [smem:$0x3FB3]  }
0x2f: {  	lr =	sadd.s32 s0, s3;
	s0 =	sld [smem:$0x3FAA]  }
0x30: {  	s3 =	sld [smem:$0x3FAD]  }
0x31: {  	[smem:$0x3FB6] =	sst s10  }
0x32: {  	s10 =	sld [smem:$0x3FB4];
	_ =	sdelay $0x3  }
0x33: {  	p0 =	seq.s32 s10, $0x1;
	s10 =	sld [smem:$0x3FB6];
	_ =	sdelay $0x3  }
0x34: {  	[smem:$0x3FB6] =	sst s10  }
0x35: {  	s10 =	sld [smem:$0x3FB5];
	_ =	sdelay $0x3  }
0x36: {  	p1 =	seq.s32 s10, $0x1;
	s10 =	sld [smem:$0x3FB6];
	_ =	sdelay $0x3  }
0x37: {  	[smem:$0x3FB6] =	sst s10  }
0x38: {  	s10 =	sld [smem:$0x3FB7]  }
0x39: {  	_ = 	snop;
	(pc) =	sbr.ind lr, $3  }
0x3a: {  	_ = 	snop  }
0x3b: {  	_ = 	snop  }
0x3c: {  	p2 =	seq.s32 s10, $0x1;
	s10 =	sld [smem:$0x3FB6]  }
0x3d: {  	_ =	shalt  }
0x3e: {  	_ =	shalt  }
0x3f: {  	_ =	shalt  }
0x40: {  	_ =	shalt  }
0x41: {  	_ =	shalt  }
0x42: {  	_ =	shalt  }
0x43: {  	_ =	shalt  }
0x44: {  	_ =	shalt  }
0x45: {  	_ =	shalt  }
0x46: {  	_ =	shalt  }
0x47: {  	_ =	shalt  }
0x48: {  	_ =	shalt  }
0x49: {  	_ =	shalt  }
0x4a: {  	_ =	shalt  }
0x4b: {  	_ =	shalt  }
0x4c: {  	_ =	shalt  }
0x4d: {  	_ =	shalt  }
0x4e: {  	_ =	shalt  }
0x4f: {  	_ =	shalt  }
0x50: {  	_ =	shalt  }
0x51: {  	_ =	shalt  }
0x52: {  	_ =	shalt  }
0x53: {  	_ =	shalt  }
0x54: {  	_ =	shalt  }
0x55: {  	_ =	shalt  }
0x56: {  	_ =	shalt  }
0x57: {  	_ =	shalt  }
0x58: {  	_ =	shalt  }
0x59: {  	_ =	shalt  }
0x5a: {  	_ =	shalt  }
0x5b: {  	_ =	shalt  }
0x5c: {  	_ =	shalt  }
0x5d: {  	_ =	shalt  }
0x5e: {  	_ =	shalt  }
0x5f: {  	_ =	shalt  }
0x60: {  	_ =	shalt  }
0x61: {  	_ =	shalt  }
0x62: {  	_ =	shalt  }
0x63: {  	_ =	shalt  }
0x64: {  	_ =	shalt  }
0x65: {  	_ =	shalt  }
0x66: {  	_ =	shalt  }
0x67: {  	_ =	shalt  }
0x68: {  	_ =	shalt  }
0x69: {  	_ =	shalt  }
0x6a: {  	_ =	shalt  }
0x6b: {  	_ =	shalt  }
0x6c: {  	_ =	shalt  }
0x6d: {  	_ =	shalt  }
0x6e: {  	_ =	shalt  }
0x6f: {  	_ =	shalt  }
0x70: {  	_ =	shalt  }
0x71: {  	_ =	shalt  }
0x72: {  	_ =	shalt  }
0x73: {  	_ =	shalt  }
0x74: {  	_ =	shalt  }
0x75: {  	_ =	shalt  }
0x76: {  	_ =	shalt  }
0x77: {  	_ =	shalt  }
0x78: {  	_ =	shalt  }
0x79: {  	_ =	shalt  }
0x7a: {  	_ =	shalt  }
0x7b: {  	_ =	shalt  }
0x7c: {  	_ =	shalt  }
0x7d: {  	_ =	shalt  }
0x7e: {  	_ =	shalt  }
0x7f: {  	_ =	shalt  }
0x80: {  	_ =	shalt  }
0x81: {  	_ =	shalt  }
0x82: {  	_ =	shalt  }
0x83: {  	_ =	shalt  }
0x84: {  	_ =	shalt  }
0x85: {  	_ =	shalt  }
0x86: {  	_ =	shalt  }
0x87: {  	_ =	shalt  }
.Lfunc_end0:
.L_simem_size_0:
called_computation_lowered:
.L_overlay_start_0:
0x88: {  	s2 =	sld [smem:$0x3FD9]  }
0x89: {  	s3 =	sld [smem:$0x3FFE];
	_ =	sdelay $0x1  }
0x8a: {  	s1 =	srdreg.scid  }
0x8b: {  	s0 =	sand.u32 $0x1, s1  }
0x8c: {  	s17 =	sshll.u32 s0, $0xA;
	s2 =	sadd.s32 s3, s2  }
0x8d: {  	s2 =	sadd.s32 s2, s17  }
0x8e: {  	[smem:$0x3FC2] =	sst s2  }
0x8f: {  	_ = 	snop  }
0x90: {  	s2 =	sld [smem:$0x3FD0];
	(tm) =	ssettm $0x1  }
0x91: {  	s18 =	sld [smem:$0x3FFB];
	_ =	sdelay $0x3  }
0x92: {  	_ =	strace s18  }
0x93: {  	s3 =	sld [smem:$0x3FFC];
	_ =	sdelay $0x3  }
0x94: {  	_ =	strace s3  }
0x95: {  	s3 =	sld [smem:$0x3FFD];
	_ =	sdelay $0x3  }
0x96: {  	_ =	strace s3  }
0x97: {  	_ =	strace $0x8FFFFFFF  }
0x98: {  	s19 =	sld [smem:$0x3FDB];
	_ =	sdelay $0x1  }
0x99: {  	s4 =	simm.s32 $_scs_section_size  }
0x9a: {  	s5 =	simm.s32 $_size__tile_overlayer_lowered;
	s6 =	simm.s32 $_tile_overlayer_lowered  }
0x9b: {  	s22 =	simm.s32 $0x1BFF;
	s21 =	sshll.u32 s6, $0x1;
	s3 =	sadd.s32 s4, s19  }
0x9c: {  	s7 =	simm.s32 $0x0;
	s20 =	sshll.u32 s5, $0x1;
	s5 =	sadd.s32 s21, s3  }
0x9d: {  	[timem:s7], [sflag:s22] =	dma.local [hbm:s5], s20  }
0x9e: {  	_ =	swait.ge [sflag:s22], s20  }
0x9f: {  	s4 =	ssub.s32 $0x0, s20;
	[sflag:s22] =	ssyncset.done $0x0  }
0xa0: {  	[sflag:s22] =	ssyncadd.s32 s4;
	_ =	sdelay $0x1  }
0xa1: {  	s23 =	simm.s32 $0x1B8B  }
0xa2: {  	_ =	swait.ge [sflag:s23], $0x1  }
0xa3: {  	[sflag:s23] =	ssyncset.done $0x0  }
0xa4: {  	s25 =	simm.s32 $0x1B8E;
	s24 =	sld [smem:$0x3FFE];
	[sflag:s23] =	ssyncadd.s32 $0xFFFFFFFF  }
0xa5: {  	s26 =	simm.s32 $execute0_lowered;
	[smem:$0x3FD2] =	sst s25  }
0xa6: {  	s5 =	sshll.u32 s26, $0x1;
	_ =	strace $0x80000046;
	[dreg:$0x1] =	wrdreg $0xFFFFFFFF  }
0xa7: {  	s28 =	simm.s32 $_size_execute0_lowered;
	s3 =	sadd.s32 s3, s5;
	[dreg:$0x0] =	wrdreg $0x0  }
0xa8: {  	s5 =	sshll.u32 s28, $0x1;
	[dreg:$0x2] =	wrdreg s3  }
0xa9: {  	[dreg:$0x3] =	wrdreg s5  }
0xaa: {  	[dreg:$0x4] =	wrdreg $0xC0  }
0xab: {  	_ =	task [dreg:s7], $0x5FFFF  }
0xac: {  	[dreg:$0x1] =	wrdreg $0xFFFFFFFF  }
0xad: {  	[dreg:$0x0] =	wrdreg $0x60  }
0xae: {  	[dreg:$0x2] =	wrdreg s24  }
0xaf: {  	[dreg:$0x3] =	wrdreg s2  }
0xb0: {  	[dreg:$0x4] =	wrdreg $0x9  }
0xb1: {  	_ =	task.clear_ibuf [dreg:s7], $0x5FFFF;
	_ =	strace $0x90000046  }
0xb2: {  	s29 =	simm.s32 $0x9;
	_ =	strace $0x80000048  }
0xb3: {  	_ =	swait.ge [sflag:s29], $0x1  }
0xb4: {  	[sflag:s29] =	ssyncadd.s32 $0xFFFFFFFF  }
0xb5: {  	_ =	strace $0x90000048  }
0xb6: {  	_ =	sfence  }
0xb7: {  	s30 =	sld [smem:$0x0];
	_ =	sdelay $0x2  }
0xb8: {  	s31 =	sshll.u32 s1, $0xD;
	s1 =	sshrl.u32 s1, $0x2  }
0xb9: {  	s3 =	sand.u32 $0x4000, s31;
	s1 =	sadd.s32 s1, s30  }
0xba: {  	s0 =	sor.u32 s3, s0;
	s1 =	sshll.u32 s1, $0x11  }
0xbb: {  	s0 =	sor.u32 s1, s0  }
0xbc: {  	s0 =	sadd.s32 $0x8F2B, s0  }
0xbd: {  	[sflag:s0] =	ssyncadd.remote.s32 $0x1  }
0xbe: {  	_ =	sfence.sel $0xFFFF  }
0xbf: {  	[dreg:$0x0] =	wrdreg $0xFFFFFFFF;
	(pc) =	sbr.abs _section_cstart, $3  }
0xc0: {  	[dreg:$0x1] =	wrdreg $0xFFFFFFFF  }
0xc1: {  	_ =	task.clear_ibuf [dreg:s7], $0x2FFFF;
	_ =	strace $0x9FFFFFFF  }
0xc2: {  	(tm) =	ssettm $0x7FFFFFFF  }
0xc3: {  	_ =	shalt  }
tec
execute0_lowered:
.L_overlay_start_1:
0x0: {  	(tag) =	ssettag $0x1  }
0x1: {  	s0 =	srdreg.scid;
	s2 =	stileid.u32  }
0x2: {  	s1 =	rddreg [dreg:$0x0];
	s0 =	sand.u32 $0x1, s0;
	s2 =	sshll.u32 s2, $0x1  }
0x3: {  	s3 =	rddreg [dreg:$0x1];
	s4 =	sor.u32 s0, s2  }
0x4: {  	s30 =	simm.s32 $0x800;
	s2 =	simm.s32 $0x0;
	s5 =	sshll.u32 s4, $0x8  }
0x5: {  	[smem:$0x7FF] =	sst s2;
	s4 =	sshll.u32 s4, $0x10;
	s5 =	sadd.s32 s5, s1  }
0x6: {  	_ =	strace $0x80000047;
	s12 =	sadd.s32 s3, s4;
	[dreg:$0x14] =	wrdreg s30  }
0x7: {  	s6 =	sadd.s32 $0x2800, s5;
	[dreg:$0x15] =	wrdreg s12  }
0x8: {  	s5 =	sadd.s32 $0x800, s5;
	[dreg:$0x3] =	wrdreg s6  }
0x9: {  	s3 =	sadd.s32 $0x1000, s12;
	[dreg:$0x4] =	wrdreg s5  }
0xa: {  	s13 =	sadd.s32 $0x2000, s12;
	[dreg:$0x5] =	wrdreg s3  }
0xb: {  	s14 =	sadd.s32 $0x3000, s12;
	[dreg:$0x6] =	wrdreg s13  }
0xc: {  	s15 =	sadd.s32 $0x4000, s12;
	[dreg:$0x7] =	wrdreg s14  }
0xd: {  	s16 =	sadd.s32 $0x5000, s12;
	[dreg:$0x8] =	wrdreg s15  }
0xe: {  	s17 =	sadd.s32 $0x6000, s12;
	[dreg:$0x9] =	wrdreg s16  }
0xf: {  	s18 =	sadd.s32 $0x7000, s12;
	[dreg:$0xa] =	wrdreg s17  }
0x10: {  	s19 =	sadd.s32 $0x8000, s12;
	[dreg:$0xb] =	wrdreg s18  }
0x11: {  	s20 =	sadd.s32 $0x9000, s12;
	[dreg:$0xc] =	wrdreg s19  }
0x12: {  	s31 =	simm.s32 $0x1;
	s21 =	sadd.s32 $0xA000, s12;
	[dreg:$0xd] =	wrdreg s20  }
0x13: {  	s28 =	simm.s32 $0x5;
	s22 =	sadd.s32 $0xB000, s12;
	[dreg:$0xe] =	wrdreg s21  }
0x14: {  	s0 =	ssub.s32 $0x2, s0;
	s23 =	sadd.s32 $0xC000, s12;
	[dreg:$0xf] =	wrdreg s22  }
0x15: {  	s26 =	sshrl.u32 s0, $0x1;
	s24 =	sadd.s32 $0xD000, s12;
	[dreg:$0x10] =	wrdreg s23  }
0x16: {  	s4 =	sadd.s32 $0x24800, s1;
	s25 =	sadd.s32 $0xE000, s12;
	[dreg:$0x11] =	wrdreg s24  }
0x17: {  	v2 =	vlaneseq.u32;
	s0 =	ssub.s32 s0, s26;
	s29 =	sadd.s32 $0xF000, s12;
	[dreg:$0x12] =	wrdreg s25  }
0x18: {  	vm0 =	vmmov $0xffff;
	v1 =	vshrl.u32 v2, $0x3;
	s26 =	simm.s32 $0x3;
	s5 =	sadd.s32 $0x4800, s1;
	[dreg:$0x13] =	wrdreg s29  }
0x19: {  	v0 =	vand.u32 $0x7, v2;
	v2 =	vor.u32 $0x8, v2;
	v1 =	vmul.u32 $0x8, v1;
	s6 =	smax.u32 s0, $0x1;
	s14 =	simm.s32 $0x4;
	s3 =	simm.s32 $0x2  }
.LBB2_1:
0x1a: {  	[dreg:$0x16] =	wrdreg s6  }
0x1b: {  	s29 =	rddreg [dreg:$0x3];
	s7 =	simm.s32 $0x7  }
0x1c: {  	[tilespmem:s2], [sflag:$0x7] =	stream.linear.gather [hbm4b:s29+s2], $0x800, $0x38;
	[tilespmem:$0x19000] =	vst v63  }
0x1d: {  	_ =	swait.ge [sflag:s7], $0x800  }
0x1e: {  	s15 =	rddreg [dreg:$0x4];
	[sflag:s7] =	ssyncset.done $0x0  }
0x1f: {  	s30 =	rddreg [dreg:$0x14];
	[sflag:s7] =	ssyncadd.s32 $0xFFFFF800  }
0x20: {  	[tilespmem:s30], [sflag:$0x7] =	stream.linear.gather [hbm4b:s15+s2], $0x800, $0x38;
	[tilespmem:$0x19000] =	vst v63  }
0x21: {  	_ =	swait.ge [sflag:s7], $0x800  }
0x22: {  	[sflag:s7] =	ssyncset.done $0x0  }
0x23: {  	[sflag:s7] =	ssyncadd.s32 $0xFFFFF800  }
0x24: {  	v3 =	vld [tilespmem:$0x0];
	_ =	sdelay $0x4  }
0x25: {  	v4 =	vshll.u32 v3, $0x1  }
0x26: {  	v3 =	vand.u32 $0x7, v3;
	v4 =	vand.u32 $0xFFFFFFF0, v4  }
0x27: {  	v3 =	vor.u32 v3, v4  }
0x28: {  	v4 =	vperm.xlane v3, v0;
	_ =	sdelay $0x1  }
0x29: {  	v3 =	vperm.xlane v3, v2;
	v4 =	vadd.s32 v1, v4;
	_ =	sdelay $0x1  }
0x2a: {  	v3 =	vadd.s32 v1, v3;
	_ =	sdelay $0x1  }
0x2b: {  	s0 =	simm.s32 $0x1000  }
0x2c: {  	[tilespmem:s0], [sflag:$0x1] =	stream.indirect_vreg.gather [hbm4b:s4+s2], $0x80, v4, vm0, $0xb8;
	[tilespmem:$0x19000] =	vst v63  }
0x2d: {  	s16 =	simm.s32 $0x2000  }
0x2e: {  	[tilespmem:s16], [sflag:$0x1] =	stream.indirect_vreg.gather [hbm4b:s4+s2], $0x80, v3, vm0, $0xb8;
	[tilespmem:$0x19000] =	vst v63  }
0x2f: {  	v3 =	vld [tilespmem:$0x10];
	_ =	sdelay $0x4  }
0x30: {  	v49 =	vshll.u32 v3, $0x1  }
0x31: {  	v3 =	vand.u32 $0x7, v3;
	v4 =	vand.u32 $0xFFFFFFF0, v49  }
0x32: {  	v3 =	vor.u32 v3, v4  }
0x33: {  	v4 =	vperm.xlane v3, v0;
	_ =	sdelay $0x1  }
0x34: {  	v3 =	vperm.xlane v3, v2;
	v4 =	vadd.s32 v1, v4;
	_ =	sdelay $0x1  }
0x35: {  	v3 =	vadd.s32 v1, v3;
	_ =	sdelay $0x1  }
0x36: {  	s17 =	simm.s32 $0x3000  }
0x37: {  	[tilespmem:s17], [sflag:$0x1] =	stream.indirect_vreg.gather [hbm4b:s4+s2], $0x80, v4, vm0, $0xb8;
	[tilespmem:$0x19000] =	vst v63  }
0x38: {  	s18 =	simm.s32 $0x4000  }
0x39: {  	[tilespmem:s18], [sflag:$0x1] =	stream.indirect_vreg.gather [hbm4b:s4+s2], $0x80, v3, vm0, $0xb8;
	[tilespmem:$0x19000] =	vst v63  }
0x3a: {  	v3 =	vld [tilespmem:$0x20];
	_ =	sdelay $0x4  }
0x3b: {  	v50 =	vshll.u32 v3, $0x1  }
0x3c: {  	v3 =	vand.u32 $0x7, v3;
	v4 =	vand.u32 $0xFFFFFFF0, v50  }
0x3d: {  	v3 =	vor.u32 v3, v4  }
0x3e: {  	v4 =	vperm.xlane v3, v0;
	_ =	sdelay $0x1  }
0x3f: {  	v3 =	vperm.xlane v3, v2;
	v4 =	vadd.s32 v1, v4;
	_ =	sdelay $0x1  }
0x40: {  	v3 =	vadd.s32 v1, v3;
	_ =	sdelay $0x1  }
0x41: {  	s19 =	simm.s32 $0x5000  }
0x42: {  	[tilespmem:s19], [sflag:$0x1] =	stream.indirect_vreg.gather [hbm4b:s4+s2], $0x80, v4, vm0, $0xb8;
	[tilespmem:$0x19000] =	vst v63  }
0x43: {  	s20 =	simm.s32 $0x6000  }
0x44: {  	[tilespmem:s20], [sflag:$0x1] =	stream.indirect_vreg.gather [hbm4b:s4+s2], $0x80, v3, vm0, $0xb8;
	[tilespmem:$0x19000] =	vst v63  }
0x45: {  	v3 =	vld [tilespmem:$0x30];
	_ =	sdelay $0x4  }
0x46: {  	v51 =	vshll.u32 v3, $0x1  }
0x47: {  	v3 =	vand.u32 $0x7, v3;
	v4 =	vand.u32 $0xFFFFFFF0, v51  }
0x48: {  	v3 =	vor.u32 v3, v4  }
0x49: {  	v4 =	vperm.xlane v3, v0;
	_ =	sdelay $0x1  }
0x4a: {  	v3 =	vperm.xlane v3, v2;
	v4 =	vadd.s32 v1, v4;
	_ =	sdelay $0x1  }
0x4b: {  	v3 =	vadd.s32 v1, v3;
	_ =	sdelay $0x1  }
0x4c: {  	s21 =	simm.s32 $0x7000  }
0x4d: {  	[tilespmem:s21], [sflag:$0x1] =	stream.indirect_vreg.gather [hbm4b:s4+s2], $0x80, v4, vm0, $0xb8;
	[tilespmem:$0x19000] =	vst v63  }
0x4e: {  	s22 =	simm.s32 $0x8000  }
0x4f: {  	[tilespmem:s22], [sflag:$0x1] =	stream.indirect_vreg.gather [hbm4b:s4+s2], $0x80, v3, vm0, $0xb8;
	[tilespmem:$0x19000] =	vst v63  }
0x50: {  	v3 =	vld [tilespmem:$0x800];
	_ =	sdelay $0x4  }
0x51: {  	v52 =	vshll.u32 v3, $0x1  }
0x52: {  	v3 =	vand.u32 $0x7, v3;
	v4 =	vand.u32 $0xFFFFFFF0, v52  }
0x53: {  	v3 =	vor.u32 v3, v4  }
0x54: {  	v4 =	vperm.xlane v3, v0;
	_ =	sdelay $0x1  }
0x55: {  	v3 =	vperm.xlane v3, v2;
	v4 =	vadd.s32 v1, v4;
	_ =	sdelay $0x1  }
0x56: {  	v3 =	vadd.s32 v1, v3;
	_ =	sdelay $0x1  }
0x57: {  	s23 =	simm.s32 $0x1800  }
0x58: {  	[tilespmem:s23], [sflag:$0x1] =	stream.indirect_vreg.gather [hbm4b:s5+s2], $0x80, v4, vm0, $0xb8;
	[tilespmem:$0x19000] =	vst v63  }
0x59: {  	s24 =	simm.s32 $0x2800  }
0x5a: {  	[tilespmem:s24], [sflag:$0x1] =	stream.indirect_vreg.gather [hbm4b:s5+s2], $0x80, v3, vm0, $0xb8;
	[tilespmem:$0x19000] =	vst v63  }
0x5b: {  	v3 =	vld [tilespmem:$0x810];
	_ =	sdelay $0x4  }
0x5c: {  	v53 =	vshll.u32 v3, $0x1  }
0x5d: {  	v3 =	vand.u32 $0x7, v3;
	v4 =	vand.u32 $0xFFFFFFF0, v53  }
0x5e: {  	v3 =	vor.u32 v3, v4  }
0x5f: {  	v4 =	vperm.xlane v3, v0;
	_ =	sdelay $0x1  }
0x60: {  	v3 =	vperm.xlane v3, v2;
	v4 =	vadd.s32 v1, v4;
	_ =	sdelay $0x1  }
0x61: {  	v3 =	vadd.s32 v1, v3;
	_ =	sdelay $0x1  }
0x62: {  	s25 =	simm.s32 $0x3800  }
0x63: {  	[tilespmem:s25], [sflag:$0x1] =	stream.indirect_vreg.gather [hbm4b:s5+s2], $0x80, v4, vm0, $0xb8;
	[tilespmem:$0x19000] =	vst v63  }
0x64: {  	s29 =	simm.s32 $0x4800  }
0x65: {  	[tilespmem:s29], [sflag:$0x1] =	stream.indirect_vreg.gather [hbm4b:s5+s2], $0x80, v3, vm0, $0xb8;
	[tilespmem:$0x19000] =	vst v63  }
0x66: {  	v3 =	vld [tilespmem:$0x820];
	_ =	sdelay $0x4  }
0x67: {  	v54 =	vshll.u32 v3, $0x1  }
0x68: {  	v3 =	vand.u32 $0x7, v3;
	v4 =	vand.u32 $0xFFFFFFF0, v54  }
0x69: {  	v3 =	vor.u32 v3, v4  }
0x6a: {  	v4 =	vperm.xlane v3, v0;
	_ =	sdelay $0x1  }
0x6b: {  	v3 =	vperm.xlane v3, v2;
	v4 =	vadd.s32 v1, v4;
	_ =	sdelay $0x1  }
0x6c: {  	v3 =	vadd.s32 v1, v3;
	_ =	sdelay $0x1  }
0x6d: {  	s30 =	simm.s32 $0x5800  }
0x6e: {  	[tilespmem:s30], [sflag:$0x1] =	stream.indirect_vreg.gather [hbm4b:s5+s2], $0x80, v4, vm0, $0xb8;
	[tilespmem:$0x19000] =	vst v63  }
0x6f: {  	s0 =	simm.s32 $0x6800  }
0x70: {  	[tilespmem:s0], [sflag:$0x1] =	stream.indirect_vreg.gather [hbm4b:s5+s2], $0x80, v3, vm0, $0xb8;
	[tilespmem:$0x19000] =	vst v63  }
0x71: {  	v3 =	vld [tilespmem:$0x830];
	_ =	sdelay $0x4  }
0x72: {  	v55 =	vshll.u32 v3, $0x1  }
0x73: {  	v3 =	vand.u32 $0x7, v3;
	v4 =	vand.u32 $0xFFFFFFF0, v55  }
0x74: {  	v3 =	vor.u32 v3, v4  }
0x75: {  	v4 =	vperm.xlane v3, v0;
	_ =	sdelay $0x1  }
0x76: {  	v3 =	vperm.xlane v3, v2;
	v4 =	vadd.s32 v1, v4;
	_ =	sdelay $0x1  }
0x77: {  	v3 =	vadd.s32 v1, v3;
	_ =	sdelay $0x1  }
0x78: {  	s1 =	simm.s32 $0x7800  }
0x79: {  	[tilespmem:s1], [sflag:$0x1] =	stream.indirect_vreg.gather [hbm4b:s5+s2], $0x80, v4, vm0, $0xb8;
	[tilespmem:$0x19000] =	vst v63  }
0x7a: {  	s6 =	simm.s32 $0x8800  }
0x7b: {  	[tilespmem:s6], [sflag:$0x1] =	stream.indirect_vreg.gather [hbm4b:s5+s2], $0x80, v3, vm0, $0xb8;
	[tilespmem:$0x19000] =	vst v63  }
0x7c: {  	v3 =	vld [tilespmem:$0x80];
	_ =	sdelay $0x4  }
0x7d: {  	v56 =	vshll.u32 v3, $0x1  }
0x7e: {  	v3 =	vand.u32 $0x7, v3;
	v4 =	vand.u32 $0xFFFFFFF0, v56  }
0x7f: {  	v3 =	vor.u32 v3, v4  }
0x80: {  	v4 =	vperm.xlane v3, v0;
	_ =	sdelay $0x1  }
0x81: {  	v3 =	vperm.xlane v3, v2;
	v4 =	vadd.s32 v1, v4;
	_ =	sdelay $0x1  }
0x82: {  	v3 =	vadd.s32 v1, v3;
	_ =	sdelay $0x1  }
0x83: {  	s1 =	simm.s32 $0x9000  }
0x84: {  	[tilespmem:s1], [sflag:$0x2] =	stream.indirect_vreg.gather [hbm4b:s4+s2], $0x80, v4, vm0, $0xb8;
	[tilespmem:$0x19000] =	vst v63  }
0x85: {  	s7 =	simm.s32 $0xA000  }
0x86: {  	[tilespmem:s7], [sflag:$0x2] =	stream.indirect_vreg.gather [hbm4b:s4+s2], $0x80, v3, vm0, $0xb8;
	[tilespmem:$0x19000] =	vst v63  }
0x87: {  	v3 =	vld [tilespmem:$0x90];
	_ =	sdelay $0x4  }
0x88: {  	v57 =	vshll.u32 v3, $0x1  }
0x89: {  	v3 =	vand.u32 $0x7, v3;
	v4 =	vand.u32 $0xFFFFFFF0, v57  }
0x8a: {  	v3 =	vor.u32 v3, v4  }
0x8b: {  	v4 =	vperm.xlane v3, v0;
	_ =	sdelay $0x1  }
0x8c: {  	v3 =	vperm.xlane v3, v2;
	v4 =	vadd.s32 v1, v4;
	_ =	sdelay $0x1  }
0x8d: {  	v3 =	vadd.s32 v1, v3;
	_ =	sdelay $0x1  }
0x8e: {  	s9 =	simm.s32 $0xB000  }
0x8f: {  	[tilespmem:s9], [sflag:$0x2] =	stream.indirect_vreg.gather [hbm4b:s4+s2], $0x80, v4, vm0, $0xb8;
	[tilespmem:$0x19000] =	vst v63  }
0x90: {  	s13 =	simm.s32 $0xC000  }
0x91: {  	[tilespmem:s13], [sflag:$0x2] =	stream.indirect_vreg.gather [hbm4b:s4+s2], $0x80, v3, vm0, $0xb8;
	[tilespmem:$0x19000] =	vst v63  }
0x92: {  	v3 =	vld [tilespmem:$0xA0];
	_ =	sdelay $0x4  }
0x93: {  	v58 =	vshll.u32 v3, $0x1  }
0x94: {  	v3 =	vand.u32 $0x7, v3;
	v4 =	vand.u32 $0xFFFFFFF0, v58  }
0x95: {  	v3 =	vor.u32 v3, v4  }
0x96: {  	v4 =	vperm.xlane v3, v0;
	_ =	sdelay $0x1  }
0x97: {  	v3 =	vperm.xlane v3, v2;
	v4 =	vadd.s32 v1, v4;
	_ =	sdelay $0x1  }
0x98: {  	v3 =	vadd.s32 v1, v3;
	_ =	sdelay $0x1  }
0x99: {  	s15 =	simm.s32 $0xD000  }
0x9a: {  	[tilespmem:s15], [sflag:$0x2] =	stream.indirect_vreg.gather [hbm4b:s4+s2], $0x80, v4, vm0, $0xb8;
	[tilespmem:$0x19000] =	vst v63  }
0x9b: {  	s16 =	simm.s32 $0xE000  }
0x9c: {  	[tilespmem:s16], [sflag:$0x2] =	stream.indirect_vreg.gather [hbm4b:s4+s2], $0x80, v3, vm0, $0xb8;
	[tilespmem:$0x19000] =	vst v63  }
0x9d: {  	v3 =	vld [tilespmem:$0xB0];
	_ =	sdelay $0x4  }
0x9e: {  	v59 =	vshll.u32 v3, $0x1  }
0x9f: {  	v3 =	vand.u32 $0x7, v3;
	v4 =	vand.u32 $0xFFFFFFF0, v59  }
0xa0: {  	v3 =	vor.u32 v3, v4  }
0xa1: {  	v4 =	vperm.xlane v3, v0;
	_ =	sdelay $0x1  }
0xa2: {  	v3 =	vperm.xlane v3, v2;
	v4 =	vadd.s32 v1, v4;
	_ =	sdelay $0x1  }
0xa3: {  	v3 =	vadd.s32 v1, v3;
	_ =	sdelay $0x1  }
0xa4: {  	s18 =	simm.s32 $0xF000  }
0xa5: {  	[tilespmem:s18], [sflag:$0x2] =	stream.indirect_vreg.gather [hbm4b:s4+s2], $0x80, v4, vm0, $0xb8;
	[tilespmem:$0x19000] =	vst v63  }
0xa6: {  	s19 =	simm.s32 $0x10000  }
0xa7: {  	[tilespmem:s19], [sflag:$0x2] =	stream.indirect_vreg.gather [hbm4b:s4+s2], $0x80, v3, vm0, $0xb8;
	[tilespmem:$0x19000] =	vst v63  }
0xa8: {  	v3 =	vld [tilespmem:$0x880];
	_ =	sdelay $0x4  }
0xa9: {  	v60 =	vshll.u32 v3, $0x1  }
0xaa: {  	v3 =	vand.u32 $0x7, v3;
	v4 =	vand.u32 $0xFFFFFFF0, v60  }
0xab: {  	v3 =	vor.u32 v3, v4  }
0xac: {  	v4 =	vperm.xlane v3, v0;
	_ =	sdelay $0x1  }
0xad: {  	v3 =	vperm.xlane v3, v2;
	v4 =	vadd.s32 v1, v4;
	_ =	sdelay $0x1  }
0xae: {  	v3 =	vadd.s32 v1, v3;
	_ =	sdelay $0x1  }
0xaf: {  	s20 =	simm.s32 $0x9800  }
0xb0: {  	[tilespmem:s20], [sflag:$0x2] =	stream.indirect_vreg.gather [hbm4b:s5+s2], $0x80, v4, vm0, $0xb8;
	[tilespmem:$0x19000] =	vst v63  }
0xb1: {  	s21 =	simm.s32 $0xA800  }
0xb2: {  	[tilespmem:s21], [sflag:$0x2] =	stream.indirect_vreg.gather [hbm4b:s5+s2], $0x80, v3, vm0, $0xb8;
	[tilespmem:$0x19000] =	vst v63  }
0xb3: {  	v3 =	vld [tilespmem:$0x890];
	_ =	sdelay $0x4  }
0xb4: {  	v61 =	vshll.u32 v3, $0x1  }
0xb5: {  	v3 =	vand.u32 $0x7, v3;
	v4 =	vand.u32 $0xFFFFFFF0, v61  }
0xb6: {  	v3 =	vor.u32 v3, v4  }
0xb7: {  	v4 =	vperm.xlane v3, v0;
	_ =	sdelay $0x1  }
0xb8: {  	v3 =	vperm.xlane v3, v2;
	v4 =	vadd.s32 v1, v4;
	_ =	sdelay $0x1  }
0xb9: {  	v3 =	vadd.s32 v1, v3;
	_ =	sdelay $0x1  }
0xba: {  	s22 =	simm.s32 $0xB800  }
0xbb: {  	[tilespmem:s22], [sflag:$0x2] =	stream.indirect_vreg.gather [hbm4b:s5+s2], $0x80, v4, vm0, $0xb8;
	[tilespmem:$0x19000] =	vst v63  }
0xbc: {  	s23 =	simm.s32 $0xC800  }
0xbd: {  	[tilespmem:s23], [sflag:$0x2] =	stream.indirect_vreg.gather [hbm4b:s5+s2], $0x80, v3, vm0, $0xb8;
	[tilespmem:$0x19000] =	vst v63  }
0xbe: {  	v3 =	vld [tilespmem:$0x8A0];
	_ =	sdelay $0x4  }
0xbf: {  	v62 =	vshll.u32 v3, $0x1  }
0xc0: {  	v3 =	vand.u32 $0x7, v3;
	v4 =	vand.u32 $0xFFFFFFF0, v62  }
0xc1: {  	v3 =	vor.u32 v3, v4  }
0xc2: {  	v4 =	vperm.xlane v3, v0;
	_ =	sdelay $0x1  }
0xc3: {  	v3 =	vperm.xlane v3, v2;
	v4 =	vadd.s32 v1, v4;
	_ =	sdelay $0x1  }
0xc4: {  	v3 =	vadd.s32 v1, v3;
	_ =	sdelay $0x1  }
0xc5: {  	s24 =	simm.s32 $0xD800  }
0xc6: {  	[tilespmem:s24], [sflag:$0x2] =	stream.indirect_vreg.gather [hbm4b:s5+s2], $0x80, v4, vm0, $0xb8;
	[tilespmem:$0x19000] =	vst v63  }
0xc7: {  	s29 =	simm.s32 $0xE800  }
0xc8: {  	[tilespmem:s29], [sflag:$0x2] =	stream.indirect_vreg.gather [hbm4b:s5+s2], $0x80, v3, vm0, $0xb8;
	[tilespmem:$0x19000] =	vst v63  }
0xc9: {  	v3 =	vld [tilespmem:$0x8B0];
	_ =	sdelay $0x4  }
0xca: {  	v63 =	vshll.u32 v3, $0x1  }
0xcb: {  	v3 =	vand.u32 $0x7, v3;
	v4 =	vand.u32 $0xFFFFFFF0, v63  }
0xcc: {  	v3 =	vor.u32 v3, v4  }
0xcd: {  	v4 =	vperm.xlane v3, v0;
	_ =	sdelay $0x1  }
0xce: {  	v3 =	vperm.xlane v3, v2;
	v4 =	vadd.s32 v1, v4;
	_ =	sdelay $0x1  }
0xcf: {  	v3 =	vadd.s32 v1, v3;
	_ =	sdelay $0x1  }
0xd0: {  	s6 =	simm.s32 $0xF800  }
0xd1: {  	[tilespmem:s6], [sflag:$0x2] =	stream.indirect_vreg.gather [hbm4b:s5+s2], $0x80, v4, vm0, $0xb8;
	[tilespmem:$0x19000] =	vst v63  }
0xd2: {  	s9 =	simm.s32 $0x10800  }
0xd3: {  	[tilespmem:s9], [sflag:$0x2] =	stream.indirect_vreg.gather [hbm4b:s5+s2], $0x80, v3, vm0, $0xb8;
	[tilespmem:$0x19000] =	vst v63  }
0xd4: {  	v3 =	vld [tilespmem:$0x100];
	_ =	sdelay $0x4  }
0xd5: {  	v8 =	vshll.u32 v3, $0x1  }
0xd6: {  	v3 =	vand.u32 $0x7, v3;
	v4 =	vand.u32 $0xFFFFFFF0, v8  }
0xd7: {  	v3 =	vor.u32 v3, v4  }
0xd8: {  	v4 =	vperm.xlane v3, v0;
	_ =	sdelay $0x1  }
0xd9: {  	v3 =	vperm.xlane v3, v2;
	v4 =	vadd.s32 v1, v4;
	_ =	sdelay $0x1  }
0xda: {  	v3 =	vadd.s32 v1, v3;
	_ =	sdelay $0x1  }
0xdb: {  	s13 =	simm.s32 $0x11000  }
0xdc: {  	[tilespmem:s13], [sflag:$0x3] =	stream.indirect_vreg.gather [hbm4b:s4+s2], $0x80, v4, vm0, $0xb8;
	[tilespmem:$0x19000] =	vst v63  }
0xdd: {  	s13 =	simm.s32 $0x12000  }
0xde: {  	[tilespmem:s13], [sflag:$0x3] =	stream.indirect_vreg.gather [hbm4b:s4+s2], $0x80, v3, vm0, $0xb8;
	[tilespmem:$0x19000] =	vst v63  }
0xdf: {  	v3 =	vld [tilespmem:$0x110];
	_ =	sdelay $0x4  }
0xe0: {  	v9 =	vshll.u32 v3, $0x1  }
0xe1: {  	v3 =	vand.u32 $0x7, v3;
	v4 =	vand.u32 $0xFFFFFFF0, v9  }
0xe2: {  	v3 =	vor.u32 v3, v4  }
0xe3: {  	v4 =	vperm.xlane v3, v0;
	_ =	sdelay $0x1  }
0xe4: {  	v3 =	vperm.xlane v3, v2;
	v4 =	vadd.s32 v1, v4;
	_ =	sdelay $0x1  }
0xe5: {  	v3 =	vadd.s32 v1, v3;
	_ =	sdelay $0x1  }
0xe6: {  	s15 =	simm.s32 $0x13000  }
0xe7: {  	[tilespmem:s15], [sflag:$0x3] =	stream.indirect_vreg.gather [hbm4b:s4+s2], $0x80, v4, vm0, $0xb8;
	[tilespmem:$0x19000] =	vst v63  }
0xe8: {  	s19 =	simm.s32 $0x14000  }
0xe9: {  	[tilespmem:s19], [sflag:$0x3] =	stream.indirect_vreg.gather [hbm4b:s4+s2], $0x80, v3, vm0, $0xb8;
	[tilespmem:$0x19000] =	vst v63  }
0xea: {  	v3 =	vld [tilespmem:$0x120];
	_ =	sdelay $0x4  }
0xeb: {  	v10 =	vshll.u32 v3, $0x1  }
0xec: {  	v3 =	vand.u32 $0x7, v3;
	v4 =	vand.u32 $0xFFFFFFF0, v10  }
0xed: {  	v3 =	vor.u32 v3, v4  }
0xee: {  	v4 =	vperm.xlane v3, v0;
	_ =	sdelay $0x1  }
0xef: {  	v3 =	vperm.xlane v3, v2;
	v4 =	vadd.s32 v1, v4;
	_ =	sdelay $0x1  }
0xf0: {  	v3 =	vadd.s32 v1, v3;
	_ =	sdelay $0x1  }
0xf1: {  	s20 =	simm.s32 $0x15000  }
0xf2: {  	[tilespmem:s20], [sflag:$0x3] =	stream.indirect_vreg.gather [hbm4b:s4+s2], $0x80, v4, vm0, $0xb8;
	[tilespmem:$0x19000] =	vst v63  }
0xf3: {  	s21 =	simm.s32 $0x16000  }
0xf4: {  	[tilespmem:s21], [sflag:$0x3] =	stream.indirect_vreg.gather [hbm4b:s4+s2], $0x80, v3, vm0, $0xb8;
	[tilespmem:$0x19000] =	vst v63  }
0xf5: {  	v3 =	vld [tilespmem:$0x130];
	_ =	sdelay $0x4  }
0xf6: {  	v11 =	vshll.u32 v3, $0x1  }
0xf7: {  	v3 =	vand.u32 $0x7, v3;
	v4 =	vand.u32 $0xFFFFFFF0, v11  }
0xf8: {  	v3 =	vor.u32 v3, v4  }
0xf9: {  	v4 =	vperm.xlane v3, v0;
	_ =	sdelay $0x1  }
0xfa: {  	v3 =	vperm.xlane v3, v2;
	v4 =	vadd.s32 v1, v4;
	_ =	sdelay $0x1  }
0xfb: {  	v3 =	vadd.s32 v1, v3;
	_ =	sdelay $0x1  }
0xfc: {  	s22 =	simm.s32 $0x17000  }
0xfd: {  	[tilespmem:s22], [sflag:$0x3] =	stream.indirect_vreg.gather [hbm4b:s4+s2], $0x80, v4, vm0, $0xb8;
	[tilespmem:$0x19000] =	vst v63  }
0xfe: {  	s23 =	simm.s32 $0x18000  }
0xff: {  	[tilespmem:s23], [sflag:$0x3] =	stream.indirect_vreg.gather [hbm4b:s4+s2], $0x80, v3, vm0, $0xb8;
	[tilespmem:$0x19000] =	vst v63  }
0x100: {  	v3 =	vld [tilespmem:$0x900];
	_ =	sdelay $0x4  }
0x101: {  	v12 =	vshll.u32 v3, $0x1  }
0x102: {  	v3 =	vand.u32 $0x7, v3;
	v4 =	vand.u32 $0xFFFFFFF0, v12  }
0x103: {  	v3 =	vor.u32 v3, v4  }
0x104: {  	v4 =	vperm.xlane v3, v0;
	_ =	sdelay $0x1  }
0x105: {  	v3 =	vperm.xlane v3, v2;
	v4 =	vadd.s32 v1, v4;
	_ =	sdelay $0x1  }
0x106: {  	v3 =	vadd.s32 v1, v3;
	_ =	sdelay $0x1  }
0x107: {  	s24 =	simm.s32 $0x11800  }
0x108: {  	[tilespmem:s24], [sflag:$0x3] =	stream.indirect_vreg.gather [hbm4b:s5+s2], $0x80, v4, vm0, $0xb8;
	[tilespmem:$0x19000] =	vst v63  }
0x109: {  	s29 =	simm.s32 $0x12800  }
0x10a: {  	[tilespmem:s29], [sflag:$0x3] =	stream.indirect_vreg.gather [hbm4b:s5+s2], $0x80, v3, vm0, $0xb8;
	[tilespmem:$0x19000] =	vst v63  }
0x10b: {  	v3 =	vld [tilespmem:$0x910];
	_ =	sdelay $0x4  }
0x10c: {  	v13 =	vshll.u32 v3, $0x1  }
0x10d: {  	v3 =	vand.u32 $0x7, v3;
	v4 =	vand.u32 $0xFFFFFFF0, v13  }
0x10e: {  	v3 =	vor.u32 v3, v4  }
0x10f: {  	v4 =	vperm.xlane v3, v0;
	_ =	sdelay $0x1  }
0x110: {  	v3 =	vperm.xlane v3, v2;
	v4 =	vadd.s32 v1, v4;
	_ =	sdelay $0x1  }
0x111: {  	v3 =	vadd.s32 v1, v3;
	_ =	sdelay $0x1  }
0x112: {  	s1 =	simm.s32 $0x13800  }
0x113: {  	[tilespmem:s1], [sflag:$0x3] =	stream.indirect_vreg.gather [hbm4b:s5+s2], $0x80, v4, vm0, $0xb8;
	[tilespmem:$0x19000] =	vst v63  }
0x114: {  	s6 =	simm.s32 $0x14800  }
0x115: {  	[tilespmem:s6], [sflag:$0x3] =	stream.indirect_vreg.gather [hbm4b:s5+s2], $0x80, v3, vm0, $0xb8;
	[tilespmem:$0x19000] =	vst v63  }
0x116: {  	v3 =	vld [tilespmem:$0x920];
	_ =	sdelay $0x4  }
0x117: {  	v14 =	vshll.u32 v3, $0x1  }
0x118: {  	v3 =	vand.u32 $0x7, v3;
	v4 =	vand.u32 $0xFFFFFFF0, v14  }
0x119: {  	v3 =	vor.u32 v3, v4  }
0x11a: {  	v4 =	vperm.xlane v3, v0;
	_ =	sdelay $0x1  }
0x11b: {  	v3 =	vperm.xlane v3, v2;
	v4 =	vadd.s32 v1, v4;
	_ =	sdelay $0x1  }
0x11c: {  	v3 =	vadd.s32 v1, v3;
	_ =	sdelay $0x1  }
0x11d: {  	s9 =	simm.s32 $0x15800  }
0x11e: {  	[tilespmem:s9], [sflag:$0x3] =	stream.indirect_vreg.gather [hbm4b:s5+s2], $0x80, v4, vm0, $0xb8;
	[tilespmem:$0x19000] =	vst v63  }
0x11f: {  	s15 =	simm.s32 $0x16800  }
0x120: {  	[tilespmem:s15], [sflag:$0x3] =	stream.indirect_vreg.gather [hbm4b:s5+s2], $0x80, v3, vm0, $0xb8;
	[tilespmem:$0x19000] =	vst v63  }
0x121: {  	v3 =	vld [tilespmem:$0x930];
	_ =	sdelay $0x4  }
0x122: {  	v15 =	vshll.u32 v3, $0x1  }
0x123: {  	v3 =	vand.u32 $0x7, v3;
	v4 =	vand.u32 $0xFFFFFFF0, v15  }
0x124: {  	v3 =	vor.u32 v3, v4  }
0x125: {  	v4 =	vperm.xlane v3, v0;
	_ =	sdelay $0x1  }
0x126: {  	v3 =	vperm.xlane v3, v2;
	v4 =	vadd.s32 v1, v4;
	_ =	sdelay $0x1  }
0x127: {  	v3 =	vadd.s32 v1, v3;
	_ =	sdelay $0x1  }
0x128: {  	s22 =	simm.s32 $0x17800  }
0x129: {  	[tilespmem:s22], [sflag:$0x3] =	stream.indirect_vreg.gather [hbm4b:s5+s2], $0x80, v4, vm0, $0xb8;
	[tilespmem:$0x19000] =	vst v63  }
0x12a: {  	s23 =	simm.s32 $0x18800  }
0x12b: {  	[tilespmem:s23], [sflag:$0x3] =	stream.indirect_vreg.gather [hbm4b:s5+s2], $0x80, v3, vm0, $0xb8;
	[tilespmem:$0x19000] =	vst v63  }
0x12c: {  	_ =	swait.ge [sflag:s31], $0x4000  }
0x12d: {  	[sflag:s31] =	ssyncset.done $0x0  }
0x12e: {  	[sflag:s31] =	ssyncadd.s32 $0xFFFFC000  }
0x12f: {  	_ =	swait.ge [sflag:s31], $0x4000  }
0x130: {  	[sflag:s31] =	ssyncset.done $0x0  }
0x131: {  	s1 =	simm.s32 $0x1000;
	s24 =	rddreg [dreg:$0x15];
	[sflag:s31] =	ssyncadd.s32 $0xFFFFC000  }
0x132: {  	[hbm4b:s24+s2] =	stream.linear.scatter [tilespmem:s1], [sflag:$0x4], $0x8000, $0x38;
	[tilespmem:$0x19000] =	vst v63  }
0x133: {  	_ =	swait.ge [sflag:s14], $0x8000  }
0x134: {  	[sflag:s14] =	ssyncset.done $0x0  }
0x135: {  	[sflag:s14] =	ssyncadd.s32 $0xFFFF8000  }
0x136: {  	v3 =	vld [tilespmem:$0x180];
	_ =	sdelay $0x4  }
0x137: {  	v16 =	vshll.u32 v3, $0x1  }
0x138: {  	v3 =	vand.u32 $0x7, v3;
	v4 =	vand.u32 $0xFFFFFFF0, v16  }
0x139: {  	v3 =	vor.u32 v3, v4  }
0x13a: {  	v4 =	vperm.xlane v3, v0;
	_ =	sdelay $0x1  }
0x13b: {  	v3 =	vperm.xlane v3, v2;
	v4 =	vadd.s32 v1, v4;
	_ =	sdelay $0x1  }
0x13c: {  	v3 =	vadd.s32 v1, v3;
	_ =	sdelay $0x2  }
0x13d: {  	[tilespmem:s1], [sflag:$0x1] =	stream.indirect_vreg.gather [hbm4b:s4+s2], $0x80, v4, vm0, $0xb8;
	[tilespmem:$0x19000] =	vst v63  }
0x13e: {  	s8 =	simm.s32 $0x2000  }
0x13f: {  	[tilespmem:s8], [sflag:$0x1] =	stream.indirect_vreg.gather [hbm4b:s4+s2], $0x80, v3, vm0, $0xb8;
	[tilespmem:$0x19000] =	vst v63  }
0x140: {  	v3 =	vld [tilespmem:$0x190];
	_ =	sdelay $0x4  }
0x141: {  	v17 =	vshll.u32 v3, $0x1  }
0x142: {  	v3 =	vand.u32 $0x7, v3;
	v4 =	vand.u32 $0xFFFFFFF0, v17  }
0x143: {  	v3 =	vor.u32 v3, v4  }
0x144: {  	v4 =	vperm.xlane v3, v0;
	_ =	sdelay $0x1  }
0x145: {  	v3 =	vperm.xlane v3, v2;
	v4 =	vadd.s32 v1, v4;
	_ =	sdelay $0x1  }
0x146: {  	v3 =	vadd.s32 v1, v3;
	_ =	sdelay $0x1  }
0x147: {  	s24 =	simm.s32 $0x3000  }
0x148: {  	[tilespmem:s24], [sflag:$0x1] =	stream.indirect_vreg.gather [hbm4b:s4+s2], $0x80, v4, vm0, $0xb8;
	[tilespmem:$0x19000] =	vst v63  }
0x149: {  	s10 =	simm.s32 $0x4000  }
0x14a: {  	[tilespmem:s10], [sflag:$0x1] =	stream.indirect_vreg.gather [hbm4b:s4+s2], $0x80, v3, vm0, $0xb8;
	[tilespmem:$0x19000] =	vst v63  }
0x14b: {  	v3 =	vld [tilespmem:$0x1A0];
	_ =	sdelay $0x4  }
0x14c: {  	v18 =	vshll.u32 v3, $0x1  }
0x14d: {  	v3 =	vand.u32 $0x7, v3;
	v4 =	vand.u32 $0xFFFFFFF0, v18  }
0x14e: {  	v3 =	vor.u32 v3, v4  }
0x14f: {  	v4 =	vperm.xlane v3, v0;
	_ =	sdelay $0x1  }
0x150: {  	v3 =	vperm.xlane v3, v2;
	v4 =	vadd.s32 v1, v4;
	_ =	sdelay $0x1  }
0x151: {  	v3 =	vadd.s32 v1, v3;
	_ =	sdelay $0x1  }
0x152: {  	s22 =	simm.s32 $0x5000  }
0x153: {  	[tilespmem:s22], [sflag:$0x1] =	stream.indirect_vreg.gather [hbm4b:s4+s2], $0x80, v4, vm0, $0xb8;
	[tilespmem:$0x19000] =	vst v63  }
0x154: {  	s11 =	simm.s32 $0x6000  }
0x155: {  	[tilespmem:s11], [sflag:$0x1] =	stream.indirect_vreg.gather [hbm4b:s4+s2], $0x80, v3, vm0, $0xb8;
	[tilespmem:$0x19000] =	vst v63  }
0x156: {  	v3 =	vld [tilespmem:$0x1B0];
	_ =	sdelay $0x4  }
0x157: {  	v19 =	vshll.u32 v3, $0x1  }
0x158: {  	v3 =	vand.u32 $0x7, v3;
	v4 =	vand.u32 $0xFFFFFFF0, v19  }
0x159: {  	v3 =	vor.u32 v3, v4  }
0x15a: {  	v4 =	vperm.xlane v3, v0;
	_ =	sdelay $0x1  }
0x15b: {  	v3 =	vperm.xlane v3, v2;
	v4 =	vadd.s32 v1, v4;
	_ =	sdelay $0x1  }
0x15c: {  	v3 =	vadd.s32 v1, v3;
	_ =	sdelay $0x1  }
0x15d: {  	s23 =	simm.s32 $0x7000  }
0x15e: {  	[tilespmem:s23], [sflag:$0x1] =	stream.indirect_vreg.gather [hbm4b:s4+s2], $0x80, v4, vm0, $0xb8;
	[tilespmem:$0x19000] =	vst v63  }
0x15f: {  	s12 =	simm.s32 $0x8000  }
0x160: {  	[tilespmem:s12], [sflag:$0x1] =	stream.indirect_vreg.gather [hbm4b:s4+s2], $0x80, v3, vm0, $0xb8;
	[tilespmem:$0x19000] =	vst v63  }
0x161: {  	v3 =	vld [tilespmem:$0x980];
	_ =	sdelay $0x4  }
0x162: {  	v20 =	vshll.u32 v3, $0x1  }
0x163: {  	v3 =	vand.u32 $0x7, v3;
	v4 =	vand.u32 $0xFFFFFFF0, v20  }
0x164: {  	v3 =	vor.u32 v3, v4  }
0x165: {  	v4 =	vperm.xlane v3, v0;
	_ =	sdelay $0x1  }
0x166: {  	v3 =	vperm.xlane v3, v2;
	v4 =	vadd.s32 v1, v4;
	_ =	sdelay $0x1  }
0x167: {  	v3 =	vadd.s32 v1, v3;
	_ =	sdelay $0x1  }
0x168: {  	s8 =	simm.s32 $0x1800  }
0x169: {  	[tilespmem:s8], [sflag:$0x1] =	stream.indirect_vreg.gather [hbm4b:s5+s2], $0x80, v4, vm0, $0xb8;
	[tilespmem:$0x19000] =	vst v63  }
0x16a: {  	s13 =	simm.s32 $0x2800  }
0x16b: {  	[tilespmem:s13], [sflag:$0x1] =	stream.indirect_vreg.gather [hbm4b:s5+s2], $0x80, v3, vm0, $0xb8;
	[tilespmem:$0x19000] =	vst v63  }
0x16c: {  	v3 =	vld [tilespmem:$0x990];
	_ =	sdelay $0x4  }
0x16d: {  	v21 =	vshll.u32 v3, $0x1  }
0x16e: {  	v3 =	vand.u32 $0x7, v3;
	v4 =	vand.u32 $0xFFFFFFF0, v21  }
0x16f: {  	v3 =	vor.u32 v3, v4  }
0x170: {  	v4 =	vperm.xlane v3, v0;
	_ =	sdelay $0x1  }
0x171: {  	v3 =	vperm.xlane v3, v2;
	v4 =	vadd.s32 v1, v4;
	_ =	sdelay $0x1  }
0x172: {  	v3 =	vadd.s32 v1, v3;
	_ =	sdelay $0x1  }
0x173: {  	s9 =	simm.s32 $0x3800  }
0x174: {  	[tilespmem:s9], [sflag:$0x1] =	stream.indirect_vreg.gather [hbm4b:s5+s2], $0x80, v4, vm0, $0xb8;
	[tilespmem:$0x19000] =	vst v63  }
0x175: {  	s9 =	simm.s32 $0x4800  }
0x176: {  	[tilespmem:s9], [sflag:$0x1] =	stream.indirect_vreg.gather [hbm4b:s5+s2], $0x80, v3, vm0, $0xb8;
	[tilespmem:$0x19000] =	vst v63  }
0x177: {  	v3 =	vld [tilespmem:$0x9A0];
	_ =	sdelay $0x4  }
0x178: {  	v22 =	vshll.u32 v3, $0x1  }
0x179: {  	v3 =	vand.u32 $0x7, v3;
	v4 =	vand.u32 $0xFFFFFFF0, v22  }
0x17a: {  	v3 =	vor.u32 v3, v4  }
0x17b: {  	v4 =	vperm.xlane v3, v0;
	_ =	sdelay $0x1  }
0x17c: {  	v3 =	vperm.xlane v3, v2;
	v4 =	vadd.s32 v1, v4;
	_ =	sdelay $0x1  }
0x17d: {  	v3 =	vadd.s32 v1, v3;
	_ =	sdelay $0x1  }
0x17e: {  	s11 =	simm.s32 $0x5800  }
0x17f: {  	[tilespmem:s11], [sflag:$0x1] =	stream.indirect_vreg.gather [hbm4b:s5+s2], $0x80, v4, vm0, $0xb8;
	[tilespmem:$0x19000] =	vst v63  }
0x180: {  	s15 =	simm.s32 $0x6800  }
0x181: {  	[tilespmem:s15], [sflag:$0x1] =	stream.indirect_vreg.gather [hbm4b:s5+s2], $0x80, v3, vm0, $0xb8;
	[tilespmem:$0x19000] =	vst v63  }
0x182: {  	v3 =	vld [tilespmem:$0x9B0];
	_ =	sdelay $0x4  }
0x183: {  	v23 =	vshll.u32 v3, $0x1  }
0x184: {  	v3 =	vand.u32 $0x7, v3;
	v4 =	vand.u32 $0xFFFFFFF0, v23  }
0x185: {  	v3 =	vor.u32 v3, v4  }
0x186: {  	v4 =	vperm.xlane v3, v0;
	_ =	sdelay $0x1  }
0x187: {  	v3 =	vperm.xlane v3, v2;
	v4 =	vadd.s32 v1, v4;
	_ =	sdelay $0x1  }
0x188: {  	v3 =	vadd.s32 v1, v3;
	_ =	sdelay $0x1  }
0x189: {  	s12 =	simm.s32 $0x7800  }
0x18a: {  	[tilespmem:s12], [sflag:$0x1] =	stream.indirect_vreg.gather [hbm4b:s5+s2], $0x80, v4, vm0, $0xb8;
	[tilespmem:$0x19000] =	vst v63  }
0x18b: {  	s17 =	simm.s32 $0x8800  }
0x18c: {  	[tilespmem:s17], [sflag:$0x1] =	stream.indirect_vreg.gather [hbm4b:s5+s2], $0x80, v3, vm0, $0xb8;
	[tilespmem:$0x19000] =	vst v63  }
0x18d: {  	_ =	swait.ge [sflag:s3], $0x4000  }
0x18e: {  	[sflag:s3] =	ssyncset.done $0x0  }
0x18f: {  	[sflag:s3] =	ssyncadd.s32 $0xFFFFC000  }
0x190: {  	_ =	swait.ge [sflag:s3], $0x4000  }
0x191: {  	[sflag:s3] =	ssyncset.done $0x0  }
0x192: {  	s17 =	simm.s32 $0x9000;
	s10 =	rddreg [dreg:$0x5];
	[sflag:s3] =	ssyncadd.s32 $0xFFFFC000  }
0x193: {  	[hbm4b:s10+s2] =	stream.linear.scatter [tilespmem:s17], [sflag:$0x5], $0x8000, $0x38;
	[tilespmem:$0x19000] =	vst v63  }
0x194: {  	_ =	swait.ge [sflag:s28], $0x8000  }
0x195: {  	[sflag:s28] =	ssyncset.done $0x0  }
0x196: {  	[sflag:s28] =	ssyncadd.s32 $0xFFFF8000  }
0x197: {  	v3 =	vld [tilespmem:$0x200];
	_ =	sdelay $0x4  }
0x198: {  	v24 =	vshll.u32 v3, $0x1  }
0x199: {  	v3 =	vand.u32 $0x7, v3;
	v4 =	vand.u32 $0xFFFFFFF0, v24  }
0x19a: {  	v3 =	vor.u32 v3, v4  }
0x19b: {  	v4 =	vperm.xlane v3, v0;
	_ =	sdelay $0x1  }
0x19c: {  	v3 =	vperm.xlane v3, v2;
	v4 =	vadd.s32 v1, v4;
	_ =	sdelay $0x1  }
0x19d: {  	v3 =	vadd.s32 v1, v3;
	_ =	sdelay $0x2  }
0x19e: {  	[tilespmem:s17], [sflag:$0x2] =	stream.indirect_vreg.gather [hbm4b:s4+s2], $0x80, v4, vm0, $0xb8;
	[tilespmem:$0x19000] =	vst v63  }
0x19f: {  	s25 =	simm.s32 $0xA000  }
0x1a0: {  	[tilespmem:s25], [sflag:$0x2] =	stream.indirect_vreg.gather [hbm4b:s4+s2], $0x80, v3, vm0, $0xb8;
	[tilespmem:$0x19000] =	vst v63  }
0x1a1: {  	v3 =	vld [tilespmem:$0x210];
	_ =	sdelay $0x4  }
0x1a2: {  	v25 =	vshll.u32 v3, $0x1  }
0x1a3: {  	v3 =	vand.u32 $0x7, v3;
	v4 =	vand.u32 $0xFFFFFFF0, v25  }
0x1a4: {  	v3 =	vor.u32 v3, v4  }
0x1a5: {  	v4 =	vperm.xlane v3, v0;
	_ =	sdelay $0x1  }
0x1a6: {  	v3 =	vperm.xlane v3, v2;
	v4 =	vadd.s32 v1, v4;
	_ =	sdelay $0x1  }
0x1a7: {  	v3 =	vadd.s32 v1, v3;
	_ =	sdelay $0x1  }
0x1a8: {  	s7 =	simm.s32 $0xB000  }
0x1a9: {  	[tilespmem:s7], [sflag:$0x2] =	stream.indirect_vreg.gather [hbm4b:s4+s2], $0x80, v4, vm0, $0xb8;
	[tilespmem:$0x19000] =	vst v63  }
0x1aa: {  	s1 =	simm.s32 $0xC000  }
0x1ab: {  	[tilespmem:s1], [sflag:$0x2] =	stream.indirect_vreg.gather [hbm4b:s4+s2], $0x80, v3, vm0, $0xb8;
	[tilespmem:$0x19000] =	vst v63  }
0x1ac: {  	v3 =	vld [tilespmem:$0x220];
	_ =	sdelay $0x4  }
0x1ad: {  	v26 =	vshll.u32 v3, $0x1  }
0x1ae: {  	v3 =	vand.u32 $0x7, v3;
	v4 =	vand.u32 $0xFFFFFFF0, v26  }
0x1af: {  	v3 =	vor.u32 v3, v4  }
0x1b0: {  	v4 =	vperm.xlane v3, v0;
	_ =	sdelay $0x1  }
0x1b1: {  	v3 =	vperm.xlane v3, v2;
	v4 =	vadd.s32 v1, v4;
	_ =	sdelay $0x1  }
0x1b2: {  	v3 =	vadd.s32 v1, v3;
	_ =	sdelay $0x1  }
0x1b3: {  	s0 =	simm.s32 $0xD000  }
0x1b4: {  	[tilespmem:s0], [sflag:$0x2] =	stream.indirect_vreg.gather [hbm4b:s4+s2], $0x80, v4, vm0, $0xb8;
	[tilespmem:$0x19000] =	vst v63  }
0x1b5: {  	s7 =	simm.s32 $0xE000  }
0x1b6: {  	[tilespmem:s7], [sflag:$0x2] =	stream.indirect_vreg.gather [hbm4b:s4+s2], $0x80, v3, vm0, $0xb8;
	[tilespmem:$0x19000] =	vst v63  }
0x1b7: {  	v3 =	vld [tilespmem:$0x230];
	_ =	sdelay $0x4  }
0x1b8: {  	v27 =	vshll.u32 v3, $0x1  }
0x1b9: {  	v3 =	vand.u32 $0x7, v3;
	v4 =	vand.u32 $0xFFFFFFF0, v27  }
0x1ba: {  	v3 =	vor.u32 v3, v4  }
0x1bb: {  	v4 =	vperm.xlane v3, v0;
	_ =	sdelay $0x1  }
0x1bc: {  	v3 =	vperm.xlane v3, v2;
	v4 =	vadd.s32 v1, v4;
	_ =	sdelay $0x1  }
0x1bd: {  	v3 =	vadd.s32 v1, v3;
	_ =	sdelay $0x1  }
0x1be: {  	s18 =	simm.s32 $0xF000  }
0x1bf: {  	[tilespmem:s18], [sflag:$0x2] =	stream.indirect_vreg.gather [hbm4b:s4+s2], $0x80, v4, vm0, $0xb8;
	[tilespmem:$0x19000] =	vst v63  }
0x1c0: {  	s10 =	simm.s32 $0x10000  }
0x1c1: {  	[tilespmem:s10], [sflag:$0x2] =	stream.indirect_vreg.gather [hbm4b:s4+s2], $0x80, v3, vm0, $0xb8;
	[tilespmem:$0x19000] =	vst v63  }
0x1c2: {  	v3 =	vld [tilespmem:$0xA00];
	_ =	sdelay $0x4  }
0x1c3: {  	v28 =	vshll.u32 v3, $0x1  }
0x1c4: {  	v3 =	vand.u32 $0x7, v3;
	v4 =	vand.u32 $0xFFFFFFF0, v28  }
0x1c5: {  	v3 =	vor.u32 v3, v4  }
0x1c6: {  	v4 =	vperm.xlane v3, v0;
	_ =	sdelay $0x1  }
0x1c7: {  	v3 =	vperm.xlane v3, v2;
	v4 =	vadd.s32 v1, v4;
	_ =	sdelay $0x1  }
0x1c8: {  	v3 =	vadd.s32 v1, v3;
	_ =	sdelay $0x1  }
0x1c9: {  	s25 =	simm.s32 $0x9800  }
0x1ca: {  	[tilespmem:s25], [sflag:$0x2] =	stream.indirect_vreg.gather [hbm4b:s5+s2], $0x80, v4, vm0, $0xb8;
	[tilespmem:$0x19000] =	vst v63  }
0x1cb: {  	s29 =	simm.s32 $0xA800  }
0x1cc: {  	[tilespmem:s29], [sflag:$0x2] =	stream.indirect_vreg.gather [hbm4b:s5+s2], $0x80, v3, vm0, $0xb8;
	[tilespmem:$0x19000] =	vst v63  }
0x1cd: {  	v3 =	vld [tilespmem:$0xA10];
	_ =	sdelay $0x4  }
0x1ce: {  	v29 =	vshll.u32 v3, $0x1  }
0x1cf: {  	v3 =	vand.u32 $0x7, v3;
	v4 =	vand.u32 $0xFFFFFFF0, v29  }
0x1d0: {  	v3 =	vor.u32 v3, v4  }
0x1d1: {  	v4 =	vperm.xlane v3, v0;
	_ =	sdelay $0x1  }
0x1d2: {  	v3 =	vperm.xlane v3, v2;
	v4 =	vadd.s32 v1, v4;
	_ =	sdelay $0x1  }
0x1d3: {  	v3 =	vadd.s32 v1, v3;
	_ =	sdelay $0x1  }
0x1d4: {  	s30 =	simm.s32 $0xB800  }
0x1d5: {  	[tilespmem:s30], [sflag:$0x2] =	stream.indirect_vreg.gather [hbm4b:s5+s2], $0x80, v4, vm0, $0xb8;
	[tilespmem:$0x19000] =	vst v63  }
0x1d6: {  	s30 =	simm.s32 $0xC800  }
0x1d7: {  	[tilespmem:s30], [sflag:$0x2] =	stream.indirect_vreg.gather [hbm4b:s5+s2], $0x80, v3, vm0, $0xb8;
	[tilespmem:$0x19000] =	vst v63  }
0x1d8: {  	v3 =	vld [tilespmem:$0xA20];
	_ =	sdelay $0x4  }
0x1d9: {  	v30 =	vshll.u32 v3, $0x1  }
0x1da: {  	v3 =	vand.u32 $0x7, v3;
	v4 =	vand.u32 $0xFFFFFFF0, v30  }
0x1db: {  	v3 =	vor.u32 v3, v4  }
0x1dc: {  	v4 =	vperm.xlane v3, v0;
	_ =	sdelay $0x1  }
0x1dd: {  	v3 =	vperm.xlane v3, v2;
	v4 =	vadd.s32 v1, v4;
	_ =	sdelay $0x1  }
0x1de: {  	v3 =	vadd.s32 v1, v3;
	_ =	sdelay $0x1  }
0x1df: {  	s16 =	simm.s32 $0xD800  }
0x1e0: {  	[tilespmem:s16], [sflag:$0x2] =	stream.indirect_vreg.gather [hbm4b:s5+s2], $0x80, v4, vm0, $0xb8;
	[tilespmem:$0x19000] =	vst v63  }
0x1e1: {  	s6 =	simm.s32 $0xE800  }
0x1e2: {  	[tilespmem:s6], [sflag:$0x2] =	stream.indirect_vreg.gather [hbm4b:s5+s2], $0x80, v3, vm0, $0xb8;
	[tilespmem:$0x19000] =	vst v63  }
0x1e3: {  	v3 =	vld [tilespmem:$0xA30];
	_ =	sdelay $0x4  }
0x1e4: {  	v31 =	vshll.u32 v3, $0x1  }
0x1e5: {  	v3 =	vand.u32 $0x7, v3;
	v4 =	vand.u32 $0xFFFFFFF0, v31  }
0x1e6: {  	v3 =	vor.u32 v3, v4  }
0x1e7: {  	v4 =	vperm.xlane v3, v0;
	_ =	sdelay $0x1  }
0x1e8: {  	v3 =	vperm.xlane v3, v2;
	v4 =	vadd.s32 v1, v4;
	_ =	sdelay $0x1  }
0x1e9: {  	v3 =	vadd.s32 v1, v3;
	_ =	sdelay $0x1  }
0x1ea: {  	s8 =	simm.s32 $0xF800  }
0x1eb: {  	[tilespmem:s8], [sflag:$0x2] =	stream.indirect_vreg.gather [hbm4b:s5+s2], $0x80, v4, vm0, $0xb8;
	[tilespmem:$0x19000] =	vst v63  }
0x1ec: {  	s16 =	simm.s32 $0x10800  }
0x1ed: {  	[tilespmem:s16], [sflag:$0x2] =	stream.indirect_vreg.gather [hbm4b:s5+s2], $0x80, v3, vm0, $0xb8;
	[tilespmem:$0x19000] =	vst v63  }
0x1ee: {  	_ =	swait.ge [sflag:s26], $0x4000  }
0x1ef: {  	[sflag:s26] =	ssyncset.done $0x0  }
0x1f0: {  	[sflag:s26] =	ssyncadd.s32 $0xFFFFC000  }
0x1f1: {  	_ =	swait.ge [sflag:s26], $0x4000  }
0x1f2: {  	s0 =	simm.s32 $0x6;
	[sflag:s26] =	ssyncset.done $0x0  }
0x1f3: {  	s18 =	simm.s32 $0x11000;
	s17 =	rddreg [dreg:$0x6];
	[sflag:s26] =	ssyncadd.s32 $0xFFFFC000  }
0x1f4: {  	[hbm4b:s17+s2] =	stream.linear.scatter [tilespmem:s18], [sflag:$0x6], $0x8000, $0x38;
	[tilespmem:$0x19000] =	vst v63  }
0x1f5: {  	_ =	swait.ge [sflag:s0], $0x8000  }
0x1f6: {  	[sflag:s0] =	ssyncset.done $0x0  }
0x1f7: {  	[sflag:s0] =	ssyncadd.s32 $0xFFFF8000  }
0x1f8: {  	v3 =	vld [tilespmem:$0x280];
	_ =	sdelay $0x4  }
0x1f9: {  	v32 =	vshll.u32 v3, $0x1  }
0x1fa: {  	v3 =	vand.u32 $0x7, v3;
	v4 =	vand.u32 $0xFFFFFFF0, v32  }
0x1fb: {  	v3 =	vor.u32 v3, v4  }
0x1fc: {  	v4 =	vperm.xlane v3, v0;
	_ =	sdelay $0x1  }
0x1fd: {  	v3 =	vperm.xlane v3, v2;
	v4 =	vadd.s32 v1, v4;
	_ =	sdelay $0x1  }
0x1fe: {  	v3 =	vadd.s32 v1, v3;
	_ =	sdelay $0x2  }
0x1ff: {  	[tilespmem:s18], [sflag:$0x3] =	stream.indirect_vreg.gather [hbm4b:s4+s2], $0x80, v4, vm0, $0xb8;
	[tilespmem:$0x19000] =	vst v63  }
0x200: {  	s30 =	simm.s32 $0x12000  }
0x201: {  	[tilespmem:s30], [sflag:$0x3] =	stream.indirect_vreg.gather [hbm4b:s4+s2], $0x80, v3, vm0, $0xb8;
	[tilespmem:$0x19000] =	vst v63  }
0x202: {  	v3 =	vld [tilespmem:$0x290];
	_ =	sdelay $0x4  }
0x203: {  	v33 =	vshll.u32 v3, $0x1  }
0x204: {  	v3 =	vand.u32 $0x7, v3;
	v4 =	vand.u32 $0xFFFFFFF0, v33  }
0x205: {  	v3 =	vor.u32 v3, v4  }
0x206: {  	v4 =	vperm.xlane v3, v0;
	_ =	sdelay $0x1  }
0x207: {  	v3 =	vperm.xlane v3, v2;
	v4 =	vadd.s32 v1, v4;
	_ =	sdelay $0x1  }
0x208: {  	v3 =	vadd.s32 v1, v3;
	_ =	sdelay $0x1  }
0x209: {  	s17 =	simm.s32 $0x13000  }
0x20a: {  	[tilespmem:s17], [sflag:$0x3] =	stream.indirect_vreg.gather [hbm4b:s4+s2], $0x80, v4, vm0, $0xb8;
	[tilespmem:$0x19000] =	vst v63  }
0x20b: {  	s8 =	simm.s32 $0x14000  }
0x20c: {  	[tilespmem:s8], [sflag:$0x3] =	stream.indirect_vreg.gather [hbm4b:s4+s2], $0x80, v3, vm0, $0xb8;
	[tilespmem:$0x19000] =	vst v63  }
0x20d: {  	v3 =	vld [tilespmem:$0x2A0];
	_ =	sdelay $0x4  }
0x20e: {  	v34 =	vshll.u32 v3, $0x1  }
0x20f: {  	v3 =	vand.u32 $0x7, v3;
	v4 =	vand.u32 $0xFFFFFFF0, v34  }
0x210: {  	v3 =	vor.u32 v3, v4  }
0x211: {  	v4 =	vperm.xlane v3, v0;
	_ =	sdelay $0x1  }
0x212: {  	v3 =	vperm.xlane v3, v2;
	v4 =	vadd.s32 v1, v4;
	_ =	sdelay $0x1  }
0x213: {  	v3 =	vadd.s32 v1, v3;
	_ =	sdelay $0x1  }
0x214: {  	s18 =	simm.s32 $0x15000  }
0x215: {  	[tilespmem:s18], [sflag:$0x3] =	stream.indirect_vreg.gather [hbm4b:s4+s2], $0x80, v4, vm0, $0xb8;
	[tilespmem:$0x19000] =	vst v63  }
0x216: {  	s19 =	simm.s32 $0x16000  }
0x217: {  	[tilespmem:s19], [sflag:$0x3] =	stream.indirect_vreg.gather [hbm4b:s4+s2], $0x80, v3, vm0, $0xb8;
	[tilespmem:$0x19000] =	vst v63  }
0x218: {  	v3 =	vld [tilespmem:$0x2B0];
	_ =	sdelay $0x4  }
0x219: {  	v35 =	vshll.u32 v3, $0x1  }
0x21a: {  	v3 =	vand.u32 $0x7, v3;
	v4 =	vand.u32 $0xFFFFFFF0, v35  }
0x21b: {  	v3 =	vor.u32 v3, v4  }
0x21c: {  	v4 =	vperm.xlane v3, v0;
	_ =	sdelay $0x1  }
0x21d: {  	v3 =	vperm.xlane v3, v2;
	v4 =	vadd.s32 v1, v4;
	_ =	sdelay $0x1  }
0x21e: {  	v3 =	vadd.s32 v1, v3;
	_ =	sdelay $0x1  }
0x21f: {  	s19 =	simm.s32 $0x17000  }
0x220: {  	[tilespmem:s19], [sflag:$0x3] =	stream.indirect_vreg.gather [hbm4b:s4+s2], $0x80, v4, vm0, $0xb8;
	[tilespmem:$0x19000] =	vst v63  }
0x221: {  	s20 =	simm.s32 $0x18000  }
0x222: {  	[tilespmem:s20], [sflag:$0x3] =	stream.indirect_vreg.gather [hbm4b:s4+s2], $0x80, v3, vm0, $0xb8;
	[tilespmem:$0x19000] =	vst v63  }
0x223: {  	v3 =	vld [tilespmem:$0xA80];
	_ =	sdelay $0x4  }
0x224: {  	v36 =	vshll.u32 v3, $0x1  }
0x225: {  	v3 =	vand.u32 $0x7, v3;
	v4 =	vand.u32 $0xFFFFFFF0, v36  }
0x226: {  	v3 =	vor.u32 v3, v4  }
0x227: {  	v4 =	vperm.xlane v3, v0;
	_ =	sdelay $0x1  }
0x228: {  	v3 =	vperm.xlane v3, v2;
	v4 =	vadd.s32 v1, v4;
	_ =	sdelay $0x1  }
0x229: {  	v3 =	vadd.s32 v1, v3;
	_ =	sdelay $0x1  }
0x22a: {  	s20 =	simm.s32 $0x11800  }
0x22b: {  	[tilespmem:s20], [sflag:$0x3] =	stream.indirect_vreg.gather [hbm4b:s5+s2], $0x80, v4, vm0, $0xb8;
	[tilespmem:$0x19000] =	vst v63  }
0x22c: {  	s21 =	simm.s32 $0x12800  }
0x22d: {  	[tilespmem:s21], [sflag:$0x3] =	stream.indirect_vreg.gather [hbm4b:s5+s2], $0x80, v3, vm0, $0xb8;
	[tilespmem:$0x19000] =	vst v63  }
0x22e: {  	v3 =	vld [tilespmem:$0xA90];
	_ =	sdelay $0x4  }
0x22f: {  	v37 =	vshll.u32 v3, $0x1  }
0x230: {  	v3 =	vand.u32 $0x7, v3;
	v4 =	vand.u32 $0xFFFFFFF0, v37  }
0x231: {  	v3 =	vor.u32 v3, v4  }
0x232: {  	v4 =	vperm.xlane v3, v0;
	_ =	sdelay $0x1  }
0x233: {  	v3 =	vperm.xlane v3, v2;
	v4 =	vadd.s32 v1, v4;
	_ =	sdelay $0x1  }
0x234: {  	v3 =	vadd.s32 v1, v3;
	_ =	sdelay $0x1  }
0x235: {  	s21 =	simm.s32 $0x13800  }
0x236: {  	[tilespmem:s21], [sflag:$0x3] =	stream.indirect_vreg.gather [hbm4b:s5+s2], $0x80, v4, vm0, $0xb8;
	[tilespmem:$0x19000] =	vst v63  }
0x237: {  	s16 =	simm.s32 $0x14800  }
0x238: {  	[tilespmem:s16], [sflag:$0x3] =	stream.indirect_vreg.gather [hbm4b:s5+s2], $0x80, v3, vm0, $0xb8;
	[tilespmem:$0x19000] =	vst v63  }
0x239: {  	v3 =	vld [tilespmem:$0xAA0];
	_ =	sdelay $0x4  }
0x23a: {  	v38 =	vshll.u32 v3, $0x1  }
0x23b: {  	v3 =	vand.u32 $0x7, v3;
	v4 =	vand.u32 $0xFFFFFFF0, v38  }
0x23c: {  	v3 =	vor.u32 v3, v4  }
0x23d: {  	v4 =	vperm.xlane v3, v0;
	_ =	sdelay $0x1  }
0x23e: {  	v3 =	vperm.xlane v3, v2;
	v4 =	vadd.s32 v1, v4;
	_ =	sdelay $0x1  }
0x23f: {  	v3 =	vadd.s32 v1, v3;
	_ =	sdelay $0x1  }
0x240: {  	s16 =	simm.s32 $0x15800  }
0x241: {  	[tilespmem:s16], [sflag:$0x3] =	stream.indirect_vreg.gather [hbm4b:s5+s2], $0x80, v4, vm0, $0xb8;
	[tilespmem:$0x19000] =	vst v63  }
0x242: {  	s29 =	simm.s32 $0x16800  }
0x243: {  	[tilespmem:s29], [sflag:$0x3] =	stream.indirect_vreg.gather [hbm4b:s5+s2], $0x80, v3, vm0, $0xb8;
	[tilespmem:$0x19000] =	vst v63  }
0x244: {  	v3 =	vld [tilespmem:$0xAB0];
	_ =	sdelay $0x4  }
0x245: {  	v39 =	vshll.u32 v3, $0x1  }
0x246: {  	v3 =	vand.u32 $0x7, v3;
	v4 =	vand.u32 $0xFFFFFFF0, v39  }
0x247: {  	v3 =	vor.u32 v3, v4  }
0x248: {  	v4 =	vperm.xlane v3, v0;
	_ =	sdelay $0x1  }
0x249: {  	v3 =	vperm.xlane v3, v2;
	v4 =	vadd.s32 v1, v4;
	_ =	sdelay $0x1  }
0x24a: {  	v3 =	vadd.s32 v1, v3;
	_ =	sdelay $0x1  }
0x24b: {  	s30 =	simm.s32 $0x17800  }
0x24c: {  	[tilespmem:s30], [sflag:$0x3] =	stream.indirect_vreg.gather [hbm4b:s5+s2], $0x80, v4, vm0, $0xb8;
	[tilespmem:$0x19000] =	vst v63  }
0x24d: {  	s30 =	simm.s32 $0x18800  }
0x24e: {  	[tilespmem:s30], [sflag:$0x3] =	stream.indirect_vreg.gather [hbm4b:s5+s2], $0x80, v3, vm0, $0xb8;
	[tilespmem:$0x19000] =	vst v63  }
0x24f: {  	_ =	swait.ge [sflag:s31], $0x4000  }
0x250: {  	[sflag:s31] =	ssyncset.done $0x0  }
0x251: {  	[sflag:s31] =	ssyncadd.s32 $0xFFFFC000  }
0x252: {  	_ =	swait.ge [sflag:s31], $0x4000  }
0x253: {  	[sflag:s31] =	ssyncset.done $0x0  }
0x254: {  	s6 =	simm.s32 $0x1000;
	s8 =	rddreg [dreg:$0x7];
	[sflag:s31] =	ssyncadd.s32 $0xFFFFC000  }
0x255: {  	[hbm4b:s8+s2] =	stream.linear.scatter [tilespmem:s6], [sflag:$0x4], $0x8000, $0x38;
	[tilespmem:$0x19000] =	vst v63  }
0x256: {  	_ =	swait.ge [sflag:s14], $0x8000  }
0x257: {  	[sflag:s14] =	ssyncset.done $0x0  }
0x258: {  	[sflag:s14] =	ssyncadd.s32 $0xFFFF8000  }
0x259: {  	v3 =	vld [tilespmem:$0x300];
	_ =	sdelay $0x4  }
0x25a: {  	v40 =	vshll.u32 v3, $0x1  }
0x25b: {  	v3 =	vand.u32 $0x7, v3;
	v4 =	vand.u32 $0xFFFFFFF0, v40  }
0x25c: {  	v3 =	vor.u32 v3, v4  }
0x25d: {  	v4 =	vperm.xlane v3, v0;
	_ =	sdelay $0x1  }
0x25e: {  	v3 =	vperm.xlane v3, v2;
	v4 =	vadd.s32 v1, v4;
	_ =	sdelay $0x1  }
0x25f: {  	v3 =	vadd.s32 v1, v3;
	_ =	sdelay $0x2  }
0x260: {  	[tilespmem:s6], [sflag:$0x1] =	stream.indirect_vreg.gather [hbm4b:s4+s2], $0x80, v4, vm0, $0xb8;
	[tilespmem:$0x19000] =	vst v63  }
0x261: {  	s29 =	simm.s32 $0x2000  }
0x262: {  	[tilespmem:s29], [sflag:$0x1] =	stream.indirect_vreg.gather [hbm4b:s4+s2], $0x80, v3, vm0, $0xb8;
	[tilespmem:$0x19000] =	vst v63  }
0x263: {  	v3 =	vld [tilespmem:$0x310];
	_ =	sdelay $0x4  }
0x264: {  	v41 =	vshll.u32 v3, $0x1  }
0x265: {  	v3 =	vand.u32 $0x7, v3;
	v4 =	vand.u32 $0xFFFFFFF0, v41  }
0x266: {  	v3 =	vor.u32 v3, v4  }
0x267: {  	v4 =	vperm.xlane v3, v0;
	_ =	sdelay $0x1  }
0x268: {  	v3 =	vperm.xlane v3, v2;
	v4 =	vadd.s32 v1, v4;
	_ =	sdelay $0x1  }
0x269: {  	v3 =	vadd.s32 v1, v3;
	_ =	sdelay $0x2  }
0x26a: {  	[tilespmem:s24], [sflag:$0x1] =	stream.indirect_vreg.gather [hbm4b:s4+s2], $0x80, v4, vm0, $0xb8;
	[tilespmem:$0x19000] =	vst v63  }
0x26b: {  	s8 =	simm.s32 $0x4000  }
0x26c: {  	[tilespmem:s8], [sflag:$0x1] =	stream.indirect_vreg.gather [hbm4b:s4+s2], $0x80, v3, vm0, $0xb8;
	[tilespmem:$0x19000] =	vst v63  }
0x26d: {  	v3 =	vld [tilespmem:$0x320];
	_ =	sdelay $0x4  }
0x26e: {  	v42 =	vshll.u32 v3, $0x1  }
0x26f: {  	v3 =	vand.u32 $0x7, v3;
	v4 =	vand.u32 $0xFFFFFFF0, v42  }
0x270: {  	v3 =	vor.u32 v3, v4  }
0x271: {  	v4 =	vperm.xlane v3, v0;
	_ =	sdelay $0x1  }
0x272: {  	v3 =	vperm.xlane v3, v2;
	v4 =	vadd.s32 v1, v4;
	_ =	sdelay $0x1  }
0x273: {  	v3 =	vadd.s32 v1, v3;
	_ =	sdelay $0x2  }
0x274: {  	[tilespmem:s22], [sflag:$0x1] =	stream.indirect_vreg.gather [hbm4b:s4+s2], $0x80, v4, vm0, $0xb8;
	[tilespmem:$0x19000] =	vst v63  }
0x275: {  	s22 =	simm.s32 $0x6000  }
0x276: {  	[tilespmem:s22], [sflag:$0x1] =	stream.indirect_vreg.gather [hbm4b:s4+s2], $0x80, v3, vm0, $0xb8;
	[tilespmem:$0x19000] =	vst v63  }
0x277: {  	v3 =	vld [tilespmem:$0x330];
	_ =	sdelay $0x4  }
0x278: {  	v43 =	vshll.u32 v3, $0x1  }
0x279: {  	v3 =	vand.u32 $0x7, v3;
	v4 =	vand.u32 $0xFFFFFFF0, v43  }
0x27a: {  	v3 =	vor.u32 v3, v4  }
0x27b: {  	v4 =	vperm.xlane v3, v0;
	_ =	sdelay $0x1  }
0x27c: {  	v3 =	vperm.xlane v3, v2;
	v4 =	vadd.s32 v1, v4;
	_ =	sdelay $0x1  }
0x27d: {  	v3 =	vadd.s32 v1, v3;
	_ =	sdelay $0x2  }
0x27e: {  	[tilespmem:s23], [sflag:$0x1] =	stream.indirect_vreg.gather [hbm4b:s4+s2], $0x80, v4, vm0, $0xb8;
	[tilespmem:$0x19000] =	vst v63  }
0x27f: {  	s24 =	simm.s32 $0x8000  }
0x280: {  	[tilespmem:s24], [sflag:$0x1] =	stream.indirect_vreg.gather [hbm4b:s4+s2], $0x80, v3, vm0, $0xb8;
	[tilespmem:$0x19000] =	vst v63  }
0x281: {  	v3 =	vld [tilespmem:$0xB00];
	_ =	sdelay $0x4  }
0x282: {  	v44 =	vshll.u32 v3, $0x1  }
0x283: {  	v3 =	vand.u32 $0x7, v3;
	v4 =	vand.u32 $0xFFFFFFF0, v44  }
0x284: {  	v3 =	vor.u32 v3, v4  }
0x285: {  	v4 =	vperm.xlane v3, v0;
	_ =	sdelay $0x1  }
0x286: {  	v3 =	vperm.xlane v3, v2;
	v4 =	vadd.s32 v1, v4;
	_ =	sdelay $0x1  }
0x287: {  	v3 =	vadd.s32 v1, v3;
	_ =	sdelay $0x1  }
0x288: {  	s29 =	simm.s32 $0x1800  }
0x289: {  	[tilespmem:s29], [sflag:$0x1] =	stream.indirect_vreg.gather [hbm4b:s5+s2], $0x80, v4, vm0, $0xb8;
	[tilespmem:$0x19000] =	vst v63  }
0x28a: {  	_ = 	snop  }
0x28b: {  	[tilespmem:s13], [sflag:$0x1] =	stream.indirect_vreg.gather [hbm4b:s5+s2], $0x80, v3, vm0, $0xb8;
	[tilespmem:$0x19000] =	vst v63  }
0x28c: {  	v3 =	vld [tilespmem:$0xB10];
	_ =	sdelay $0x4  }
0x28d: {  	v45 =	vshll.u32 v3, $0x1  }
0x28e: {  	v3 =	vand.u32 $0x7, v3;
	v4 =	vand.u32 $0xFFFFFFF0, v45  }
0x28f: {  	v3 =	vor.u32 v3, v4  }
0x290: {  	v4 =	vperm.xlane v3, v0;
	_ =	sdelay $0x1  }
0x291: {  	v3 =	vperm.xlane v3, v2;
	v4 =	vadd.s32 v1, v4;
	_ =	sdelay $0x1  }
0x292: {  	v3 =	vadd.s32 v1, v3;
	_ =	sdelay $0x1  }
0x293: {  	s8 =	simm.s32 $0x3800  }
0x294: {  	[tilespmem:s8], [sflag:$0x1] =	stream.indirect_vreg.gather [hbm4b:s5+s2], $0x80, v4, vm0, $0xb8;
	[tilespmem:$0x19000] =	vst v63  }
0x295: {  	_ = 	snop  }
0x296: {  	[tilespmem:s9], [sflag:$0x1] =	stream.indirect_vreg.gather [hbm4b:s5+s2], $0x80, v3, vm0, $0xb8;
	[tilespmem:$0x19000] =	vst v63  }
0x297: {  	v3 =	vld [tilespmem:$0xB20];
	_ =	sdelay $0x4  }
0x298: {  	v46 =	vshll.u32 v3, $0x1  }
0x299: {  	v3 =	vand.u32 $0x7, v3;
	v4 =	vand.u32 $0xFFFFFFF0, v46  }
0x29a: {  	v3 =	vor.u32 v3, v4  }
0x29b: {  	v4 =	vperm.xlane v3, v0;
	_ =	sdelay $0x1  }
0x29c: {  	v3 =	vperm.xlane v3, v2;
	v4 =	vadd.s32 v1, v4;
	_ =	sdelay $0x1  }
0x29d: {  	v3 =	vadd.s32 v1, v3;
	_ =	sdelay $0x2  }
0x29e: {  	[tilespmem:s11], [sflag:$0x1] =	stream.indirect_vreg.gather [hbm4b:s5+s2], $0x80, v4, vm0, $0xb8;
	[tilespmem:$0x19000] =	vst v63  }
0x29f: {  	_ = 	snop  }
0x2a0: {  	[tilespmem:s15], [sflag:$0x1] =	stream.indirect_vreg.gather [hbm4b:s5+s2], $0x80, v3, vm0, $0xb8;
	[tilespmem:$0x19000] =	vst v63  }
0x2a1: {  	v3 =	vld [tilespmem:$0xB30];
	_ =	sdelay $0x4  }
0x2a2: {  	v47 =	vshll.u32 v3, $0x1  }
0x2a3: {  	v3 =	vand.u32 $0x7, v3;
	v4 =	vand.u32 $0xFFFFFFF0, v47  }
0x2a4: {  	v3 =	vor.u32 v3, v4  }
0x2a5: {  	v4 =	vperm.xlane v3, v0;
	_ =	sdelay $0x1  }
0x2a6: {  	v3 =	vperm.xlane v3, v2;
	v4 =	vadd.s32 v1, v4;
	_ =	sdelay $0x1  }
0x2a7: {  	v3 =	vadd.s32 v1, v3;
	_ =	sdelay $0x2  }
0x2a8: {  	[tilespmem:s12], [sflag:$0x1] =	stream.indirect_vreg.gather [hbm4b:s5+s2], $0x80, v4, vm0, $0xb8;
	[tilespmem:$0x19000] =	vst v63  }
0x2a9: {  	s11 =	simm.s32 $0x8800  }
0x2aa: {  	[tilespmem:s11], [sflag:$0x1] =	stream.indirect_vreg.gather [hbm4b:s5+s2], $0x80, v3, vm0, $0xb8;
	[tilespmem:$0x19000] =	vst v63  }
0x2ab: {  	_ =	swait.ge [sflag:s3], $0x4000  }
0x2ac: {  	[sflag:s3] =	ssyncset.done $0x0  }
0x2ad: {  	[sflag:s3] =	ssyncadd.s32 $0xFFFFC000  }
0x2ae: {  	_ =	swait.ge [sflag:s3], $0x4000  }
0x2af: {  	[sflag:s3] =	ssyncset.done $0x0  }
0x2b0: {  	s15 =	simm.s32 $0x9000;
	s12 =	rddreg [dreg:$0x8];
	[sflag:s3] =	ssyncadd.s32 $0xFFFFC000  }
0x2b1: {  	[hbm4b:s12+s2] =	stream.linear.scatter [tilespmem:s15], [sflag:$0x5], $0x8000, $0x38;
	[tilespmem:$0x19000] =	vst v63  }
0x2b2: {  	_ =	swait.ge [sflag:s28], $0x8000  }
0x2b3: {  	[sflag:s28] =	ssyncset.done $0x0  }
0x2b4: {  	[sflag:s28] =	ssyncadd.s32 $0xFFFF8000  }
0x2b5: {  	v3 =	vld [tilespmem:$0x380];
	_ =	sdelay $0x4  }
0x2b6: {  	v48 =	vshll.u32 v3, $0x1  }
0x2b7: {  	v3 =	vand.u32 $0x7, v3;
	v4 =	vand.u32 $0xFFFFFFF0, v48  }
0x2b8: {  	v3 =	vor.u32 v3, v4  }
0x2b9: {  	v4 =	vperm.xlane v3, v0;
	_ =	sdelay $0x1  }
0x2ba: {  	v3 =	vperm.xlane v3, v2;
	v4 =	vadd.s32 v1, v4;
	_ =	sdelay $0x1  }
0x2bb: {  	v3 =	vadd.s32 v1, v3;
	_ =	sdelay $0x2  }
0x2bc: {  	[tilespmem:s15], [sflag:$0x2] =	stream.indirect_vreg.gather [hbm4b:s4+s2], $0x80, v4, vm0, $0xb8;
	[tilespmem:$0x19000] =	vst v63  }
0x2bd: {  	s11 =	simm.s32 $0xA000  }
0x2be: {  	[tilespmem:s11], [sflag:$0x2] =	stream.indirect_vreg.gather [hbm4b:s4+s2], $0x80, v3, vm0, $0xb8;
	[tilespmem:$0x19000] =	vst v63  }
0x2bf: {  	v3 =	vld [tilespmem:$0x390];
	_ =	sdelay $0x4  }
0x2c0: {  	v49 =	vshll.u32 v3, $0x1  }
0x2c1: {  	v3 =	vand.u32 $0x7, v3;
	v4 =	vand.u32 $0xFFFFFFF0, v49  }
0x2c2: {  	v3 =	vor.u32 v3, v4  }
0x2c3: {  	v4 =	vperm.xlane v3, v0;
	_ =	sdelay $0x1  }
0x2c4: {  	v3 =	vperm.xlane v3, v2;
	v4 =	vadd.s32 v1, v4;
	_ =	sdelay $0x1  }
0x2c5: {  	v3 =	vadd.s32 v1, v3;
	_ =	sdelay $0x1  }
0x2c6: {  	s22 =	simm.s32 $0xB000  }
0x2c7: {  	[tilespmem:s22], [sflag:$0x2] =	stream.indirect_vreg.gather [hbm4b:s4+s2], $0x80, v4, vm0, $0xb8;
	[tilespmem:$0x19000] =	vst v63  }
0x2c8: {  	_ = 	snop  }
0x2c9: {  	[tilespmem:s1], [sflag:$0x2] =	stream.indirect_vreg.gather [hbm4b:s4+s2], $0x80, v3, vm0, $0xb8;
	[tilespmem:$0x19000] =	vst v63  }
0x2ca: {  	v3 =	vld [tilespmem:$0x3A0];
	_ =	sdelay $0x4  }
0x2cb: {  	v50 =	vshll.u32 v3, $0x1  }
0x2cc: {  	v3 =	vand.u32 $0x7, v3;
	v4 =	vand.u32 $0xFFFFFFF0, v50  }
0x2cd: {  	v3 =	vor.u32 v3, v4  }
0x2ce: {  	v4 =	vperm.xlane v3, v0;
	_ =	sdelay $0x1  }
0x2cf: {  	v3 =	vperm.xlane v3, v2;
	v4 =	vadd.s32 v1, v4;
	_ =	sdelay $0x1  }
0x2d0: {  	v3 =	vadd.s32 v1, v3;
	_ =	sdelay $0x1  }
0x2d1: {  	s23 =	simm.s32 $0xD000  }
0x2d2: {  	[tilespmem:s23], [sflag:$0x2] =	stream.indirect_vreg.gather [hbm4b:s4+s2], $0x80, v4, vm0, $0xb8;
	[tilespmem:$0x19000] =	vst v63  }
0x2d3: {  	_ = 	snop  }
0x2d4: {  	[tilespmem:s7], [sflag:$0x2] =	stream.indirect_vreg.gather [hbm4b:s4+s2], $0x80, v3, vm0, $0xb8;
	[tilespmem:$0x19000] =	vst v63  }
0x2d5: {  	v3 =	vld [tilespmem:$0x3B0];
	_ =	sdelay $0x4  }
0x2d6: {  	v51 =	vshll.u32 v3, $0x1  }
0x2d7: {  	v3 =	vand.u32 $0x7, v3;
	v4 =	vand.u32 $0xFFFFFFF0, v51  }
0x2d8: {  	v3 =	vor.u32 v3, v4  }
0x2d9: {  	v4 =	vperm.xlane v3, v0;
	_ =	sdelay $0x1  }
0x2da: {  	v3 =	vperm.xlane v3, v2;
	v4 =	vadd.s32 v1, v4;
	_ =	sdelay $0x1  }
0x2db: {  	v3 =	vadd.s32 v1, v3;
	_ =	sdelay $0x1  }
0x2dc: {  	s24 =	simm.s32 $0xF000  }
0x2dd: {  	[tilespmem:s24], [sflag:$0x2] =	stream.indirect_vreg.gather [hbm4b:s4+s2], $0x80, v4, vm0, $0xb8;
	[tilespmem:$0x19000] =	vst v63  }
0x2de: {  	_ = 	snop  }
0x2df: {  	[tilespmem:s10], [sflag:$0x2] =	stream.indirect_vreg.gather [hbm4b:s4+s2], $0x80, v3, vm0, $0xb8;
	[tilespmem:$0x19000] =	vst v63  }
0x2e0: {  	v3 =	vld [tilespmem:$0xB80];
	_ =	sdelay $0x4  }
0x2e1: {  	v52 =	vshll.u32 v3, $0x1  }
0x2e2: {  	v3 =	vand.u32 $0x7, v3;
	v4 =	vand.u32 $0xFFFFFFF0, v52  }
0x2e3: {  	v3 =	vor.u32 v3, v4  }
0x2e4: {  	v4 =	vperm.xlane v3, v0;
	_ =	sdelay $0x1  }
0x2e5: {  	v3 =	vperm.xlane v3, v2;
	v4 =	vadd.s32 v1, v4;
	_ =	sdelay $0x1  }
0x2e6: {  	v3 =	vadd.s32 v1, v3;
	_ =	sdelay $0x2  }
0x2e7: {  	[tilespmem:s25], [sflag:$0x2] =	stream.indirect_vreg.gather [hbm4b:s5+s2], $0x80, v4, vm0, $0xb8;
	[tilespmem:$0x19000] =	vst v63  }
0x2e8: {  	s29 =	simm.s32 $0xA800  }
0x2e9: {  	[tilespmem:s29], [sflag:$0x2] =	stream.indirect_vreg.gather [hbm4b:s5+s2], $0x80, v3, vm0, $0xb8;
	[tilespmem:$0x19000] =	vst v63  }
0x2ea: {  	v3 =	vld [tilespmem:$0xB90];
	_ =	sdelay $0x4  }
0x2eb: {  	v53 =	vshll.u32 v3, $0x1  }
0x2ec: {  	v3 =	vand.u32 $0x7, v3;
	v4 =	vand.u32 $0xFFFFFFF0, v53  }
0x2ed: {  	v3 =	vor.u32 v3, v4  }
0x2ee: {  	v4 =	vperm.xlane v3, v0;
	_ =	sdelay $0x1  }
0x2ef: {  	v3 =	vperm.xlane v3, v2;
	v4 =	vadd.s32 v1, v4;
	_ =	sdelay $0x1  }
0x2f0: {  	v3 =	vadd.s32 v1, v3;
	_ =	sdelay $0x1  }
0x2f1: {  	s25 =	simm.s32 $0xB800  }
0x2f2: {  	[tilespmem:s25], [sflag:$0x2] =	stream.indirect_vreg.gather [hbm4b:s5+s2], $0x80, v4, vm0, $0xb8;
	[tilespmem:$0x19000] =	vst v63  }
0x2f3: {  	s6 =	simm.s32 $0xC800  }
0x2f4: {  	[tilespmem:s6], [sflag:$0x2] =	stream.indirect_vreg.gather [hbm4b:s5+s2], $0x80, v3, vm0, $0xb8;
	[tilespmem:$0x19000] =	vst v63  }
0x2f5: {  	v3 =	vld [tilespmem:$0xBA0];
	_ =	sdelay $0x4  }
0x2f6: {  	v54 =	vshll.u32 v3, $0x1  }
0x2f7: {  	v3 =	vand.u32 $0x7, v3;
	v4 =	vand.u32 $0xFFFFFFF0, v54  }
0x2f8: {  	v3 =	vor.u32 v3, v4  }
0x2f9: {  	v4 =	vperm.xlane v3, v0;
	_ =	sdelay $0x1  }
0x2fa: {  	v3 =	vperm.xlane v3, v2;
	v4 =	vadd.s32 v1, v4;
	_ =	sdelay $0x1  }
0x2fb: {  	v3 =	vadd.s32 v1, v3;
	_ =	sdelay $0x1  }
0x2fc: {  	s23 =	simm.s32 $0xD800  }
0x2fd: {  	[tilespmem:s23], [sflag:$0x2] =	stream.indirect_vreg.gather [hbm4b:s5+s2], $0x80, v4, vm0, $0xb8;
	[tilespmem:$0x19000] =	vst v63  }
0x2fe: {  	s7 =	simm.s32 $0xE800  }
0x2ff: {  	[tilespmem:s7], [sflag:$0x2] =	stream.indirect_vreg.gather [hbm4b:s5+s2], $0x80, v3, vm0, $0xb8;
	[tilespmem:$0x19000] =	vst v63  }
0x300: {  	v3 =	vld [tilespmem:$0xBB0];
	_ =	sdelay $0x4  }
0x301: {  	v55 =	vshll.u32 v3, $0x1  }
0x302: {  	v3 =	vand.u32 $0x7, v3;
	v4 =	vand.u32 $0xFFFFFFF0, v55  }
0x303: {  	v3 =	vor.u32 v3, v4  }
0x304: {  	v4 =	vperm.xlane v3, v0;
	_ =	sdelay $0x1  }
0x305: {  	v3 =	vperm.xlane v3, v2;
	v4 =	vadd.s32 v1, v4;
	_ =	sdelay $0x1  }
0x306: {  	v3 =	vadd.s32 v1, v3;
	_ =	sdelay $0x1  }
0x307: {  	s8 =	simm.s32 $0xF800  }
0x308: {  	[tilespmem:s8], [sflag:$0x2] =	stream.indirect_vreg.gather [hbm4b:s5+s2], $0x80, v4, vm0, $0xb8;
	[tilespmem:$0x19000] =	vst v63  }
0x309: {  	s9 =	simm.s32 $0x10800  }
0x30a: {  	[tilespmem:s9], [sflag:$0x2] =	stream.indirect_vreg.gather [hbm4b:s5+s2], $0x80, v3, vm0, $0xb8;
	[tilespmem:$0x19000] =	vst v63  }
0x30b: {  	_ =	swait.ge [sflag:s26], $0x4000  }
0x30c: {  	[sflag:s26] =	ssyncset.done $0x0  }
0x30d: {  	[sflag:s26] =	ssyncadd.s32 $0xFFFFC000  }
0x30e: {  	_ =	swait.ge [sflag:s26], $0x4000  }
0x30f: {  	[sflag:s26] =	ssyncset.done $0x0  }
0x310: {  	s12 =	simm.s32 $0x11000;
	s10 =	rddreg [dreg:$0x9];
	[sflag:s26] =	ssyncadd.s32 $0xFFFFC000  }
0x311: {  	[hbm4b:s10+s2] =	stream.linear.scatter [tilespmem:s12], [sflag:$0x6], $0x8000, $0x38;
	[tilespmem:$0x19000] =	vst v63  }
0x312: {  	_ =	swait.ge [sflag:s0], $0x8000  }
0x313: {  	[sflag:s0] =	ssyncset.done $0x0  }
0x314: {  	[sflag:s0] =	ssyncadd.s32 $0xFFFF8000  }
0x315: {  	v3 =	vld [tilespmem:$0x400];
	_ =	sdelay $0x4  }
0x316: {  	v56 =	vshll.u32 v3, $0x1  }
0x317: {  	v3 =	vand.u32 $0x7, v3;
	v4 =	vand.u32 $0xFFFFFFF0, v56  }
0x318: {  	v3 =	vor.u32 v3, v4  }
0x319: {  	v4 =	vperm.xlane v3, v0;
	_ =	sdelay $0x1  }
0x31a: {  	v3 =	vperm.xlane v3, v2;
	v4 =	vadd.s32 v1, v4;
	_ =	sdelay $0x1  }
0x31b: {  	v3 =	vadd.s32 v1, v3;
	_ =	sdelay $0x2  }
0x31c: {  	[tilespmem:s12], [sflag:$0x3] =	stream.indirect_vreg.gather [hbm4b:s4+s2], $0x80, v4, vm0, $0xb8;
	[tilespmem:$0x19000] =	vst v63  }
0x31d: {  	s24 =	simm.s32 $0x12000  }
0x31e: {  	[tilespmem:s24], [sflag:$0x3] =	stream.indirect_vreg.gather [hbm4b:s4+s2], $0x80, v3, vm0, $0xb8;
	[tilespmem:$0x19000] =	vst v63  }
0x31f: {  	v3 =	vld [tilespmem:$0x410];
	_ =	sdelay $0x4  }
0x320: {  	v57 =	vshll.u32 v3, $0x1  }
0x321: {  	v3 =	vand.u32 $0x7, v3;
	v4 =	vand.u32 $0xFFFFFFF0, v57  }
0x322: {  	v3 =	vor.u32 v3, v4  }
0x323: {  	v4 =	vperm.xlane v3, v0;
	_ =	sdelay $0x1  }
0x324: {  	v3 =	vperm.xlane v3, v2;
	v4 =	vadd.s32 v1, v4;
	_ =	sdelay $0x1  }
0x325: {  	v3 =	vadd.s32 v1, v3;
	_ =	sdelay $0x2  }
0x326: {  	[tilespmem:s17], [sflag:$0x3] =	stream.indirect_vreg.gather [hbm4b:s4+s2], $0x80, v4, vm0, $0xb8;
	[tilespmem:$0x19000] =	vst v63  }
0x327: {  	s1 =	simm.s32 $0x14000  }
0x328: {  	[tilespmem:s1], [sflag:$0x3] =	stream.indirect_vreg.gather [hbm4b:s4+s2], $0x80, v3, vm0, $0xb8;
	[tilespmem:$0x19000] =	vst v63  }
0x329: {  	v3 =	vld [tilespmem:$0x420];
	_ =	sdelay $0x4  }
0x32a: {  	v58 =	vshll.u32 v3, $0x1  }
0x32b: {  	v3 =	vand.u32 $0x7, v3;
	v4 =	vand.u32 $0xFFFFFFF0, v58  }
0x32c: {  	v3 =	vor.u32 v3, v4  }
0x32d: {  	v4 =	vperm.xlane v3, v0;
	_ =	sdelay $0x1  }
0x32e: {  	v3 =	vperm.xlane v3, v2;
	v4 =	vadd.s32 v1, v4;
	_ =	sdelay $0x1  }
0x32f: {  	v3 =	vadd.s32 v1, v3;
	_ =	sdelay $0x2  }
0x330: {  	[tilespmem:s18], [sflag:$0x3] =	stream.indirect_vreg.gather [hbm4b:s4+s2], $0x80, v4, vm0, $0xb8;
	[tilespmem:$0x19000] =	vst v63  }
0x331: {  	s6 =	simm.s32 $0x16000  }
0x332: {  	[tilespmem:s6], [sflag:$0x3] =	stream.indirect_vreg.gather [hbm4b:s4+s2], $0x80, v3, vm0, $0xb8;
	[tilespmem:$0x19000] =	vst v63  }
0x333: {  	v3 =	vld [tilespmem:$0x430];
	_ =	sdelay $0x4  }
0x334: {  	v59 =	vshll.u32 v3, $0x1  }
0x335: {  	v3 =	vand.u32 $0x7, v3;
	v4 =	vand.u32 $0xFFFFFFF0, v59  }
0x336: {  	v3 =	vor.u32 v3, v4  }
0x337: {  	v4 =	vperm.xlane v3, v0;
	_ =	sdelay $0x1  }
0x338: {  	v3 =	vperm.xlane v3, v2;
	v4 =	vadd.s32 v1, v4;
	_ =	sdelay $0x1  }
0x339: {  	v3 =	vadd.s32 v1, v3;
	_ =	sdelay $0x2  }
0x33a: {  	[tilespmem:s19], [sflag:$0x3] =	stream.indirect_vreg.gather [hbm4b:s4+s2], $0x80, v4, vm0, $0xb8;
	[tilespmem:$0x19000] =	vst v63  }
0x33b: {  	s8 =	simm.s32 $0x18000  }
0x33c: {  	[tilespmem:s8], [sflag:$0x3] =	stream.indirect_vreg.gather [hbm4b:s4+s2], $0x80, v3, vm0, $0xb8;
	[tilespmem:$0x19000] =	vst v63  }
0x33d: {  	v3 =	vld [tilespmem:$0xC00];
	_ =	sdelay $0x4  }
0x33e: {  	v60 =	vshll.u32 v3, $0x1  }
0x33f: {  	v3 =	vand.u32 $0x7, v3;
	v4 =	vand.u32 $0xFFFFFFF0, v60  }
0x340: {  	v3 =	vor.u32 v3, v4  }
0x341: {  	v4 =	vperm.xlane v3, v0;
	_ =	sdelay $0x1  }
0x342: {  	v3 =	vperm.xlane v3, v2;
	v4 =	vadd.s32 v1, v4;
	_ =	sdelay $0x1  }
0x343: {  	v3 =	vadd.s32 v1, v3;
	_ =	sdelay $0x2  }
0x344: {  	[tilespmem:s20], [sflag:$0x3] =	stream.indirect_vreg.gather [hbm4b:s5+s2], $0x80, v4, vm0, $0xb8;
	[tilespmem:$0x19000] =	vst v63  }
0x345: {  	s10 =	simm.s32 $0x12800  }
0x346: {  	[tilespmem:s10], [sflag:$0x3] =	stream.indirect_vreg.gather [hbm4b:s5+s2], $0x80, v3, vm0, $0xb8;
	[tilespmem:$0x19000] =	vst v63  }
0x347: {  	v3 =	vld [tilespmem:$0xC10];
	_ =	sdelay $0x4  }
0x348: {  	v61 =	vshll.u32 v3, $0x1  }
0x349: {  	v3 =	vand.u32 $0x7, v3;
	v4 =	vand.u32 $0xFFFFFFF0, v61  }
0x34a: {  	v3 =	vor.u32 v3, v4  }
0x34b: {  	v4 =	vperm.xlane v3, v0;
	_ =	sdelay $0x1  }
0x34c: {  	v3 =	vperm.xlane v3, v2;
	v4 =	vadd.s32 v1, v4;
	_ =	sdelay $0x1  }
0x34d: {  	v3 =	vadd.s32 v1, v3;
	_ =	sdelay $0x2  }
0x34e: {  	[tilespmem:s21], [sflag:$0x3] =	stream.indirect_vreg.gather [hbm4b:s5+s2], $0x80, v4, vm0, $0xb8;
	[tilespmem:$0x19000] =	vst v63  }
0x34f: {  	s15 =	simm.s32 $0x14800  }
0x350: {  	[tilespmem:s15], [sflag:$0x3] =	stream.indirect_vreg.gather [hbm4b:s5+s2], $0x80, v3, vm0, $0xb8;
	[tilespmem:$0x19000] =	vst v63  }
0x351: {  	v3 =	vld [tilespmem:$0xC20];
	_ =	sdelay $0x4  }
0x352: {  	v62 =	vshll.u32 v3, $0x1  }
0x353: {  	v3 =	vand.u32 $0x7, v3;
	v4 =	vand.u32 $0xFFFFFFF0, v62  }
0x354: {  	v3 =	vor.u32 v3, v4  }
0x355: {  	v4 =	vperm.xlane v3, v0;
	_ =	sdelay $0x1  }
0x356: {  	v3 =	vperm.xlane v3, v2;
	v4 =	vadd.s32 v1, v4;
	_ =	sdelay $0x1  }
0x357: {  	v3 =	vadd.s32 v1, v3;
	_ =	sdelay $0x2  }
0x358: {  	[tilespmem:s16], [sflag:$0x3] =	stream.indirect_vreg.gather [hbm4b:s5+s2], $0x80, v4, vm0, $0xb8;
	[tilespmem:$0x19000] =	vst v63  }
0x359: {  	s16 =	simm.s32 $0x16800  }
0x35a: {  	[tilespmem:s16], [sflag:$0x3] =	stream.indirect_vreg.gather [hbm4b:s5+s2], $0x80, v3, vm0, $0xb8;
	[tilespmem:$0x19000] =	vst v63  }
0x35b: {  	v3 =	vld [tilespmem:$0xC30];
	_ =	sdelay $0x4  }
0x35c: {  	v63 =	vshll.u32 v3, $0x1  }
0x35d: {  	v3 =	vand.u32 $0x7, v3;
	v4 =	vand.u32 $0xFFFFFFF0, v63  }
0x35e: {  	v3 =	vor.u32 v3, v4  }
0x35f: {  	v4 =	vperm.xlane v3, v0;
	_ =	sdelay $0x1  }
0x360: {  	v3 =	vperm.xlane v3, v2;
	v4 =	vadd.s32 v1, v4;
	_ =	sdelay $0x1  }
0x361: {  	v3 =	vadd.s32 v1, v3;
	_ =	sdelay $0x1  }
0x362: {  	s17 =	simm.s32 $0x17800  }
0x363: {  	[tilespmem:s17], [sflag:$0x3] =	stream.indirect_vreg.gather [hbm4b:s5+s2], $0x80, v4, vm0, $0xb8;
	[tilespmem:$0x19000] =	vst v63  }
0x364: {  	_ = 	snop  }
0x365: {  	[tilespmem:s30], [sflag:$0x3] =	stream.indirect_vreg.gather [hbm4b:s5+s2], $0x80, v3, vm0, $0xb8;
	[tilespmem:$0x19000] =	vst v63  }
0x366: {  	_ =	swait.ge [sflag:s31], $0x4000  }
0x367: {  	[sflag:s31] =	ssyncset.done $0x0  }
0x368: {  	[sflag:s31] =	ssyncadd.s32 $0xFFFFC000  }
0x369: {  	_ =	swait.ge [sflag:s31], $0x4000  }
0x36a: {  	[sflag:s31] =	ssyncset.done $0x0  }
0x36b: {  	s19 =	simm.s32 $0x1000;
	s18 =	rddreg [dreg:$0xa];
	[sflag:s31] =	ssyncadd.s32 $0xFFFFC000  }
0x36c: {  	[hbm4b:s18+s2] =	stream.linear.scatter [tilespmem:s19], [sflag:$0x4], $0x8000, $0x38;
	[tilespmem:$0x19000] =	vst v63  }
0x36d: {  	_ =	swait.ge [sflag:s14], $0x8000  }
0x36e: {  	[sflag:s14] =	ssyncset.done $0x0  }
0x36f: {  	[sflag:s14] =	ssyncadd.s32 $0xFFFF8000  }
0x370: {  	v3 =	vld [tilespmem:$0x480];
	_ =	sdelay $0x4  }
0x371: {  	v8 =	vshll.u32 v3, $0x1  }
0x372: {  	v3 =	vand.u32 $0x7, v3;
	v4 =	vand.u32 $0xFFFFFFF0, v8  }
0x373: {  	v3 =	vor.u32 v3, v4  }
0x374: {  	v4 =	vperm.xlane v3, v0;
	_ =	sdelay $0x1  }
0x375: {  	v3 =	vperm.xlane v3, v2;
	v4 =	vadd.s32 v1, v4;
	_ =	sdelay $0x1  }
0x376: {  	v3 =	vadd.s32 v1, v3;
	_ =	sdelay $0x2  }
0x377: {  	[tilespmem:s19], [sflag:$0x1] =	stream.indirect_vreg.gather [hbm4b:s4+s2], $0x80, v4, vm0, $0xb8;
	[tilespmem:$0x19000] =	vst v63  }
0x378: {  	s17 =	simm.s32 $0x2000  }
0x379: {  	[tilespmem:s17], [sflag:$0x1] =	stream.indirect_vreg.gather [hbm4b:s4+s2], $0x80, v3, vm0, $0xb8;
	[tilespmem:$0x19000] =	vst v63  }
0x37a: {  	v3 =	vld [tilespmem:$0x490];
	_ =	sdelay $0x4  }
0x37b: {  	v9 =	vshll.u32 v3, $0x1  }
0x37c: {  	v3 =	vand.u32 $0x7, v3;
	v4 =	vand.u32 $0xFFFFFFF0, v9  }
0x37d: {  	v3 =	vor.u32 v3, v4  }
0x37e: {  	v4 =	vperm.xlane v3, v0;
	_ =	sdelay $0x1  }
0x37f: {  	v3 =	vperm.xlane v3, v2;
	v4 =	vadd.s32 v1, v4;
	_ =	sdelay $0x1  }
0x380: {  	v3 =	vadd.s32 v1, v3;
	_ =	sdelay $0x1  }
0x381: {  	s21 =	simm.s32 $0x3000  }
0x382: {  	[tilespmem:s21], [sflag:$0x1] =	stream.indirect_vreg.gather [hbm4b:s4+s2], $0x80, v4, vm0, $0xb8;
	[tilespmem:$0x19000] =	vst v63  }
0x383: {  	s16 =	simm.s32 $0x4000  }
0x384: {  	[tilespmem:s16], [sflag:$0x1] =	stream.indirect_vreg.gather [hbm4b:s4+s2], $0x80, v3, vm0, $0xb8;
	[tilespmem:$0x19000] =	vst v63  }
0x385: {  	v3 =	vld [tilespmem:$0x4A0];
	_ =	sdelay $0x4  }
0x386: {  	v10 =	vshll.u32 v3, $0x1  }
0x387: {  	v3 =	vand.u32 $0x7, v3;
	v4 =	vand.u32 $0xFFFFFFF0, v10  }
0x388: {  	v3 =	vor.u32 v3, v4  }
0x389: {  	v4 =	vperm.xlane v3, v0;
	_ =	sdelay $0x1  }
0x38a: {  	v3 =	vperm.xlane v3, v2;
	v4 =	vadd.s32 v1, v4;
	_ =	sdelay $0x1  }
0x38b: {  	v3 =	vadd.s32 v1, v3;
	_ =	sdelay $0x1  }
0x38c: {  	s22 =	simm.s32 $0x5000  }
0x38d: {  	[tilespmem:s22], [sflag:$0x1] =	stream.indirect_vreg.gather [hbm4b:s4+s2], $0x80, v4, vm0, $0xb8;
	[tilespmem:$0x19000] =	vst v63  }
0x38e: {  	s18 =	simm.s32 $0x6000  }
0x38f: {  	[tilespmem:s18], [sflag:$0x1] =	stream.indirect_vreg.gather [hbm4b:s4+s2], $0x80, v3, vm0, $0xb8;
	[tilespmem:$0x19000] =	vst v63  }
0x390: {  	v3 =	vld [tilespmem:$0x4B0];
	_ =	sdelay $0x4  }
0x391: {  	v11 =	vshll.u32 v3, $0x1  }
0x392: {  	v3 =	vand.u32 $0x7, v3;
	v4 =	vand.u32 $0xFFFFFFF0, v11  }
0x393: {  	v3 =	vor.u32 v3, v4  }
0x394: {  	v4 =	vperm.xlane v3, v0;
	_ =	sdelay $0x1  }
0x395: {  	v3 =	vperm.xlane v3, v2;
	v4 =	vadd.s32 v1, v4;
	_ =	sdelay $0x1  }
0x396: {  	v3 =	vadd.s32 v1, v3;
	_ =	sdelay $0x1  }
0x397: {  	s7 =	simm.s32 $0x7000  }
0x398: {  	[tilespmem:s7], [sflag:$0x1] =	stream.indirect_vreg.gather [hbm4b:s4+s2], $0x80, v4, vm0, $0xb8;
	[tilespmem:$0x19000] =	vst v63  }
0x399: {  	s19 =	simm.s32 $0x8000  }
0x39a: {  	[tilespmem:s19], [sflag:$0x1] =	stream.indirect_vreg.gather [hbm4b:s4+s2], $0x80, v3, vm0, $0xb8;
	[tilespmem:$0x19000] =	vst v63  }
0x39b: {  	v3 =	vld [tilespmem:$0xC80];
	_ =	sdelay $0x4  }
0x39c: {  	v12 =	vshll.u32 v3, $0x1  }
0x39d: {  	v3 =	vand.u32 $0x7, v3;
	v4 =	vand.u32 $0xFFFFFFF0, v12  }
0x39e: {  	v3 =	vor.u32 v3, v4  }
0x39f: {  	v4 =	vperm.xlane v3, v0;
	_ =	sdelay $0x1  }
0x3a0: {  	v3 =	vperm.xlane v3, v2;
	v4 =	vadd.s32 v1, v4;
	_ =	sdelay $0x1  }
0x3a1: {  	v3 =	vadd.s32 v1, v3;
	_ =	sdelay $0x1  }
0x3a2: {  	s30 =	simm.s32 $0x1800  }
0x3a3: {  	[tilespmem:s30], [sflag:$0x1] =	stream.indirect_vreg.gather [hbm4b:s5+s2], $0x80, v4, vm0, $0xb8;
	[tilespmem:$0x19000] =	vst v63  }
0x3a4: {  	s13 =	simm.s32 $0x2800  }
0x3a5: {  	[tilespmem:s13], [sflag:$0x1] =	stream.indirect_vreg.gather [hbm4b:s5+s2], $0x80, v3, vm0, $0xb8;
	[tilespmem:$0x19000] =	vst v63  }
0x3a6: {  	v3 =	vld [tilespmem:$0xC90];
	_ =	sdelay $0x4  }
0x3a7: {  	v13 =	vshll.u32 v3, $0x1  }
0x3a8: {  	v3 =	vand.u32 $0x7, v3;
	v4 =	vand.u32 $0xFFFFFFF0, v13  }
0x3a9: {  	v3 =	vor.u32 v3, v4  }
0x3aa: {  	v4 =	vperm.xlane v3, v0;
	_ =	sdelay $0x1  }
0x3ab: {  	v3 =	vperm.xlane v3, v2;
	v4 =	vadd.s32 v1, v4;
	_ =	sdelay $0x1  }
0x3ac: {  	v3 =	vadd.s32 v1, v3;
	_ =	sdelay $0x1  }
0x3ad: {  	s20 =	simm.s32 $0x3800  }
0x3ae: {  	[tilespmem:s20], [sflag:$0x1] =	stream.indirect_vreg.gather [hbm4b:s5+s2], $0x80, v4, vm0, $0xb8;
	[tilespmem:$0x19000] =	vst v63  }
0x3af: {  	s29 =	simm.s32 $0x4800  }
0x3b0: {  	[tilespmem:s29], [sflag:$0x1] =	stream.indirect_vreg.gather [hbm4b:s5+s2], $0x80, v3, vm0, $0xb8;
	[tilespmem:$0x19000] =	vst v63  }
0x3b1: {  	v3 =	vld [tilespmem:$0xCA0];
	_ =	sdelay $0x4  }
0x3b2: {  	v14 =	vshll.u32 v3, $0x1  }
0x3b3: {  	v3 =	vand.u32 $0x7, v3;
	v4 =	vand.u32 $0xFFFFFFF0, v14  }
0x3b4: {  	v3 =	vor.u32 v3, v4  }
0x3b5: {  	v4 =	vperm.xlane v3, v0;
	_ =	sdelay $0x1  }
0x3b6: {  	v3 =	vperm.xlane v3, v2;
	v4 =	vadd.s32 v1, v4;
	_ =	sdelay $0x1  }
0x3b7: {  	v3 =	vadd.s32 v1, v3;
	_ =	sdelay $0x1  }
0x3b8: {  	s12 =	simm.s32 $0x5800  }
0x3b9: {  	[tilespmem:s12], [sflag:$0x1] =	stream.indirect_vreg.gather [hbm4b:s5+s2], $0x80, v4, vm0, $0xb8;
	[tilespmem:$0x19000] =	vst v63  }
0x3ba: {  	s15 =	simm.s32 $0x6800  }
0x3bb: {  	[tilespmem:s15], [sflag:$0x1] =	stream.indirect_vreg.gather [hbm4b:s5+s2], $0x80, v3, vm0, $0xb8;
	[tilespmem:$0x19000] =	vst v63  }
0x3bc: {  	v3 =	vld [tilespmem:$0xCB0];
	_ =	sdelay $0x4  }
0x3bd: {  	v15 =	vshll.u32 v3, $0x1  }
0x3be: {  	v3 =	vand.u32 $0x7, v3;
	v4 =	vand.u32 $0xFFFFFFF0, v15  }
0x3bf: {  	v3 =	vor.u32 v3, v4  }
0x3c0: {  	v4 =	vperm.xlane v3, v0;
	_ =	sdelay $0x1  }
0x3c1: {  	v3 =	vperm.xlane v3, v2;
	v4 =	vadd.s32 v1, v4;
	_ =	sdelay $0x1  }
0x3c2: {  	v3 =	vadd.s32 v1, v3;
	_ =	sdelay $0x1  }
0x3c3: {  	s13 =	simm.s32 $0x7800  }
0x3c4: {  	[tilespmem:s13], [sflag:$0x1] =	stream.indirect_vreg.gather [hbm4b:s5+s2], $0x80, v4, vm0, $0xb8;
	[tilespmem:$0x19000] =	vst v63  }
0x3c5: {  	s20 =	simm.s32 $0x8800  }
0x3c6: {  	[tilespmem:s20], [sflag:$0x1] =	stream.indirect_vreg.gather [hbm4b:s5+s2], $0x80, v3, vm0, $0xb8;
	[tilespmem:$0x19000] =	vst v63  }
0x3c7: {  	_ =	swait.ge [sflag:s3], $0x4000  }
0x3c8: {  	[sflag:s3] =	ssyncset.done $0x0  }
0x3c9: {  	[sflag:s3] =	ssyncadd.s32 $0xFFFFC000  }
0x3ca: {  	_ =	swait.ge [sflag:s3], $0x4000  }
0x3cb: {  	[sflag:s3] =	ssyncset.done $0x0  }
0x3cc: {  	s9 =	simm.s32 $0x9000;
	s29 =	rddreg [dreg:$0xb];
	[sflag:s3] =	ssyncadd.s32 $0xFFFFC000  }
0x3cd: {  	[hbm4b:s29+s2] =	stream.linear.scatter [tilespmem:s9], [sflag:$0x5], $0x8000, $0x38;
	[tilespmem:$0x19000] =	vst v63  }
0x3ce: {  	_ =	swait.ge [sflag:s28], $0x8000  }
0x3cf: {  	[sflag:s28] =	ssyncset.done $0x0  }
0x3d0: {  	[sflag:s28] =	ssyncadd.s32 $0xFFFF8000  }
0x3d1: {  	v3 =	vld [tilespmem:$0x500];
	_ =	sdelay $0x4  }
0x3d2: {  	v16 =	vshll.u32 v3, $0x1  }
0x3d3: {  	v3 =	vand.u32 $0x7, v3;
	v4 =	vand.u32 $0xFFFFFFF0, v16  }
0x3d4: {  	v3 =	vor.u32 v3, v4  }
0x3d5: {  	v4 =	vperm.xlane v3, v0;
	_ =	sdelay $0x1  }
0x3d6: {  	v3 =	vperm.xlane v3, v2;
	v4 =	vadd.s32 v1, v4;
	_ =	sdelay $0x1  }
0x3d7: {  	v3 =	vadd.s32 v1, v3;
	_ =	sdelay $0x2  }
0x3d8: {  	[tilespmem:s9], [sflag:$0x2] =	stream.indirect_vreg.gather [hbm4b:s4+s2], $0x80, v4, vm0, $0xb8;
	[tilespmem:$0x19000] =	vst v63  }
0x3d9: {  	_ = 	snop  }
0x3da: {  	[tilespmem:s11], [sflag:$0x2] =	stream.indirect_vreg.gather [hbm4b:s4+s2], $0x80, v3, vm0, $0xb8;
	[tilespmem:$0x19000] =	vst v63  }
0x3db: {  	v3 =	vld [tilespmem:$0x510];
	_ =	sdelay $0x4  }
0x3dc: {  	v17 =	vshll.u32 v3, $0x1  }
0x3dd: {  	v3 =	vand.u32 $0x7, v3;
	v4 =	vand.u32 $0xFFFFFFF0, v17  }
0x3de: {  	v3 =	vor.u32 v3, v4  }
0x3df: {  	v4 =	vperm.xlane v3, v0;
	_ =	sdelay $0x1  }
0x3e0: {  	v3 =	vperm.xlane v3, v2;
	v4 =	vadd.s32 v1, v4;
	_ =	sdelay $0x1  }
0x3e1: {  	v3 =	vadd.s32 v1, v3;
	_ =	sdelay $0x1  }
0x3e2: {  	s11 =	simm.s32 $0xB000  }
0x3e3: {  	[tilespmem:s11], [sflag:$0x2] =	stream.indirect_vreg.gather [hbm4b:s4+s2], $0x80, v4, vm0, $0xb8;
	[tilespmem:$0x19000] =	vst v63  }
0x3e4: {  	s29 =	simm.s32 $0xC000  }
0x3e5: {  	[tilespmem:s29], [sflag:$0x2] =	stream.indirect_vreg.gather [hbm4b:s4+s2], $0x80, v3, vm0, $0xb8;
	[tilespmem:$0x19000] =	vst v63  }
0x3e6: {  	v3 =	vld [tilespmem:$0x520];
	_ =	sdelay $0x4  }
0x3e7: {  	v18 =	vshll.u32 v3, $0x1  }
0x3e8: {  	v3 =	vand.u32 $0x7, v3;
	v4 =	vand.u32 $0xFFFFFFF0, v18  }
0x3e9: {  	v3 =	vor.u32 v3, v4  }
0x3ea: {  	v4 =	vperm.xlane v3, v0;
	_ =	sdelay $0x1  }
0x3eb: {  	v3 =	vperm.xlane v3, v2;
	v4 =	vadd.s32 v1, v4;
	_ =	sdelay $0x1  }
0x3ec: {  	v3 =	vadd.s32 v1, v3;
	_ =	sdelay $0x1  }
0x3ed: {  	s11 =	simm.s32 $0xD000  }
0x3ee: {  	[tilespmem:s11], [sflag:$0x2] =	stream.indirect_vreg.gather [hbm4b:s4+s2], $0x80, v4, vm0, $0xb8;
	[tilespmem:$0x19000] =	vst v63  }
0x3ef: {  	s29 =	simm.s32 $0xE000  }
0x3f0: {  	[tilespmem:s29], [sflag:$0x2] =	stream.indirect_vreg.gather [hbm4b:s4+s2], $0x80, v3, vm0, $0xb8;
	[tilespmem:$0x19000] =	vst v63  }
0x3f1: {  	v3 =	vld [tilespmem:$0x530];
	_ =	sdelay $0x4  }
0x3f2: {  	v19 =	vshll.u32 v3, $0x1  }
0x3f3: {  	v3 =	vand.u32 $0x7, v3;
	v4 =	vand.u32 $0xFFFFFFF0, v19  }
0x3f4: {  	v3 =	vor.u32 v3, v4  }
0x3f5: {  	v4 =	vperm.xlane v3, v0;
	_ =	sdelay $0x1  }
0x3f6: {  	v3 =	vperm.xlane v3, v2;
	v4 =	vadd.s32 v1, v4;
	_ =	sdelay $0x1  }
0x3f7: {  	v3 =	vadd.s32 v1, v3;
	_ =	sdelay $0x1  }
0x3f8: {  	s9 =	simm.s32 $0xF000  }
0x3f9: {  	[tilespmem:s9], [sflag:$0x2] =	stream.indirect_vreg.gather [hbm4b:s4+s2], $0x80, v4, vm0, $0xb8;
	[tilespmem:$0x19000] =	vst v63  }
0x3fa: {  	s11 =	simm.s32 $0x10000  }
0x3fb: {  	[tilespmem:s11], [sflag:$0x2] =	stream.indirect_vreg.gather [hbm4b:s4+s2], $0x80, v3, vm0, $0xb8;
	[tilespmem:$0x19000] =	vst v63  }
0x3fc: {  	v3 =	vld [tilespmem:$0xD00];
	_ =	sdelay $0x4  }
0x3fd: {  	v20 =	vshll.u32 v3, $0x1  }
0x3fe: {  	v3 =	vand.u32 $0x7, v3;
	v4 =	vand.u32 $0xFFFFFFF0, v20  }
0x3ff: {  	v3 =	vor.u32 v3, v4  }
0x400: {  	v4 =	vperm.xlane v3, v0;
	_ =	sdelay $0x1  }
0x401: {  	v3 =	vperm.xlane v3, v2;
	v4 =	vadd.s32 v1, v4;
	_ =	sdelay $0x1  }
0x402: {  	v3 =	vadd.s32 v1, v3;
	_ =	sdelay $0x1  }
0x403: {  	s29 =	simm.s32 $0x9800  }
0x404: {  	[tilespmem:s29], [sflag:$0x2] =	stream.indirect_vreg.gather [hbm4b:s5+s2], $0x80, v4, vm0, $0xb8;
	[tilespmem:$0x19000] =	vst v63  }
0x405: {  	s11 =	simm.s32 $0xA800  }
0x406: {  	[tilespmem:s11], [sflag:$0x2] =	stream.indirect_vreg.gather [hbm4b:s5+s2], $0x80, v3, vm0, $0xb8;
	[tilespmem:$0x19000] =	vst v63  }
0x407: {  	v3 =	vld [tilespmem:$0xD10];
	_ =	sdelay $0x4  }
0x408: {  	v21 =	vshll.u32 v3, $0x1  }
0x409: {  	v3 =	vand.u32 $0x7, v3;
	v4 =	vand.u32 $0xFFFFFFF0, v21  }
0x40a: {  	v3 =	vor.u32 v3, v4  }
0x40b: {  	v4 =	vperm.xlane v3, v0;
	_ =	sdelay $0x1  }
0x40c: {  	v3 =	vperm.xlane v3, v2;
	v4 =	vadd.s32 v1, v4;
	_ =	sdelay $0x1  }
0x40d: {  	v3 =	vadd.s32 v1, v3;
	_ =	sdelay $0x2  }
0x40e: {  	[tilespmem:s25], [sflag:$0x2] =	stream.indirect_vreg.gather [hbm4b:s5+s2], $0x80, v4, vm0, $0xb8;
	[tilespmem:$0x19000] =	vst v63  }
0x40f: {  	s29 =	simm.s32 $0xC800  }
0x410: {  	[tilespmem:s29], [sflag:$0x2] =	stream.indirect_vreg.gather [hbm4b:s5+s2], $0x80, v3, vm0, $0xb8;
	[tilespmem:$0x19000] =	vst v63  }
0x411: {  	v3 =	vld [tilespmem:$0xD20];
	_ =	sdelay $0x4  }
0x412: {  	v22 =	vshll.u32 v3, $0x1  }
0x413: {  	v3 =	vand.u32 $0x7, v3;
	v4 =	vand.u32 $0xFFFFFFF0, v22  }
0x414: {  	v3 =	vor.u32 v3, v4  }
0x415: {  	v4 =	vperm.xlane v3, v0;
	_ =	sdelay $0x1  }
0x416: {  	v3 =	vperm.xlane v3, v2;
	v4 =	vadd.s32 v1, v4;
	_ =	sdelay $0x1  }
0x417: {  	v3 =	vadd.s32 v1, v3;
	_ =	sdelay $0x2  }
0x418: {  	[tilespmem:s23], [sflag:$0x2] =	stream.indirect_vreg.gather [hbm4b:s5+s2], $0x80, v4, vm0, $0xb8;
	[tilespmem:$0x19000] =	vst v63  }
0x419: {  	s11 =	simm.s32 $0xE800  }
0x41a: {  	[tilespmem:s11], [sflag:$0x2] =	stream.indirect_vreg.gather [hbm4b:s5+s2], $0x80, v3, vm0, $0xb8;
	[tilespmem:$0x19000] =	vst v63  }
0x41b: {  	v3 =	vld [tilespmem:$0xD30];
	_ =	sdelay $0x4  }
0x41c: {  	v23 =	vshll.u32 v3, $0x1  }
0x41d: {  	v3 =	vand.u32 $0x7, v3;
	v4 =	vand.u32 $0xFFFFFFF0, v23  }
0x41e: {  	v3 =	vor.u32 v3, v4  }
0x41f: {  	v4 =	vperm.xlane v3, v0;
	_ =	sdelay $0x1  }
0x420: {  	v3 =	vperm.xlane v3, v2;
	v4 =	vadd.s32 v1, v4;
	_ =	sdelay $0x1  }
0x421: {  	v3 =	vadd.s32 v1, v3;
	_ =	sdelay $0x1  }
0x422: {  	s23 =	simm.s32 $0xF800  }
0x423: {  	[tilespmem:s23], [sflag:$0x2] =	stream.indirect_vreg.gather [hbm4b:s5+s2], $0x80, v4, vm0, $0xb8;
	[tilespmem:$0x19000] =	vst v63  }
0x424: {  	s29 =	simm.s32 $0x10800  }
0x425: {  	[tilespmem:s29], [sflag:$0x2] =	stream.indirect_vreg.gather [hbm4b:s5+s2], $0x80, v3, vm0, $0xb8;
	[tilespmem:$0x19000] =	vst v63  }
0x426: {  	_ =	swait.ge [sflag:s26], $0x4000  }
0x427: {  	[sflag:s26] =	ssyncset.done $0x0  }
0x428: {  	[sflag:s26] =	ssyncadd.s32 $0xFFFFC000  }
0x429: {  	_ =	swait.ge [sflag:s26], $0x4000  }
0x42a: {  	[sflag:s26] =	ssyncset.done $0x0  }
0x42b: {  	s23 =	simm.s32 $0x11000;
	s11 =	rddreg [dreg:$0xc];
	[sflag:s26] =	ssyncadd.s32 $0xFFFFC000  }
0x42c: {  	[hbm4b:s11+s2] =	stream.linear.scatter [tilespmem:s23], [sflag:$0x6], $0x8000, $0x38;
	[tilespmem:$0x19000] =	vst v63  }
0x42d: {  	_ =	swait.ge [sflag:s0], $0x8000  }
0x42e: {  	[sflag:s0] =	ssyncset.done $0x0  }
0x42f: {  	[sflag:s0] =	ssyncadd.s32 $0xFFFF8000  }
0x430: {  	v3 =	vld [tilespmem:$0x580];
	_ =	sdelay $0x4  }
0x431: {  	v24 =	vshll.u32 v3, $0x1  }
0x432: {  	v3 =	vand.u32 $0x7, v3;
	v4 =	vand.u32 $0xFFFFFFF0, v24  }
0x433: {  	v3 =	vor.u32 v3, v4  }
0x434: {  	v4 =	vperm.xlane v3, v0;
	_ =	sdelay $0x1  }
0x435: {  	v3 =	vperm.xlane v3, v2;
	v4 =	vadd.s32 v1, v4;
	_ =	sdelay $0x1  }
0x436: {  	v3 =	vadd.s32 v1, v3;
	_ =	sdelay $0x2  }
0x437: {  	[tilespmem:s23], [sflag:$0x3] =	stream.indirect_vreg.gather [hbm4b:s4+s2], $0x80, v4, vm0, $0xb8;
	[tilespmem:$0x19000] =	vst v63  }
0x438: {  	_ = 	snop  }
0x439: {  	[tilespmem:s24], [sflag:$0x3] =	stream.indirect_vreg.gather [hbm4b:s4+s2], $0x80, v3, vm0, $0xb8;
	[tilespmem:$0x19000] =	vst v63  }
0x43a: {  	v3 =	vld [tilespmem:$0x590];
	_ =	sdelay $0x4  }
0x43b: {  	v25 =	vshll.u32 v3, $0x1  }
0x43c: {  	v3 =	vand.u32 $0x7, v3;
	v4 =	vand.u32 $0xFFFFFFF0, v25  }
0x43d: {  	v3 =	vor.u32 v3, v4  }
0x43e: {  	v4 =	vperm.xlane v3, v0;
	_ =	sdelay $0x1  }
0x43f: {  	v3 =	vperm.xlane v3, v2;
	v4 =	vadd.s32 v1, v4;
	_ =	sdelay $0x1  }
0x440: {  	v3 =	vadd.s32 v1, v3;
	_ =	sdelay $0x1  }
0x441: {  	s29 =	simm.s32 $0x13000  }
0x442: {  	[tilespmem:s29], [sflag:$0x3] =	stream.indirect_vreg.gather [hbm4b:s4+s2], $0x80, v4, vm0, $0xb8;
	[tilespmem:$0x19000] =	vst v63  }
0x443: {  	_ = 	snop  }
0x444: {  	[tilespmem:s1], [sflag:$0x3] =	stream.indirect_vreg.gather [hbm4b:s4+s2], $0x80, v3, vm0, $0xb8;
	[tilespmem:$0x19000] =	vst v63  }
0x445: {  	v3 =	vld [tilespmem:$0x5A0];
	_ =	sdelay $0x4  }
0x446: {  	v26 =	vshll.u32 v3, $0x1  }
0x447: {  	v3 =	vand.u32 $0x7, v3;
	v4 =	vand.u32 $0xFFFFFFF0, v26  }
0x448: {  	v3 =	vor.u32 v3, v4  }
0x449: {  	v4 =	vperm.xlane v3, v0;
	_ =	sdelay $0x1  }
0x44a: {  	v3 =	vperm.xlane v3, v2;
	v4 =	vadd.s32 v1, v4;
	_ =	sdelay $0x1  }
0x44b: {  	v3 =	vadd.s32 v1, v3;
	_ =	sdelay $0x1  }
0x44c: {  	s11 =	simm.s32 $0x15000  }
0x44d: {  	[tilespmem:s11], [sflag:$0x3] =	stream.indirect_vreg.gather [hbm4b:s4+s2], $0x80, v4, vm0, $0xb8;
	[tilespmem:$0x19000] =	vst v63  }
0x44e: {  	_ = 	snop  }
0x44f: {  	[tilespmem:s6], [sflag:$0x3] =	stream.indirect_vreg.gather [hbm4b:s4+s2], $0x80, v3, vm0, $0xb8;
	[tilespmem:$0x19000] =	vst v63  }
0x450: {  	v3 =	vld [tilespmem:$0x5B0];
	_ =	sdelay $0x4  }
0x451: {  	v27 =	vshll.u32 v3, $0x1  }
0x452: {  	v3 =	vand.u32 $0x7, v3;
	v4 =	vand.u32 $0xFFFFFFF0, v27  }
0x453: {  	v3 =	vor.u32 v3, v4  }
0x454: {  	v4 =	vperm.xlane v3, v0;
	_ =	sdelay $0x1  }
0x455: {  	v3 =	vperm.xlane v3, v2;
	v4 =	vadd.s32 v1, v4;
	_ =	sdelay $0x1  }
0x456: {  	v3 =	vadd.s32 v1, v3;
	_ =	sdelay $0x1  }
0x457: {  	s24 =	simm.s32 $0x17000  }
0x458: {  	[tilespmem:s24], [sflag:$0x3] =	stream.indirect_vreg.gather [hbm4b:s4+s2], $0x80, v4, vm0, $0xb8;
	[tilespmem:$0x19000] =	vst v63  }
0x459: {  	_ = 	snop  }
0x45a: {  	[tilespmem:s8], [sflag:$0x3] =	stream.indirect_vreg.gather [hbm4b:s4+s2], $0x80, v3, vm0, $0xb8;
	[tilespmem:$0x19000] =	vst v63  }
0x45b: {  	v3 =	vld [tilespmem:$0xD80];
	_ =	sdelay $0x4  }
0x45c: {  	v28 =	vshll.u32 v3, $0x1  }
0x45d: {  	v3 =	vand.u32 $0x7, v3;
	v4 =	vand.u32 $0xFFFFFFF0, v28  }
0x45e: {  	v3 =	vor.u32 v3, v4  }
0x45f: {  	v4 =	vperm.xlane v3, v0;
	_ =	sdelay $0x1  }
0x460: {  	v3 =	vperm.xlane v3, v2;
	v4 =	vadd.s32 v1, v4;
	_ =	sdelay $0x1  }
0x461: {  	v3 =	vadd.s32 v1, v3;
	_ =	sdelay $0x1  }
0x462: {  	s29 =	simm.s32 $0x11800  }
0x463: {  	[tilespmem:s29], [sflag:$0x3] =	stream.indirect_vreg.gather [hbm4b:s5+s2], $0x80, v4, vm0, $0xb8;
	[tilespmem:$0x19000] =	vst v63  }
0x464: {  	_ = 	snop  }
0x465: {  	[tilespmem:s10], [sflag:$0x3] =	stream.indirect_vreg.gather [hbm4b:s5+s2], $0x80, v3, vm0, $0xb8;
	[tilespmem:$0x19000] =	vst v63  }
0x466: {  	v3 =	vld [tilespmem:$0xD90];
	_ =	sdelay $0x4  }
0x467: {  	v29 =	vshll.u32 v3, $0x1  }
0x468: {  	v3 =	vand.u32 $0x7, v3;
	v4 =	vand.u32 $0xFFFFFFF0, v29  }
0x469: {  	v3 =	vor.u32 v3, v4  }
0x46a: {  	v4 =	vperm.xlane v3, v0;
	_ =	sdelay $0x1  }
0x46b: {  	v3 =	vperm.xlane v3, v2;
	v4 =	vadd.s32 v1, v4;
	_ =	sdelay $0x1  }
0x46c: {  	v3 =	vadd.s32 v1, v3;
	_ =	sdelay $0x1  }
0x46d: {  	s9 =	simm.s32 $0x13800  }
0x46e: {  	[tilespmem:s9], [sflag:$0x3] =	stream.indirect_vreg.gather [hbm4b:s5+s2], $0x80, v4, vm0, $0xb8;
	[tilespmem:$0x19000] =	vst v63  }
0x46f: {  	s10 =	simm.s32 $0x14800  }
0x470: {  	[tilespmem:s10], [sflag:$0x3] =	stream.indirect_vreg.gather [hbm4b:s5+s2], $0x80, v3, vm0, $0xb8;
	[tilespmem:$0x19000] =	vst v63  }
0x471: {  	v3 =	vld [tilespmem:$0xDA0];
	_ =	sdelay $0x4  }
0x472: {  	v30 =	vshll.u32 v3, $0x1  }
0x473: {  	v3 =	vand.u32 $0x7, v3;
	v4 =	vand.u32 $0xFFFFFFF0, v30  }
0x474: {  	v3 =	vor.u32 v3, v4  }
0x475: {  	v4 =	vperm.xlane v3, v0;
	_ =	sdelay $0x1  }
0x476: {  	v3 =	vperm.xlane v3, v2;
	v4 =	vadd.s32 v1, v4;
	_ =	sdelay $0x1  }
0x477: {  	v3 =	vadd.s32 v1, v3;
	_ =	sdelay $0x1  }
0x478: {  	s11 =	simm.s32 $0x15800  }
0x479: {  	[tilespmem:s11], [sflag:$0x3] =	stream.indirect_vreg.gather [hbm4b:s5+s2], $0x80, v4, vm0, $0xb8;
	[tilespmem:$0x19000] =	vst v63  }
0x47a: {  	s24 =	simm.s32 $0x16800  }
0x47b: {  	[tilespmem:s24], [sflag:$0x3] =	stream.indirect_vreg.gather [hbm4b:s5+s2], $0x80, v3, vm0, $0xb8;
	[tilespmem:$0x19000] =	vst v63  }
0x47c: {  	v3 =	vld [tilespmem:$0xDB0];
	_ =	sdelay $0x4  }
0x47d: {  	v31 =	vshll.u32 v3, $0x1  }
0x47e: {  	v3 =	vand.u32 $0x7, v3;
	v4 =	vand.u32 $0xFFFFFFF0, v31  }
0x47f: {  	v3 =	vor.u32 v3, v4  }
0x480: {  	v4 =	vperm.xlane v3, v0;
	_ =	sdelay $0x1  }
0x481: {  	v3 =	vperm.xlane v3, v2;
	v4 =	vadd.s32 v1, v4;
	_ =	sdelay $0x1  }
0x482: {  	v3 =	vadd.s32 v1, v3;
	_ =	sdelay $0x1  }
0x483: {  	s29 =	simm.s32 $0x17800  }
0x484: {  	[tilespmem:s29], [sflag:$0x3] =	stream.indirect_vreg.gather [hbm4b:s5+s2], $0x80, v4, vm0, $0xb8;
	[tilespmem:$0x19000] =	vst v63  }
0x485: {  	s9 =	simm.s32 $0x18800  }
0x486: {  	[tilespmem:s9], [sflag:$0x3] =	stream.indirect_vreg.gather [hbm4b:s5+s2], $0x80, v3, vm0, $0xb8;
	[tilespmem:$0x19000] =	vst v63  }
0x487: {  	_ =	swait.ge [sflag:s31], $0x4000  }
0x488: {  	[sflag:s31] =	ssyncset.done $0x0  }
0x489: {  	[sflag:s31] =	ssyncadd.s32 $0xFFFFC000  }
0x48a: {  	_ =	swait.ge [sflag:s31], $0x4000  }
0x48b: {  	[sflag:s31] =	ssyncset.done $0x0  }
0x48c: {  	s11 =	simm.s32 $0x1000;
	s10 =	rddreg [dreg:$0xd];
	[sflag:s31] =	ssyncadd.s32 $0xFFFFC000  }
0x48d: {  	[hbm4b:s10+s2] =	stream.linear.scatter [tilespmem:s11], [sflag:$0x4], $0x8000, $0x38;
	[tilespmem:$0x19000] =	vst v63  }
0x48e: {  	_ =	swait.ge [sflag:s14], $0x8000  }
0x48f: {  	[sflag:s14] =	ssyncset.done $0x0  }
0x490: {  	[sflag:s14] =	ssyncadd.s32 $0xFFFF8000  }
0x491: {  	v3 =	vld [tilespmem:$0x600];
	_ =	sdelay $0x4  }
0x492: {  	v32 =	vshll.u32 v3, $0x1  }
0x493: {  	v3 =	vand.u32 $0x7, v3;
	v4 =	vand.u32 $0xFFFFFFF0, v32  }
0x494: {  	v3 =	vor.u32 v3, v4  }
0x495: {  	v4 =	vperm.xlane v3, v0;
	_ =	sdelay $0x1  }
0x496: {  	v3 =	vperm.xlane v3, v2;
	v4 =	vadd.s32 v1, v4;
	_ =	sdelay $0x1  }
0x497: {  	v3 =	vadd.s32 v1, v3;
	_ =	sdelay $0x2  }
0x498: {  	[tilespmem:s11], [sflag:$0x1] =	stream.indirect_vreg.gather [hbm4b:s4+s2], $0x80, v4, vm0, $0xb8;
	[tilespmem:$0x19000] =	vst v63  }
0x499: {  	_ = 	snop  }
0x49a: {  	[tilespmem:s17], [sflag:$0x1] =	stream.indirect_vreg.gather [hbm4b:s4+s2], $0x80, v3, vm0, $0xb8;
	[tilespmem:$0x19000] =	vst v63  }
0x49b: {  	v3 =	vld [tilespmem:$0x610];
	_ =	sdelay $0x4  }
0x49c: {  	v33 =	vshll.u32 v3, $0x1  }
0x49d: {  	v3 =	vand.u32 $0x7, v3;
	v4 =	vand.u32 $0xFFFFFFF0, v33  }
0x49e: {  	v3 =	vor.u32 v3, v4  }
0x49f: {  	v4 =	vperm.xlane v3, v0;
	_ =	sdelay $0x1  }
0x4a0: {  	v3 =	vperm.xlane v3, v2;
	v4 =	vadd.s32 v1, v4;
	_ =	sdelay $0x1  }
0x4a1: {  	v3 =	vadd.s32 v1, v3;
	_ =	sdelay $0x2  }
0x4a2: {  	[tilespmem:s21], [sflag:$0x1] =	stream.indirect_vreg.gather [hbm4b:s4+s2], $0x80, v4, vm0, $0xb8;
	[tilespmem:$0x19000] =	vst v63  }
0x4a3: {  	_ = 	snop  }
0x4a4: {  	[tilespmem:s16], [sflag:$0x1] =	stream.indirect_vreg.gather [hbm4b:s4+s2], $0x80, v3, vm0, $0xb8;
	[tilespmem:$0x19000] =	vst v63  }
0x4a5: {  	v3 =	vld [tilespmem:$0x620];
	_ =	sdelay $0x4  }
0x4a6: {  	v34 =	vshll.u32 v3, $0x1  }
0x4a7: {  	v3 =	vand.u32 $0x7, v3;
	v4 =	vand.u32 $0xFFFFFFF0, v34  }
0x4a8: {  	v3 =	vor.u32 v3, v4  }
0x4a9: {  	v4 =	vperm.xlane v3, v0;
	_ =	sdelay $0x1  }
0x4aa: {  	v3 =	vperm.xlane v3, v2;
	v4 =	vadd.s32 v1, v4;
	_ =	sdelay $0x1  }
0x4ab: {  	v3 =	vadd.s32 v1, v3;
	_ =	sdelay $0x2  }
0x4ac: {  	[tilespmem:s22], [sflag:$0x1] =	stream.indirect_vreg.gather [hbm4b:s4+s2], $0x80, v4, vm0, $0xb8;
	[tilespmem:$0x19000] =	vst v63  }
0x4ad: {  	_ = 	snop  }
0x4ae: {  	[tilespmem:s18], [sflag:$0x1] =	stream.indirect_vreg.gather [hbm4b:s4+s2], $0x80, v3, vm0, $0xb8;
	[tilespmem:$0x19000] =	vst v63  }
0x4af: {  	v3 =	vld [tilespmem:$0x630];
	_ =	sdelay $0x4  }
0x4b0: {  	v35 =	vshll.u32 v3, $0x1  }
0x4b1: {  	v3 =	vand.u32 $0x7, v3;
	v4 =	vand.u32 $0xFFFFFFF0, v35  }
0x4b2: {  	v3 =	vor.u32 v3, v4  }
0x4b3: {  	v4 =	vperm.xlane v3, v0;
	_ =	sdelay $0x1  }
0x4b4: {  	v3 =	vperm.xlane v3, v2;
	v4 =	vadd.s32 v1, v4;
	_ =	sdelay $0x1  }
0x4b5: {  	v3 =	vadd.s32 v1, v3;
	_ =	sdelay $0x2  }
0x4b6: {  	[tilespmem:s7], [sflag:$0x1] =	stream.indirect_vreg.gather [hbm4b:s4+s2], $0x80, v4, vm0, $0xb8;
	[tilespmem:$0x19000] =	vst v63  }
0x4b7: {  	_ = 	snop  }
0x4b8: {  	[tilespmem:s19], [sflag:$0x1] =	stream.indirect_vreg.gather [hbm4b:s4+s2], $0x80, v3, vm0, $0xb8;
	[tilespmem:$0x19000] =	vst v63  }
0x4b9: {  	v3 =	vld [tilespmem:$0xE00];
	_ =	sdelay $0x4  }
0x4ba: {  	v36 =	vshll.u32 v3, $0x1  }
0x4bb: {  	v3 =	vand.u32 $0x7, v3;
	v4 =	vand.u32 $0xFFFFFFF0, v36  }
0x4bc: {  	v3 =	vor.u32 v3, v4  }
0x4bd: {  	v4 =	vperm.xlane v3, v0;
	_ =	sdelay $0x1  }
0x4be: {  	v3 =	vperm.xlane v3, v2;
	v4 =	vadd.s32 v1, v4;
	_ =	sdelay $0x1  }
0x4bf: {  	v3 =	vadd.s32 v1, v3;
	_ =	sdelay $0x2  }
0x4c0: {  	[tilespmem:s30], [sflag:$0x1] =	stream.indirect_vreg.gather [hbm4b:s5+s2], $0x80, v4, vm0, $0xb8;
	[tilespmem:$0x19000] =	vst v63  }
0x4c1: {  	s22 =	simm.s32 $0x2800  }
0x4c2: {  	[tilespmem:s22], [sflag:$0x1] =	stream.indirect_vreg.gather [hbm4b:s5+s2], $0x80, v3, vm0, $0xb8;
	[tilespmem:$0x19000] =	vst v63  }
0x4c3: {  	v3 =	vld [tilespmem:$0xE10];
	_ =	sdelay $0x4  }
0x4c4: {  	v37 =	vshll.u32 v3, $0x1  }
0x4c5: {  	v3 =	vand.u32 $0x7, v3;
	v4 =	vand.u32 $0xFFFFFFF0, v37  }
0x4c6: {  	v3 =	vor.u32 v3, v4  }
0x4c7: {  	v4 =	vperm.xlane v3, v0;
	_ =	sdelay $0x1  }
0x4c8: {  	v3 =	vperm.xlane v3, v2;
	v4 =	vadd.s32 v1, v4;
	_ =	sdelay $0x1  }
0x4c9: {  	v3 =	vadd.s32 v1, v3;
	_ =	sdelay $0x1  }
0x4ca: {  	s29 =	simm.s32 $0x3800  }
0x4cb: {  	[tilespmem:s29], [sflag:$0x1] =	stream.indirect_vreg.gather [hbm4b:s5+s2], $0x80, v4, vm0, $0xb8;
	[tilespmem:$0x19000] =	vst v63  }
0x4cc: {  	s30 =	simm.s32 $0x4800  }
0x4cd: {  	[tilespmem:s30], [sflag:$0x1] =	stream.indirect_vreg.gather [hbm4b:s5+s2], $0x80, v3, vm0, $0xb8;
	[tilespmem:$0x19000] =	vst v63  }
0x4ce: {  	v3 =	vld [tilespmem:$0xE20];
	_ =	sdelay $0x4  }
0x4cf: {  	v38 =	vshll.u32 v3, $0x1  }
0x4d0: {  	v3 =	vand.u32 $0x7, v3;
	v4 =	vand.u32 $0xFFFFFFF0, v38  }
0x4d1: {  	v3 =	vor.u32 v3, v4  }
0x4d2: {  	v4 =	vperm.xlane v3, v0;
	_ =	sdelay $0x1  }
0x4d3: {  	v3 =	vperm.xlane v3, v2;
	v4 =	vadd.s32 v1, v4;
	_ =	sdelay $0x1  }
0x4d4: {  	v3 =	vadd.s32 v1, v3;
	_ =	sdelay $0x2  }
0x4d5: {  	[tilespmem:s12], [sflag:$0x1] =	stream.indirect_vreg.gather [hbm4b:s5+s2], $0x80, v4, vm0, $0xb8;
	[tilespmem:$0x19000] =	vst v63  }
0x4d6: {  	_ = 	snop  }
0x4d7: {  	[tilespmem:s15], [sflag:$0x1] =	stream.indirect_vreg.gather [hbm4b:s5+s2], $0x80, v3, vm0, $0xb8;
	[tilespmem:$0x19000] =	vst v63  }
0x4d8: {  	v3 =	vld [tilespmem:$0xE30];
	_ =	sdelay $0x4  }
0x4d9: {  	v39 =	vshll.u32 v3, $0x1  }
0x4da: {  	v3 =	vand.u32 $0x7, v3;
	v4 =	vand.u32 $0xFFFFFFF0, v39  }
0x4db: {  	v3 =	vor.u32 v3, v4  }
0x4dc: {  	v4 =	vperm.xlane v3, v0;
	_ =	sdelay $0x1  }
0x4dd: {  	v3 =	vperm.xlane v3, v2;
	v4 =	vadd.s32 v1, v4;
	_ =	sdelay $0x1  }
0x4de: {  	v3 =	vadd.s32 v1, v3;
	_ =	sdelay $0x2  }
0x4df: {  	[tilespmem:s13], [sflag:$0x1] =	stream.indirect_vreg.gather [hbm4b:s5+s2], $0x80, v4, vm0, $0xb8;
	[tilespmem:$0x19000] =	vst v63  }
0x4e0: {  	_ = 	snop  }
0x4e1: {  	[tilespmem:s20], [sflag:$0x1] =	stream.indirect_vreg.gather [hbm4b:s5+s2], $0x80, v3, vm0, $0xb8;
	[tilespmem:$0x19000] =	vst v63  }
0x4e2: {  	_ =	swait.ge [sflag:s3], $0x4000  }
0x4e3: {  	[sflag:s3] =	ssyncset.done $0x0  }
0x4e4: {  	[sflag:s3] =	ssyncadd.s32 $0xFFFFC000  }
0x4e5: {  	_ =	swait.ge [sflag:s3], $0x4000  }
0x4e6: {  	[sflag:s3] =	ssyncset.done $0x0  }
0x4e7: {  	s30 =	simm.s32 $0x9000;
	s29 =	rddreg [dreg:$0xe];
	[sflag:s3] =	ssyncadd.s32 $0xFFFFC000  }
0x4e8: {  	[hbm4b:s29+s2] =	stream.linear.scatter [tilespmem:s30], [sflag:$0x5], $0x8000, $0x38;
	[tilespmem:$0x19000] =	vst v63  }
0x4e9: {  	_ =	swait.ge [sflag:s28], $0x8000  }
0x4ea: {  	[sflag:s28] =	ssyncset.done $0x0  }
0x4eb: {  	[sflag:s28] =	ssyncadd.s32 $0xFFFF8000  }
0x4ec: {  	v3 =	vld [tilespmem:$0x680];
	_ =	sdelay $0x4  }
0x4ed: {  	v40 =	vshll.u32 v3, $0x1  }
0x4ee: {  	v3 =	vand.u32 $0x7, v3;
	v4 =	vand.u32 $0xFFFFFFF0, v40  }
0x4ef: {  	v3 =	vor.u32 v3, v4  }
0x4f0: {  	v4 =	vperm.xlane v3, v0;
	_ =	sdelay $0x1  }
0x4f1: {  	v3 =	vperm.xlane v3, v2;
	v4 =	vadd.s32 v1, v4;
	_ =	sdelay $0x1  }
0x4f2: {  	v3 =	vadd.s32 v1, v3;
	_ =	sdelay $0x2  }
0x4f3: {  	[tilespmem:s30], [sflag:$0x2] =	stream.indirect_vreg.gather [hbm4b:s4+s2], $0x80, v4, vm0, $0xb8;
	[tilespmem:$0x19000] =	vst v63  }
0x4f4: {  	s29 =	simm.s32 $0xA000  }
0x4f5: {  	[tilespmem:s29], [sflag:$0x2] =	stream.indirect_vreg.gather [hbm4b:s4+s2], $0x80, v3, vm0, $0xb8;
	[tilespmem:$0x19000] =	vst v63  }
0x4f6: {  	v3 =	vld [tilespmem:$0x690];
	_ =	sdelay $0x4  }
0x4f7: {  	v41 =	vshll.u32 v3, $0x1  }
0x4f8: {  	v3 =	vand.u32 $0x7, v3;
	v4 =	vand.u32 $0xFFFFFFF0, v41  }
0x4f9: {  	v3 =	vor.u32 v3, v4  }
0x4fa: {  	v4 =	vperm.xlane v3, v0;
	_ =	sdelay $0x1  }
0x4fb: {  	v3 =	vperm.xlane v3, v2;
	v4 =	vadd.s32 v1, v4;
	_ =	sdelay $0x1  }
0x4fc: {  	v3 =	vadd.s32 v1, v3;
	_ =	sdelay $0x1  }
0x4fd: {  	s29 =	simm.s32 $0xB000  }
0x4fe: {  	[tilespmem:s29], [sflag:$0x2] =	stream.indirect_vreg.gather [hbm4b:s4+s2], $0x80, v4, vm0, $0xb8;
	[tilespmem:$0x19000] =	vst v63  }
0x4ff: {  	s29 =	simm.s32 $0xC000  }
0x500: {  	[tilespmem:s29], [sflag:$0x2] =	stream.indirect_vreg.gather [hbm4b:s4+s2], $0x80, v3, vm0, $0xb8;
	[tilespmem:$0x19000] =	vst v63  }
0x501: {  	v3 =	vld [tilespmem:$0x6A0];
	_ =	sdelay $0x4  }
0x502: {  	v42 =	vshll.u32 v3, $0x1  }
0x503: {  	v3 =	vand.u32 $0x7, v3;
	v4 =	vand.u32 $0xFFFFFFF0, v42  }
0x504: {  	v3 =	vor.u32 v3, v4  }
0x505: {  	v4 =	vperm.xlane v3, v0;
	_ =	sdelay $0x1  }
0x506: {  	v3 =	vperm.xlane v3, v2;
	v4 =	vadd.s32 v1, v4;
	_ =	sdelay $0x1  }
0x507: {  	v3 =	vadd.s32 v1, v3;
	_ =	sdelay $0x1  }
0x508: {  	s29 =	simm.s32 $0xD000  }
0x509: {  	[tilespmem:s29], [sflag:$0x2] =	stream.indirect_vreg.gather [hbm4b:s4+s2], $0x80, v4, vm0, $0xb8;
	[tilespmem:$0x19000] =	vst v63  }
0x50a: {  	s29 =	simm.s32 $0xE000  }
0x50b: {  	[tilespmem:s29], [sflag:$0x2] =	stream.indirect_vreg.gather [hbm4b:s4+s2], $0x80, v3, vm0, $0xb8;
	[tilespmem:$0x19000] =	vst v63  }
0x50c: {  	v3 =	vld [tilespmem:$0x6B0];
	_ =	sdelay $0x4  }
0x50d: {  	v43 =	vshll.u32 v3, $0x1  }
0x50e: {  	v3 =	vand.u32 $0x7, v3;
	v4 =	vand.u32 $0xFFFFFFF0, v43  }
0x50f: {  	v3 =	vor.u32 v3, v4  }
0x510: {  	v4 =	vperm.xlane v3, v0;
	_ =	sdelay $0x1  }
0x511: {  	v3 =	vperm.xlane v3, v2;
	v4 =	vadd.s32 v1, v4;
	_ =	sdelay $0x1  }
0x512: {  	v3 =	vadd.s32 v1, v3;
	_ =	sdelay $0x1  }
0x513: {  	s29 =	simm.s32 $0xF000  }
0x514: {  	[tilespmem:s29], [sflag:$0x2] =	stream.indirect_vreg.gather [hbm4b:s4+s2], $0x80, v4, vm0, $0xb8;
	[tilespmem:$0x19000] =	vst v63  }
0x515: {  	s29 =	simm.s32 $0x10000  }
0x516: {  	[tilespmem:s29], [sflag:$0x2] =	stream.indirect_vreg.gather [hbm4b:s4+s2], $0x80, v3, vm0, $0xb8;
	[tilespmem:$0x19000] =	vst v63  }
0x517: {  	v3 =	vld [tilespmem:$0xE80];
	_ =	sdelay $0x4  }
0x518: {  	v44 =	vshll.u32 v3, $0x1  }
0x519: {  	v3 =	vand.u32 $0x7, v3;
	v4 =	vand.u32 $0xFFFFFFF0, v44  }
0x51a: {  	v3 =	vor.u32 v3, v4  }
0x51b: {  	v4 =	vperm.xlane v3, v0;
	_ =	sdelay $0x1  }
0x51c: {  	v3 =	vperm.xlane v3, v2;
	v4 =	vadd.s32 v1, v4;
	_ =	sdelay $0x1  }
0x51d: {  	v3 =	vadd.s32 v1, v3;
	_ =	sdelay $0x1  }
0x51e: {  	s29 =	simm.s32 $0x9800  }
0x51f: {  	[tilespmem:s29], [sflag:$0x2] =	stream.indirect_vreg.gather [hbm4b:s5+s2], $0x80, v4, vm0, $0xb8;
	[tilespmem:$0x19000] =	vst v63  }
0x520: {  	s29 =	simm.s32 $0xA800  }
0x521: {  	[tilespmem:s29], [sflag:$0x2] =	stream.indirect_vreg.gather [hbm4b:s5+s2], $0x80, v3, vm0, $0xb8;
	[tilespmem:$0x19000] =	vst v63  }
0x522: {  	v3 =	vld [tilespmem:$0xE90];
	_ =	sdelay $0x4  }
0x523: {  	v45 =	vshll.u32 v3, $0x1  }
0x524: {  	v3 =	vand.u32 $0x7, v3;
	v4 =	vand.u32 $0xFFFFFFF0, v45  }
0x525: {  	v3 =	vor.u32 v3, v4  }
0x526: {  	v4 =	vperm.xlane v3, v0;
	_ =	sdelay $0x1  }
0x527: {  	v3 =	vperm.xlane v3, v2;
	v4 =	vadd.s32 v1, v4;
	_ =	sdelay $0x1  }
0x528: {  	v3 =	vadd.s32 v1, v3;
	_ =	sdelay $0x1  }
0x529: {  	s25 =	simm.s32 $0xB800  }
0x52a: {  	[tilespmem:s25], [sflag:$0x2] =	stream.indirect_vreg.gather [hbm4b:s5+s2], $0x80, v4, vm0, $0xb8;
	[tilespmem:$0x19000] =	vst v63  }
0x52b: {  	s29 =	simm.s32 $0xC800  }
0x52c: {  	[tilespmem:s29], [sflag:$0x2] =	stream.indirect_vreg.gather [hbm4b:s5+s2], $0x80, v3, vm0, $0xb8;
	[tilespmem:$0x19000] =	vst v63  }
0x52d: {  	v3 =	vld [tilespmem:$0xEA0];
	_ =	sdelay $0x4  }
0x52e: {  	v46 =	vshll.u32 v3, $0x1  }
0x52f: {  	v3 =	vand.u32 $0x7, v3;
	v4 =	vand.u32 $0xFFFFFFF0, v46  }
0x530: {  	v3 =	vor.u32 v3, v4  }
0x531: {  	v4 =	vperm.xlane v3, v0;
	_ =	sdelay $0x1  }
0x532: {  	v3 =	vperm.xlane v3, v2;
	v4 =	vadd.s32 v1, v4;
	_ =	sdelay $0x1  }
0x533: {  	v3 =	vadd.s32 v1, v3;
	_ =	sdelay $0x1  }
0x534: {  	s29 =	simm.s32 $0xD800  }
0x535: {  	[tilespmem:s29], [sflag:$0x2] =	stream.indirect_vreg.gather [hbm4b:s5+s2], $0x80, v4, vm0, $0xb8;
	[tilespmem:$0x19000] =	vst v63  }
0x536: {  	s29 =	simm.s32 $0xE800  }
0x537: {  	[tilespmem:s29], [sflag:$0x2] =	stream.indirect_vreg.gather [hbm4b:s5+s2], $0x80, v3, vm0, $0xb8;
	[tilespmem:$0x19000] =	vst v63  }
0x538: {  	v3 =	vld [tilespmem:$0xEB0];
	_ =	sdelay $0x4  }
0x539: {  	v47 =	vshll.u32 v3, $0x1  }
0x53a: {  	v3 =	vand.u32 $0x7, v3;
	v4 =	vand.u32 $0xFFFFFFF0, v47  }
0x53b: {  	v3 =	vor.u32 v3, v4  }
0x53c: {  	v4 =	vperm.xlane v3, v0;
	_ =	sdelay $0x1  }
0x53d: {  	v3 =	vperm.xlane v3, v2;
	v4 =	vadd.s32 v1, v4;
	_ =	sdelay $0x1  }
0x53e: {  	v3 =	vadd.s32 v1, v3;
	_ =	sdelay $0x1  }
0x53f: {  	s29 =	simm.s32 $0xF800  }
0x540: {  	[tilespmem:s29], [sflag:$0x2] =	stream.indirect_vreg.gather [hbm4b:s5+s2], $0x80, v4, vm0, $0xb8;
	[tilespmem:$0x19000] =	vst v63  }
0x541: {  	s29 =	simm.s32 $0x10800  }
0x542: {  	[tilespmem:s29], [sflag:$0x2] =	stream.indirect_vreg.gather [hbm4b:s5+s2], $0x80, v3, vm0, $0xb8;
	[tilespmem:$0x19000] =	vst v63  }
0x543: {  	_ =	swait.ge [sflag:s26], $0x4000  }
0x544: {  	[sflag:s26] =	ssyncset.done $0x0  }
0x545: {  	[sflag:s26] =	ssyncadd.s32 $0xFFFFC000  }
0x546: {  	_ =	swait.ge [sflag:s26], $0x4000  }
0x547: {  	[sflag:s26] =	ssyncset.done $0x0  }
0x548: {  	s23 =	simm.s32 $0x11000;
	s25 =	rddreg [dreg:$0xf];
	[sflag:s26] =	ssyncadd.s32 $0xFFFFC000  }
0x549: {  	[hbm4b:s25+s2] =	stream.linear.scatter [tilespmem:s23], [sflag:$0x6], $0x8000, $0x38;
	[tilespmem:$0x19000] =	vst v63  }
0x54a: {  	_ =	swait.ge [sflag:s0], $0x8000  }
0x54b: {  	[sflag:s0] =	ssyncset.done $0x0  }
0x54c: {  	[sflag:s0] =	ssyncadd.s32 $0xFFFF8000  }
0x54d: {  	v3 =	vld [tilespmem:$0x700];
	_ =	sdelay $0x4  }
0x54e: {  	v48 =	vshll.u32 v3, $0x1  }
0x54f: {  	v3 =	vand.u32 $0x7, v3;
	v4 =	vand.u32 $0xFFFFFFF0, v48  }
0x550: {  	v3 =	vor.u32 v3, v4  }
0x551: {  	v4 =	vperm.xlane v3, v0;
	_ =	sdelay $0x1  }
0x552: {  	v3 =	vperm.xlane v3, v2;
	v4 =	vadd.s32 v1, v4;
	_ =	sdelay $0x1  }
0x553: {  	v3 =	vadd.s32 v1, v3;
	_ =	sdelay $0x2  }
0x554: {  	[tilespmem:s23], [sflag:$0x3] =	stream.indirect_vreg.gather [hbm4b:s4+s2], $0x80, v4, vm0, $0xb8;
	[tilespmem:$0x19000] =	vst v63  }
0x555: {  	s29 =	simm.s32 $0x12000  }
0x556: {  	[tilespmem:s29], [sflag:$0x3] =	stream.indirect_vreg.gather [hbm4b:s4+s2], $0x80, v3, vm0, $0xb8;
	[tilespmem:$0x19000] =	vst v63  }
0x557: {  	v3 =	vld [tilespmem:$0x710];
	_ =	sdelay $0x4  }
0x558: {  	v49 =	vshll.u32 v3, $0x1  }
0x559: {  	v3 =	vand.u32 $0x7, v3;
	v4 =	vand.u32 $0xFFFFFFF0, v49  }
0x55a: {  	v3 =	vor.u32 v3, v4  }
0x55b: {  	v4 =	vperm.xlane v3, v0;
	_ =	sdelay $0x1  }
0x55c: {  	v3 =	vperm.xlane v3, v2;
	v4 =	vadd.s32 v1, v4;
	_ =	sdelay $0x1  }
0x55d: {  	v3 =	vadd.s32 v1, v3;
	_ =	sdelay $0x1  }
0x55e: {  	s29 =	simm.s32 $0x13000  }
0x55f: {  	[tilespmem:s29], [sflag:$0x3] =	stream.indirect_vreg.gather [hbm4b:s4+s2], $0x80, v4, vm0, $0xb8;
	[tilespmem:$0x19000] =	vst v63  }
0x560: {  	s29 =	simm.s32 $0x14000  }
0x561: {  	[tilespmem:s29], [sflag:$0x3] =	stream.indirect_vreg.gather [hbm4b:s4+s2], $0x80, v3, vm0, $0xb8;
	[tilespmem:$0x19000] =	vst v63  }
0x562: {  	v3 =	vld [tilespmem:$0x720];
	_ =	sdelay $0x4  }
0x563: {  	v50 =	vshll.u32 v3, $0x1  }
0x564: {  	v3 =	vand.u32 $0x7, v3;
	v4 =	vand.u32 $0xFFFFFFF0, v50  }
0x565: {  	v3 =	vor.u32 v3, v4  }
0x566: {  	v4 =	vperm.xlane v3, v0;
	_ =	sdelay $0x1  }
0x567: {  	v3 =	vperm.xlane v3, v2;
	v4 =	vadd.s32 v1, v4;
	_ =	sdelay $0x1  }
0x568: {  	v3 =	vadd.s32 v1, v3;
	_ =	sdelay $0x1  }
0x569: {  	s29 =	simm.s32 $0x15000  }
0x56a: {  	[tilespmem:s29], [sflag:$0x3] =	stream.indirect_vreg.gather [hbm4b:s4+s2], $0x80, v4, vm0, $0xb8;
	[tilespmem:$0x19000] =	vst v63  }
0x56b: {  	s6 =	simm.s32 $0x16000  }
0x56c: {  	[tilespmem:s6], [sflag:$0x3] =	stream.indirect_vreg.gather [hbm4b:s4+s2], $0x80, v3, vm0, $0xb8;
	[tilespmem:$0x19000] =	vst v63  }
0x56d: {  	v3 =	vld [tilespmem:$0x730];
	_ =	sdelay $0x4  }
0x56e: {  	v51 =	vshll.u32 v3, $0x1  }
0x56f: {  	v3 =	vand.u32 $0x7, v3;
	v4 =	vand.u32 $0xFFFFFFF0, v51  }
0x570: {  	v3 =	vor.u32 v3, v4  }
0x571: {  	v4 =	vperm.xlane v3, v0;
	_ =	sdelay $0x1  }
0x572: {  	v3 =	vperm.xlane v3, v2;
	v4 =	vadd.s32 v1, v4;
	_ =	sdelay $0x1  }
0x573: {  	v3 =	vadd.s32 v1, v3;
	_ =	sdelay $0x1  }
0x574: {  	s29 =	simm.s32 $0x17000  }
0x575: {  	[tilespmem:s29], [sflag:$0x3] =	stream.indirect_vreg.gather [hbm4b:s4+s2], $0x80, v4, vm0, $0xb8;
	[tilespmem:$0x19000] =	vst v63  }
0x576: {  	s8 =	simm.s32 $0x18000  }
0x577: {  	[tilespmem:s8], [sflag:$0x3] =	stream.indirect_vreg.gather [hbm4b:s4+s2], $0x80, v3, vm0, $0xb8;
	[tilespmem:$0x19000] =	vst v63  }
0x578: {  	v3 =	vld [tilespmem:$0xF00];
	_ =	sdelay $0x4  }
0x579: {  	v52 =	vshll.u32 v3, $0x1  }
0x57a: {  	v3 =	vand.u32 $0x7, v3;
	v4 =	vand.u32 $0xFFFFFFF0, v52  }
0x57b: {  	v3 =	vor.u32 v3, v4  }
0x57c: {  	v4 =	vperm.xlane v3, v0;
	_ =	sdelay $0x1  }
0x57d: {  	v3 =	vperm.xlane v3, v2;
	v4 =	vadd.s32 v1, v4;
	_ =	sdelay $0x1  }
0x57e: {  	v3 =	vadd.s32 v1, v3;
	_ =	sdelay $0x1  }
0x57f: {  	s25 =	simm.s32 $0x11800  }
0x580: {  	[tilespmem:s25], [sflag:$0x3] =	stream.indirect_vreg.gather [hbm4b:s5+s2], $0x80, v4, vm0, $0xb8;
	[tilespmem:$0x19000] =	vst v63  }
0x581: {  	s29 =	simm.s32 $0x12800  }
0x582: {  	[tilespmem:s29], [sflag:$0x3] =	stream.indirect_vreg.gather [hbm4b:s5+s2], $0x80, v3, vm0, $0xb8;
	[tilespmem:$0x19000] =	vst v63  }
0x583: {  	v3 =	vld [tilespmem:$0xF10];
	_ =	sdelay $0x4  }
0x584: {  	v53 =	vshll.u32 v3, $0x1  }
0x585: {  	v3 =	vand.u32 $0x7, v3;
	v4 =	vand.u32 $0xFFFFFFF0, v53  }
0x586: {  	v3 =	vor.u32 v3, v4  }
0x587: {  	v4 =	vperm.xlane v3, v0;
	_ =	sdelay $0x1  }
0x588: {  	v3 =	vperm.xlane v3, v2;
	v4 =	vadd.s32 v1, v4;
	_ =	sdelay $0x1  }
0x589: {  	v3 =	vadd.s32 v1, v3;
	_ =	sdelay $0x1  }
0x58a: {  	s8 =	simm.s32 $0x13800  }
0x58b: {  	[tilespmem:s8], [sflag:$0x3] =	stream.indirect_vreg.gather [hbm4b:s5+s2], $0x80, v4, vm0, $0xb8;
	[tilespmem:$0x19000] =	vst v63  }
0x58c: {  	s25 =	simm.s32 $0x14800  }
0x58d: {  	[tilespmem:s25], [sflag:$0x3] =	stream.indirect_vreg.gather [hbm4b:s5+s2], $0x80, v3, vm0, $0xb8;
	[tilespmem:$0x19000] =	vst v63  }
0x58e: {  	v3 =	vld [tilespmem:$0xF20];
	_ =	sdelay $0x4  }
0x58f: {  	v54 =	vshll.u32 v3, $0x1  }
0x590: {  	v3 =	vand.u32 $0x7, v3;
	v4 =	vand.u32 $0xFFFFFFF0, v54  }
0x591: {  	v3 =	vor.u32 v3, v4  }
0x592: {  	v4 =	vperm.xlane v3, v0;
	_ =	sdelay $0x1  }
0x593: {  	v3 =	vperm.xlane v3, v2;
	v4 =	vadd.s32 v1, v4;
	_ =	sdelay $0x1  }
0x594: {  	v3 =	vadd.s32 v1, v3;
	_ =	sdelay $0x1  }
0x595: {  	s29 =	simm.s32 $0x15800  }
0x596: {  	[tilespmem:s29], [sflag:$0x3] =	stream.indirect_vreg.gather [hbm4b:s5+s2], $0x80, v4, vm0, $0xb8;
	[tilespmem:$0x19000] =	vst v63  }
0x597: {  	s8 =	simm.s32 $0x16800  }
0x598: {  	[tilespmem:s8], [sflag:$0x3] =	stream.indirect_vreg.gather [hbm4b:s5+s2], $0x80, v3, vm0, $0xb8;
	[tilespmem:$0x19000] =	vst v63  }
0x599: {  	v3 =	vld [tilespmem:$0xF30];
	_ =	sdelay $0x4  }
0x59a: {  	v55 =	vshll.u32 v3, $0x1  }
0x59b: {  	v3 =	vand.u32 $0x7, v3;
	v4 =	vand.u32 $0xFFFFFFF0, v55  }
0x59c: {  	v3 =	vor.u32 v3, v4  }
0x59d: {  	v4 =	vperm.xlane v3, v0;
	_ =	sdelay $0x1  }
0x59e: {  	v3 =	vperm.xlane v3, v2;
	v4 =	vadd.s32 v1, v4;
	_ =	sdelay $0x1  }
0x59f: {  	v3 =	vadd.s32 v1, v3;
	_ =	sdelay $0x1  }
0x5a0: {  	s25 =	simm.s32 $0x17800  }
0x5a1: {  	[tilespmem:s25], [sflag:$0x3] =	stream.indirect_vreg.gather [hbm4b:s5+s2], $0x80, v4, vm0, $0xb8;
	[tilespmem:$0x19000] =	vst v63  }
0x5a2: {  	s29 =	simm.s32 $0x18800  }
0x5a3: {  	[tilespmem:s29], [sflag:$0x3] =	stream.indirect_vreg.gather [hbm4b:s5+s2], $0x80, v3, vm0, $0xb8;
	[tilespmem:$0x19000] =	vst v63  }
0x5a4: {  	s6 =	rddreg [dreg:$0x16];
	_ =	swait.ge [sflag:s31], $0x4000  }
0x5a5: {  	[sflag:s31] =	ssyncset.done $0x0  }
0x5a6: {  	[sflag:s31] =	ssyncadd.s32 $0xFFFFC000  }
0x5a7: {  	_ =	swait.ge [sflag:s31], $0x4000  }
0x5a8: {  	[sflag:s31] =	ssyncset.done $0x0  }
0x5a9: {  	s1 =	simm.s32 $0x1000;
	s8 =	rddreg [dreg:$0x10];
	[sflag:s31] =	ssyncadd.s32 $0xFFFFC000  }
0x5aa: {  	[hbm4b:s8+s2] =	stream.linear.scatter [tilespmem:s1], [sflag:$0x4], $0x8000, $0x38;
	[tilespmem:$0x19000] =	vst v63  }
0x5ab: {  	_ =	swait.ge [sflag:s14], $0x8000  }
0x5ac: {  	[sflag:s14] =	ssyncset.done $0x0  }
0x5ad: {  	[sflag:s14] =	ssyncadd.s32 $0xFFFF8000  }
0x5ae: {  	v3 =	vld [tilespmem:$0x780];
	_ =	sdelay $0x4  }
0x5af: {  	v56 =	vshll.u32 v3, $0x1  }
0x5b0: {  	v3 =	vand.u32 $0x7, v3;
	v4 =	vand.u32 $0xFFFFFFF0, v56  }
0x5b1: {  	v3 =	vor.u32 v3, v4  }
0x5b2: {  	v4 =	vperm.xlane v3, v0;
	_ =	sdelay $0x1  }
0x5b3: {  	v3 =	vperm.xlane v3, v2;
	v4 =	vadd.s32 v1, v4;
	_ =	sdelay $0x1  }
0x5b4: {  	v3 =	vadd.s32 v1, v3;
	_ =	sdelay $0x2  }
0x5b5: {  	[tilespmem:s1], [sflag:$0x1] =	stream.indirect_vreg.gather [hbm4b:s4+s2], $0x80, v4, vm0, $0xb8;
	[tilespmem:$0x19000] =	vst v63  }
0x5b6: {  	s24 =	simm.s32 $0x2000  }
0x5b7: {  	[tilespmem:s24], [sflag:$0x1] =	stream.indirect_vreg.gather [hbm4b:s4+s2], $0x80, v3, vm0, $0xb8;
	[tilespmem:$0x19000] =	vst v63  }
0x5b8: {  	v3 =	vld [tilespmem:$0x790];
	_ =	sdelay $0x4  }
0x5b9: {  	v57 =	vshll.u32 v3, $0x1  }
0x5ba: {  	v3 =	vand.u32 $0x7, v3;
	v4 =	vand.u32 $0xFFFFFFF0, v57  }
0x5bb: {  	v3 =	vor.u32 v3, v4  }
0x5bc: {  	v4 =	vperm.xlane v3, v0;
	_ =	sdelay $0x1  }
0x5bd: {  	v3 =	vperm.xlane v3, v2;
	v4 =	vadd.s32 v1, v4;
	_ =	sdelay $0x1  }
0x5be: {  	v3 =	vadd.s32 v1, v3;
	_ =	sdelay $0x1  }
0x5bf: {  	s21 =	simm.s32 $0x3000  }
0x5c0: {  	[tilespmem:s21], [sflag:$0x1] =	stream.indirect_vreg.gather [hbm4b:s4+s2], $0x80, v4, vm0, $0xb8;
	[tilespmem:$0x19000] =	vst v63  }
0x5c1: {  	s16 =	simm.s32 $0x4000  }
0x5c2: {  	[tilespmem:s16], [sflag:$0x1] =	stream.indirect_vreg.gather [hbm4b:s4+s2], $0x80, v3, vm0, $0xb8;
	[tilespmem:$0x19000] =	vst v63  }
0x5c3: {  	v3 =	vld [tilespmem:$0x7A0];
	_ =	sdelay $0x4  }
0x5c4: {  	v58 =	vshll.u32 v3, $0x1  }
0x5c5: {  	v3 =	vand.u32 $0x7, v3;
	v4 =	vand.u32 $0xFFFFFFF0, v58  }
0x5c6: {  	v3 =	vor.u32 v3, v4  }
0x5c7: {  	v4 =	vperm.xlane v3, v0;
	_ =	sdelay $0x1  }
0x5c8: {  	v3 =	vperm.xlane v3, v2;
	v4 =	vadd.s32 v1, v4;
	_ =	sdelay $0x1  }
0x5c9: {  	v3 =	vadd.s32 v1, v3;
	_ =	sdelay $0x1  }
0x5ca: {  	s17 =	simm.s32 $0x5000  }
0x5cb: {  	[tilespmem:s17], [sflag:$0x1] =	stream.indirect_vreg.gather [hbm4b:s4+s2], $0x80, v4, vm0, $0xb8;
	[tilespmem:$0x19000] =	vst v63  }
0x5cc: {  	s18 =	simm.s32 $0x6000  }
0x5cd: {  	[tilespmem:s18], [sflag:$0x1] =	stream.indirect_vreg.gather [hbm4b:s4+s2], $0x80, v3, vm0, $0xb8;
	[tilespmem:$0x19000] =	vst v63  }
0x5ce: {  	v3 =	vld [tilespmem:$0x7B0];
	_ =	sdelay $0x4  }
0x5cf: {  	v59 =	vshll.u32 v3, $0x1  }
0x5d0: {  	v3 =	vand.u32 $0x7, v3;
	v4 =	vand.u32 $0xFFFFFFF0, v59  }
0x5d1: {  	v3 =	vor.u32 v3, v4  }
0x5d2: {  	v4 =	vperm.xlane v3, v0;
	_ =	sdelay $0x1  }
0x5d3: {  	v3 =	vperm.xlane v3, v2;
	v4 =	vadd.s32 v1, v4;
	_ =	sdelay $0x1  }
0x5d4: {  	v3 =	vadd.s32 v1, v3;
	_ =	sdelay $0x1  }
0x5d5: {  	s7 =	simm.s32 $0x7000  }
0x5d6: {  	[tilespmem:s7], [sflag:$0x1] =	stream.indirect_vreg.gather [hbm4b:s4+s2], $0x80, v4, vm0, $0xb8;
	[tilespmem:$0x19000] =	vst v63  }
0x5d7: {  	s19 =	simm.s32 $0x8000  }
0x5d8: {  	[tilespmem:s19], [sflag:$0x1] =	stream.indirect_vreg.gather [hbm4b:s4+s2], $0x80, v3, vm0, $0xb8;
	[tilespmem:$0x19000] =	vst v63  }
0x5d9: {  	v3 =	vld [tilespmem:$0xF80];
	_ =	sdelay $0x4  }
0x5da: {  	v60 =	vshll.u32 v3, $0x1  }
0x5db: {  	v3 =	vand.u32 $0x7, v3;
	v4 =	vand.u32 $0xFFFFFFF0, v60  }
0x5dc: {  	v3 =	vor.u32 v3, v4  }
0x5dd: {  	v4 =	vperm.xlane v3, v0;
	_ =	sdelay $0x1  }
0x5de: {  	v3 =	vperm.xlane v3, v2;
	v4 =	vadd.s32 v1, v4;
	_ =	sdelay $0x1  }
0x5df: {  	v3 =	vadd.s32 v1, v3;
	_ =	sdelay $0x1  }
0x5e0: {  	s10 =	simm.s32 $0x1800  }
0x5e1: {  	[tilespmem:s10], [sflag:$0x1] =	stream.indirect_vreg.gather [hbm4b:s5+s2], $0x80, v4, vm0, $0xb8;
	[tilespmem:$0x19000] =	vst v63  }
0x5e2: {  	s22 =	simm.s32 $0x2800  }
0x5e3: {  	[tilespmem:s22], [sflag:$0x1] =	stream.indirect_vreg.gather [hbm4b:s5+s2], $0x80, v3, vm0, $0xb8;
	[tilespmem:$0x19000] =	vst v63  }
0x5e4: {  	v3 =	vld [tilespmem:$0xF90];
	_ =	sdelay $0x4  }
0x5e5: {  	v61 =	vshll.u32 v3, $0x1  }
0x5e6: {  	v3 =	vand.u32 $0x7, v3;
	v4 =	vand.u32 $0xFFFFFFF0, v61  }
0x5e7: {  	v3 =	vor.u32 v3, v4  }
0x5e8: {  	v4 =	vperm.xlane v3, v0;
	_ =	sdelay $0x1  }
0x5e9: {  	v3 =	vperm.xlane v3, v2;
	v4 =	vadd.s32 v1, v4;
	_ =	sdelay $0x1  }
0x5ea: {  	v3 =	vadd.s32 v1, v3;
	_ =	sdelay $0x1  }
0x5eb: {  	s11 =	simm.s32 $0x3800  }
0x5ec: {  	[tilespmem:s11], [sflag:$0x1] =	stream.indirect_vreg.gather [hbm4b:s5+s2], $0x80, v4, vm0, $0xb8;
	[tilespmem:$0x19000] =	vst v63  }
0x5ed: {  	s9 =	simm.s32 $0x4800  }
0x5ee: {  	[tilespmem:s9], [sflag:$0x1] =	stream.indirect_vreg.gather [hbm4b:s5+s2], $0x80, v3, vm0, $0xb8;
	[tilespmem:$0x19000] =	vst v63  }
0x5ef: {  	v3 =	vld [tilespmem:$0xFA0];
	_ =	sdelay $0x4  }
0x5f0: {  	v62 =	vshll.u32 v3, $0x1  }
0x5f1: {  	v3 =	vand.u32 $0x7, v3;
	v4 =	vand.u32 $0xFFFFFFF0, v62  }
0x5f2: {  	v3 =	vor.u32 v3, v4  }
0x5f3: {  	v4 =	vperm.xlane v3, v0;
	_ =	sdelay $0x1  }
0x5f4: {  	v3 =	vperm.xlane v3, v2;
	v4 =	vadd.s32 v1, v4;
	_ =	sdelay $0x1  }
0x5f5: {  	v3 =	vadd.s32 v1, v3;
	_ =	sdelay $0x1  }
0x5f6: {  	s12 =	simm.s32 $0x5800  }
0x5f7: {  	[tilespmem:s12], [sflag:$0x1] =	stream.indirect_vreg.gather [hbm4b:s5+s2], $0x80, v4, vm0, $0xb8;
	[tilespmem:$0x19000] =	vst v63  }
0x5f8: {  	s15 =	simm.s32 $0x6800  }
0x5f9: {  	[tilespmem:s15], [sflag:$0x1] =	stream.indirect_vreg.gather [hbm4b:s5+s2], $0x80, v3, vm0, $0xb8;
	[tilespmem:$0x19000] =	vst v63  }
0x5fa: {  	v3 =	vld [tilespmem:$0xFB0];
	_ =	sdelay $0x4  }
0x5fb: {  	v63 =	vshll.u32 v3, $0x1  }
0x5fc: {  	v3 =	vand.u32 $0x7, v3;
	v4 =	vand.u32 $0xFFFFFFF0, v63  }
0x5fd: {  	v3 =	vor.u32 v3, v4  }
0x5fe: {  	v4 =	vperm.xlane v3, v0;
	_ =	sdelay $0x1  }
0x5ff: {  	v3 =	vperm.xlane v3, v2;
	v4 =	vadd.s32 v1, v4;
	_ =	sdelay $0x1  }
0x600: {  	v3 =	vadd.s32 v1, v3;
	_ =	sdelay $0x1  }
0x601: {  	s13 =	simm.s32 $0x7800  }
0x602: {  	[tilespmem:s13], [sflag:$0x1] =	stream.indirect_vreg.gather [hbm4b:s5+s2], $0x80, v4, vm0, $0xb8;
	[tilespmem:$0x19000] =	vst v63  }
0x603: {  	s20 =	simm.s32 $0x8800  }
0x604: {  	[tilespmem:s20], [sflag:$0x1] =	stream.indirect_vreg.gather [hbm4b:s5+s2], $0x80, v3, vm0, $0xb8;
	[tilespmem:$0x19000] =	vst v63  }
0x605: {  	_ =	swait.ge [sflag:s3], $0x4000  }
0x606: {  	[sflag:s3] =	ssyncset.done $0x0  }
0x607: {  	[sflag:s3] =	ssyncadd.s32 $0xFFFFC000  }
0x608: {  	_ =	swait.ge [sflag:s3], $0x4000  }
0x609: {  	[sflag:s3] =	ssyncset.done $0x0  }
0x60a: {  	s30 =	simm.s32 $0x9000;
	s24 =	rddreg [dreg:$0x11];
	[sflag:s3] =	ssyncadd.s32 $0xFFFFC000  }
0x60b: {  	[hbm4b:s24+s2] =	stream.linear.scatter [tilespmem:s30], [sflag:$0x5], $0x8000, $0x38;
	[tilespmem:$0x19000] =	vst v63  }
0x60c: {  	_ =	swait.ge [sflag:s26], $0x4000  }
0x60d: {  	[sflag:s26] =	ssyncset.done $0x0  }
0x60e: {  	[sflag:s26] =	ssyncadd.s32 $0xFFFFC000  }
0x60f: {  	_ =	swait.ge [sflag:s26], $0x4000  }
0x610: {  	[sflag:s26] =	ssyncset.done $0x0  }
0x611: {  	s25 =	rddreg [dreg:$0x12];
	[sflag:s26] =	ssyncadd.s32 $0xFFFFC000  }
0x612: {  	[hbm4b:s25+s2] =	stream.linear.scatter [tilespmem:s23], [sflag:$0x6], $0x8000, $0x38;
	[tilespmem:$0x19000] =	vst v63  }
0x613: {  	_ =	swait.ge [sflag:s31], $0x4000  }
0x614: {  	[sflag:s31] =	ssyncset.done $0x0  }
0x615: {  	[sflag:s31] =	ssyncadd.s32 $0xFFFFC000  }
0x616: {  	_ =	swait.ge [sflag:s31], $0x4000  }
0x617: {  	[sflag:s31] =	ssyncset.done $0x0  }
0x618: {  	s30 =	rddreg [dreg:$0x13];
	[sflag:s31] =	ssyncadd.s32 $0xFFFFC000  }
0x619: {  	[hbm4b:s30+s2] =	stream.linear.scatter [tilespmem:s1], [sflag:$0x4], $0x8000, $0x38;
	[tilespmem:$0x19000] =	vst v63  }
0x61a: {  	_ =	swait.ge [sflag:s14], $0x8000  }
0x61b: {  	[sflag:s14] =	ssyncset.done $0x0  }
0x61c: {  	[sflag:s14] =	ssyncadd.s32 $0xFFFF8000  }
0x61d: {  	p0 =	sne.s32 s6, $0x1;
	_ =	swait.ge [sflag:s28], $0x8000  }
.Ltmp0:
0x61e: {  	[sflag:s28] =	ssyncset.done $0x0;
	(pc) =	sbr.rel @p0 .LBB2_1-.Ltmp0, $4  }
0x61f: {  	[sflag:s28] =	ssyncadd.s32 $0xFFFF8000  }
0x620: {  	_ =	swait.ge [sflag:s0], $0x8000  }
0x621: {  	[sflag:s0] =	ssyncset.done $0x0  }
0x622: {  	s6 =	sadd.s32 $0xFFFFFFFF, s6;
	[sflag:s0] =	ssyncadd.s32 $0xFFFF8000  }
0x623: {  	_ =	sfence.sel $0x180000  }
0x624: {  	[bflag:$0x0] =	sbarrier.arrive $0xFFFF  }
0x625: {  	_ =	strace $0x90000047  }
0x626: {  	s0 =	stileid.u32;
	[bflag:$0x2] =	sbarrier.arrive $0xFFFF  }
0x627: {  	p0 =	sne.s32 s0, $0x0;
	s0 =	rddreg [dreg:$0x2]  }
0x628: {  	s0 =	sadd.s32 @!p0 $0x100000, s0  }
0x629: {  	[sflag:s0] =	ssyncadd.tile.s32 @!p0 $0x1;
	_ =	shalt  }
.Lfunc_end2:
_tile_overlayer_lowered:
.L_overlay_start_2:
0x62a: {  	(tag) =	ssettag $0x2  }
0x62b: {  	s0 =	rddreg [dreg:$0x0];
	s2 =	stileid.u32  }
0x62c: {  	s1 =	rddreg [dreg:$0x1];
	p0 =	sne.s32 s2, $0x0  }
0x62d: {  	s3 =	rddreg [dreg:$0x2];
	[bflag:$0x3] =	sbarrier.arrive $0xFFFF;
	s2 =	simm.s32 @!p0 $0x1C07  }
0x62e: {  	[timem:s3], [sflag:s2] =	dma.local @!p0 [hbm:s0], s1  }
0x62f: {  	s0 =	simm.s32 @!p0 $0x7  }
0x630: {  	_ =	swait.ge @!p0 [sflag:s0], s1  }
0x631: {  	s1 =	ssub.s32 @!p0 $0x0, s1;
	[sflag:s0] =	ssyncset.done @!p0 $0x0  }
0x632: {  	[sflag:s0] =	ssyncadd.s32 @!p0 s1  }
0x633: {  	[bflag:$0x3] =	sbarrier.arrive $0xFFFF  }
0x634: {  	_ =	shalt  }

</sc_bundles>
